<compile_context>
chip_gen: v7x
topology: tpu7x:2x2x1
jax: 0.10.2.dev20260603
libtpu: 0.0.44.dev20260713+nightly
codegen_flags: <defaults>
</compile_context>

<pallas_src>
import functools

import jax
import jax.numpy as jnp
from jax import lax
from jax.experimental import pallas as pl
from jax.experimental.pallas import tpu as pltpu
from jax.experimental.pallas import tpu_sc as plsc

NC = 2
NS = 16
NW = NC * NS
CHUNK = 128
BLK = 400


def _ln(z, g, b, eps=1e-5):
    mu = jnp.mean(z, axis=1, keepdims=True)
    d = z - mu
    var = jnp.mean(d * d, axis=1, keepdims=True)
    return d * lax.rsqrt(var + eps) * g + b


def _dot_t(a, w):
    return lax.dot_general(a, w, (((1,), (1,)), ((), ())),
                           preferred_element_type=jnp.float32)



def _make_agg(d, np_rows, c_chunks, stage):
    r = np_rows // NS
    nbuf = 2
    assert c_chunks % nbuf == 0
    mesh = plsc.VectorSubcoreMesh(core_axis_name="c", subcore_axis_name="s")

    @functools.partial(
        pl.kernel,
        mesh=mesh,
        out_type=jax.ShapeDtypeStruct((NC, np_rows, d), jnp.float32),
        scratch_types=(
            [pltpu.VMEM((c_chunks, CHUNK), jnp.int32)] * 2
            + [pltpu.VMEM((CHUNK, d), jnp.float32)] * nbuf
            + [pltpu.VMEM_SHARED((np_rows, d), jnp.float32)] * (2 if stage
                                                                else 1)
            + [pltpu.SemaphoreType.DMA] * nbuf
        ),
        compiler_params=pltpu.CompilerParams(use_tc_tiling_on_sc=False),
    )
    def agg(y_hbm, srcb_hbm, dstb_hbm, zeros_hbm, out_hbm,
            src_v, dst_v, *rest):
        bufs = rest[:nbuf]
        acc = rest[nbuf]
        if stage:
            ysh = rest[nbuf + 1]
            sems = rest[nbuf + 2:]
        else:
            ysh = y_hbm
            sems = rest[nbuf + 1:]
        cid = lax.axis_index("c")
        sid = lax.axis_index("s")
        wid = sid * NC + cid
        pltpu.sync_copy(srcb_hbm.at[wid], src_v)
        pltpu.sync_copy(dstb_hbm.at[wid], dst_v)
        r0 = sid * r
        pltpu.sync_copy(zeros_hbm.at[pl.ds(r0, r)], acc.at[pl.ds(r0, r)])
        if stage:
            pltpu.sync_copy(y_hbm.at[pl.ds(r0, r)], ysh.at[pl.ds(r0, r)])
        plsc.subcore_barrier()

        last = c_chunks - 1
        for k in range(nbuf):
            pltpu.async_copy(ysh.at[src_v.at[k]], bufs[k], sems[k])

        def body(i, carry):
            j = nbuf * i
            for k in range(nbuf):
                pltpu.make_async_copy(
                    ysh.at[src_v.at[0]], bufs[k], sems[k]).wait()
                pltpu.sync_copy(bufs[k], acc.at[dst_v.at[j + k]], add=True)
                nxt = jnp.minimum(j + nbuf + k, last)
                pltpu.async_copy(ysh.at[src_v.at[nxt]], bufs[k], sems[k])
            return carry

        lax.fori_loop(0, c_chunks // nbuf, body, 0)
        for k in range(nbuf):
            pltpu.make_async_copy(
                ysh.at[src_v.at[0]], bufs[k], sems[k]).wait()
        plsc.subcore_barrier()
        pltpu.sync_copy(acc.at[pl.ds(r0, r)], out_hbm.at[cid, pl.ds(r0, r)])

    return agg


def _make_cnt(np_rows, c_chunks):
    r = np_rows // NS
    mesh = plsc.VectorSubcoreMesh(core_axis_name="c", subcore_axis_name="s")

    @functools.partial(
        pl.kernel,
        mesh=mesh,
        out_type=jax.ShapeDtypeStruct((NC, np_rows, 16), jnp.float32),
        scratch_types=[
            pltpu.VMEM((c_chunks, CHUNK), jnp.int32),
            pltpu.VMEM((CHUNK, 16), jnp.float32),
            pltpu.VMEM_SHARED((np_rows, 16), jnp.float32),
        ],
        compiler_params=pltpu.CompilerParams(use_tc_tiling_on_sc=False),
    )
    def cnt(dstb_hbm, zeros_hbm, ones_hbm, out_hbm, dst_v, ones_v, acc):
        cid = lax.axis_index("c")
        sid = lax.axis_index("s")
        wid = sid * NC + cid
        pltpu.sync_copy(dstb_hbm.at[wid], dst_v)
        pltpu.sync_copy(ones_hbm, ones_v)
        r0 = sid * r
        pltpu.sync_copy(zeros_hbm.at[pl.ds(r0, r)], acc.at[pl.ds(r0, r)])
        plsc.subcore_barrier()

        def body(j, carry):
            pltpu.sync_copy(ones_v, acc.at[dst_v.at[j]], add=True)
            return carry

        lax.fori_loop(0, c_chunks, body, 0)
        plsc.subcore_barrier()
        pltpu.sync_copy(acc.at[pl.ds(r0, r)], out_hbm.at[cid, pl.ds(r0, r)])

    return cnt



def _pre(x, wl1, np_rows):
    n = x.shape[0]
    dh = wl1.shape[0] // 2
    grid = (n // BLK,)

    def body(x_ref, w_ref, oa_ref, ob_ref):
        y = _dot_t(x_ref[...], w_ref[...])
        oa_ref[...] = y[:, :dh]
        ob_ref[...] = y[:, dh:]

    return pl.pallas_call(
        body,
        grid=grid,
        in_specs=[
            pl.BlockSpec((BLK, x.shape[1]), lambda i: (i, 0)),
            pl.BlockSpec(wl1.shape, lambda i: (0, 0)),
        ],
        out_specs=[pl.BlockSpec((BLK, dh), lambda i: (i, 0))] * 2,
        out_shape=[jax.ShapeDtypeStruct((np_rows, dh), jnp.float32)] * 2,
    )(x, wl1)


def _mid(h_in, ps, cr, wr, b, g, be, wl_next, first):
    n = h_in.shape[0]
    d_out = wr.shape[0]
    np_rows = ps[0].shape[1]
    grid = (n // BLK,)

    def body2(*refs):
        i = 0
        h_ref = refs[i]; i += 1
        p_refs = refs[i:i + len(ps)]; i += len(ps)
        cr_ref = refs[i]; i += 1
        wr_ref = refs[i]; i += 1
        b_ref = refs[i]; i += 1
        g_ref = refs[i]; i += 1
        be_ref = refs[i]; i += 1
        if wl_next is not None:
            wln_ref = refs[i]; i += 1
        h_out = refs[i]; i += 1
        if wl_next is not None:
            y_out = refs[i]; i += 1
        if first:
            rinv_out = refs[i]; i += 1

        parts = [pr[0] + pr[1] for pr in p_refs]
        s = parts[0] if len(parts) == 1 else jnp.concatenate(parts, axis=1)
        if first:
            cnt = cr_ref[0, :, 0:1] + cr_ref[1, :, 0:1]
            ri = 1.0 / jnp.maximum(cnt, 1.0)
        else:
            ri = cr_ref[:, 0:1]
        mean = s * ri
        z = mean + b_ref[...] + _dot_t(h_ref[...], wr_ref[...])
        h = _ln(jnp.maximum(z, 0.0), g_ref[...], be_ref[...])
        h_out[...] = h
        if wl_next is not None:
            y_out[...] = _dot_t(h, wln_ref[...])
        if first:
            rinv_out[...] = jnp.broadcast_to(ri, (BLK, 16))

    in_specs = [pl.BlockSpec((BLK, h_in.shape[1]), lambda i: (i, 0))]
    in_specs += [pl.BlockSpec((NC, BLK, pp.shape[2]), lambda i: (0, i, 0))
                 for pp in ps]
    operands = [h_in] + list(ps)
    if first:
        in_specs.append(pl.BlockSpec((NC, BLK, 16), lambda i: (0, i, 0)))
    else:
        in_specs.append(pl.BlockSpec((BLK, 16), lambda i: (i, 0)))
    operands.append(cr)
    in_specs += [
        pl.BlockSpec(wr.shape, lambda i: (0, 0)),
        pl.BlockSpec((1, d_out), lambda i: (0, 0)),
        pl.BlockSpec((1, d_out), lambda i: (0, 0)),
        pl.BlockSpec((1, d_out), lambda i: (0, 0)),
    ]
    operands += [wr, b.reshape(1, -1), g.reshape(1, -1), be.reshape(1, -1)]
    if wl_next is not None:
        in_specs.append(pl.BlockSpec(wl_next.shape, lambda i: (0, 0)))
        operands.append(wl_next)

    out_specs = [pl.BlockSpec((BLK, d_out), lambda i: (i, 0))]
    out_shape = [jax.ShapeDtypeStruct((n, d_out), jnp.float32)]
    if wl_next is not None:
        out_specs.append(pl.BlockSpec((BLK, wl_next.shape[0]), lambda i: (i, 0)))
        out_shape.append(jax.ShapeDtypeStruct((np_rows, wl_next.shape[0]),
                                              jnp.float32))
    if first:
        out_specs.append(pl.BlockSpec((BLK, 16), lambda i: (i, 0)))
        out_shape.append(jax.ShapeDtypeStruct((n, 16), jnp.float32))

    return pl.pallas_call(
        body2,
        grid=grid,
        in_specs=in_specs,
        out_specs=out_specs,
        out_shape=out_shape,
    )(*operands)



def kernel(x, edge_index, Wl1, Wr1, b1, g1, be1,
           Wl2, Wr2, b2, g2, be2, Wl3, Wr3, b3, g3, be3):
    n = x.shape[0]
    e = edge_index.shape[1]
    c_chunks = 8 * -(-e // (NW * CHUNK * 8))
    e_pad = NW * c_chunks * CHUNK
    r = -(-(n + 1) // (NS * 8)) * 8
    np_rows = NS * r

    ei = edge_index.astype(jnp.int32)
    src = jnp.concatenate([ei[0], jnp.zeros((e_pad - e,), jnp.int32)])
    dst = jnp.concatenate([ei[1], jnp.full((e_pad - e,), n, jnp.int32)])
    srcb = src.reshape(NW, c_chunks, CHUNK)
    dstb = dst.reshape(NW, c_chunks, CHUNK)

    d23 = Wl2.shape[0]
    z23 = jnp.zeros((np_rows, d23), jnp.float32)
    z16 = jnp.zeros((np_rows, 16), jnp.float32)
    ones16 = jnp.ones((CHUNK, 16), jnp.float32)

    agg64 = _make_agg(d23, np_rows, c_chunks, True)
    cntk = _make_cnt(np_rows, c_chunks)

    cntp = cntk(dstb, z16, ones16)
    y1a, y1b = _pre(x, Wl1, np_rows)
    p1a = agg64(y1a, srcb, dstb, z23)
    p1b = agg64(y1b, srcb, dstb, z23)
    h1, y2, rinv = _mid(x, [p1a, p1b], cntp, Wr1, b1, g1, be1, Wl2, True)
    p2 = agg64(y2, srcb, dstb, z23)
    h2, y3 = _mid(h1, [p2], rinv, Wr2, b2, g2, be2, Wl3, False)
    p3 = agg64(y3, srcb, dstb, z23)
    (h3,) = _mid(h2, [p3], rinv, Wr3, b3, g3, be3, None, False)
    return h3

# --- scband reference (transcript-rebuilt; emitter-appended) ---
"""Pipeline reference for scband-mbgcn-7430293422684 (READ-ONLY COPY).

The authoritative reference and input builder live on the scoring server;
editing this copy changes nothing except your own understanding.
"""

import jax, jax.numpy as jnp
import numpy as np

N = 10000
E = 160000

def setup_inputs(seed: int = 0) -> dict:
    key = jax.random.key(seed)
    ks = jax.random.split(key, 20)
    x = jax.random.normal(ks[0], (N, 256), dtype=jnp.float32)
    edge_index = jax.random.randint(ks[1], (2, E), 0, N, dtype=jnp.int64)
    def w(k, o, i):
        return jax.random.normal(k, (o, i), dtype=jnp.float32) * (1.0 / np.sqrt(i))
    params = {
        'Wl1': w(ks[2], 128, 256), 'Wr1': w(ks[3], 128, 256), 'b1': jnp.zeros((128,), jnp.float32),
        'g1': jnp.ones((128,), jnp.float32), 'be1': jnp.zeros((128,), jnp.float32),
        'Wl2': w(ks[4], 64, 128), 'Wr2': w(ks[5], 64, 128), 'b2': jnp.zeros((64,), jnp.float32),
        'g2': jnp.ones((64,), jnp.float32), 'be2': jnp.zeros((64,), jnp.float32),
        'Wl3': w(ks[6], 64, 64), 'Wr3': w(ks[7], 64, 64), 'b3': jnp.zeros((64,), jnp.float32),
        'g3': jnp.ones((64,), jnp.float32), 'be3': jnp.zeros((64,), jnp.float32),
    }
    out = {'x': x, 'edge_index': edge_index}
    out.update(params)
    return out

def _sage(x, edge_index, Wl, Wr, b):
    # PyG SAGEConv with mean aggregation (eval mode, dropout off):
    # out = lin_l(mean_{j in N(i)} x_j) + lin_r(x_i)
    src = edge_index[0]
    dst = edge_index[1]
    msg = jnp.take(x, src, axis=0)
    sums = jax.ops.segment_sum(msg, dst, num_segments=x.shape[0])
    cnt = jax.ops.segment_sum(jnp.ones((edge_index.shape[1],), x.dtype), dst, num_segments=x.shape[0])
    mean = sums / jnp.clip(cnt, 1.0)[:, None]
    return mean @ Wl.T + b + x @ Wr.T

def _layernorm(x, g, b, eps=1e-5):
    mu = jnp.mean(x, axis=-1, keepdims=True)
    var = jnp.var(x, axis=-1, keepdims=True)
    return (x - mu) / jnp.sqrt(var + eps) * g + b

def reference(x, edge_index, Wl1, Wr1, b1, g1, be1, Wl2, Wr2, b2, g2, be2, Wl3, Wr3, b3, g3, be3):
    h = _sage(x, edge_index, Wl1, Wr1, b1)
    h = _layernorm(jax.nn.relu(h), g1, be1)
    h = _sage(h, edge_index, Wl2, Wr2, b2)
    h = _layernorm(jax.nn.relu(h), g2, be2)
    h = _sage(h, edge_index, Wl3, Wr3, b3)
    h = _layernorm(jax.nn.relu(h), g3, be3)
    return h

if __name__ == "__main__":
    import jax
    _d = setup_inputs()
    print(jax.jit(kernel)(*tuple(_d.values())))

</pallas_src>

<mosaic_0001>
#map = affine_map<(d0, d1) -> (0, 0)>
#map1 = affine_map<(d0, d1) -> (0, 0, 0)>
module attributes {stable_mosaic.version = 14 : i64} {
  func.func @agg(%arg0: i32, %arg1: i32, %arg2: memref<10112x64xf32, #tpu.memory_space<hbm>>, %arg3: memref<32x40x128xi32, #tpu.memory_space<hbm>>, %arg4: memref<32x40x128xi32, #tpu.memory_space<hbm>>, %arg5: memref<10112x64xf32, #tpu.memory_space<hbm>>, %arg6: memref<2x10112x64xf32, #tpu.memory_space<hbm>>, %arg7: memref<40x128xi32, #tpu.memory_space<vmem>>, %arg8: memref<40x128xi32, #tpu.memory_space<vmem>>, %arg9: memref<128x64xf32, #tpu.memory_space<vmem>>, %arg10: memref<128x64xf32, #tpu.memory_space<vmem>>, %arg11: memref<10112x64xf32, #tpu.memory_space<vmem_shared>>, %arg12: memref<10112x64xf32, #tpu.memory_space<vmem_shared>>, %arg13: memref<!tpu.dma_semaphore, #tpu.memory_space<semaphore_mem>>, %arg14: memref<!tpu.dma_semaphore, #tpu.memory_space<semaphore_mem>>) attributes {dimension_semantics = [#tpu.dimension_semantics<core_parallel>, #tpu.dimension_semantics<subcore_parallel>], iteration_bounds = array<i64: 2, 16>, scalar_prefetch = 0 : i64, scratch_operands = 8 : i64, tpu.core_type = #tpu.core_type<sc_vector_subcore>, window_params = [{transform_indices = #map}, {transform_indices = #map1}, {transform_indices = #map1}, {transform_indices = #map}, {transform_indices = #map1}]} {
    %mul3A = arith.constant 2 : i32
    %mul3A_0 = arith.muli %arg1, %mul3A : i32
    %add3A = arith.addi %mul3A_0, %arg0 : i32
    "tpu.region"() ({
      %run_scoped3A = tpu.sem_alloc : memref<!tpu.dma_semaphore, #tpu.memory_space<semaphore_mem>>
      %dma_start3A_35 = arith.constant 0 : i32
      %dma_start3A_36 = arith.constant 0 : i32
      %dma_start3A_37 = tpu.memref_slice %arg3[%add3A, %dma_start3A_35, %dma_start3A_36] : memref<32x40x128xi32, #tpu.memory_space<hbm>> -> memref<1x40x128xi32, #tpu.memory_space<hbm>>
      %dma_start3A_38 = tpu.memref_squeeze %dma_start3A_37 : memref<1x40x128xi32, #tpu.memory_space<hbm>> -> memref<40x128xi32, #tpu.memory_space<hbm>>
      %dma_start3A_39 = arith.constant 0 : i32
      %dma_start3A_40 = arith.constant 0 : i32
      %dma_start3A_41 = tpu.memref_slice %arg3[%add3A, %dma_start3A_39, %dma_start3A_40] : memref<32x40x128xi32, #tpu.memory_space<hbm>> -> memref<1x40x128xi32, #tpu.memory_space<hbm>>
      %dma_start3A_42 = tpu.memref_squeeze %dma_start3A_41 : memref<1x40x128xi32, #tpu.memory_space<hbm>> -> memref<40x128xi32, #tpu.memory_space<hbm>>
      tpu.enqueue_dma source(%dma_start3A_42 : memref<40x128xi32, #tpu.memory_space<hbm>>) target(%arg7 : memref<40x128xi32, #tpu.memory_space<vmem>>) target_semaphore(%run_scoped3A : memref<!tpu.dma_semaphore, #tpu.memory_space<semaphore_mem>>)
      %dma_wait3A_43 = arith.constant 0 : i32
      %dma_wait3A_44 = arith.constant 0 : i32
      %dma_wait3A_45 = tpu.memref_slice %arg3[%add3A, %dma_wait3A_43, %dma_wait3A_44] : memref<32x40x128xi32, #tpu.memory_space<hbm>> -> memref<1x40x128xi32, #tpu.memory_space<hbm>>
      %dma_wait3A_46 = tpu.memref_squeeze %dma_wait3A_45 : memref<1x40x128xi32, #tpu.memory_space<hbm>> -> memref<40x128xi32, #tpu.memory_space<hbm>>
      %dma_wait3A_47 = arith.constant 0 : i32
      %dma_wait3A_48 = arith.constant 0 : i32
      %dma_wait3A_49 = tpu.memref_slice %arg3[%add3A, %dma_wait3A_47, %dma_wait3A_48] : memref<32x40x128xi32, #tpu.memory_space<hbm>> -> memref<1x40x128xi32, #tpu.memory_space<hbm>>
      %dma_wait3A_50 = tpu.memref_squeeze %dma_wait3A_49 : memref<1x40x128xi32, #tpu.memory_space<hbm>> -> memref<40x128xi32, #tpu.memory_space<hbm>>
      tpu.wait_dma2 semaphore(%run_scoped3A : memref<!tpu.dma_semaphore, #tpu.memory_space<semaphore_mem>>) src(%dma_wait3A_50 : memref<40x128xi32, #tpu.memory_space<hbm>>) dst(%arg7 : memref<40x128xi32, #tpu.memory_space<vmem>>)
      tpu.yield
    }) : () -> ()
    "tpu.region"() ({
      %run_scoped3A = tpu.sem_alloc : memref<!tpu.dma_semaphore, #tpu.memory_space<semaphore_mem>>
      %dma_start3A_35 = arith.constant 0 : i32
      %dma_start3A_36 = arith.constant 0 : i32
      %dma_start3A_37 = tpu.memref_slice %arg4[%add3A, %dma_start3A_35, %dma_start3A_36] : memref<32x40x128xi32, #tpu.memory_space<hbm>> -> memref<1x40x128xi32, #tpu.memory_space<hbm>>
      %dma_start3A_38 = tpu.memref_squeeze %dma_start3A_37 : memref<1x40x128xi32, #tpu.memory_space<hbm>> -> memref<40x128xi32, #tpu.memory_space<hbm>>
      %dma_start3A_39 = arith.constant 0 : i32
      %dma_start3A_40 = arith.constant 0 : i32
      %dma_start3A_41 = tpu.memref_slice %arg4[%add3A, %dma_start3A_39, %dma_start3A_40] : memref<32x40x128xi32, #tpu.memory_space<hbm>> -> memref<1x40x128xi32, #tpu.memory_space<hbm>>
      %dma_start3A_42 = tpu.memref_squeeze %dma_start3A_41 : memref<1x40x128xi32, #tpu.memory_space<hbm>> -> memref<40x128xi32, #tpu.memory_space<hbm>>
      tpu.enqueue_dma source(%dma_start3A_42 : memref<40x128xi32, #tpu.memory_space<hbm>>) target(%arg8 : memref<40x128xi32, #tpu.memory_space<vmem>>) target_semaphore(%run_scoped3A : memref<!tpu.dma_semaphore, #tpu.memory_space<semaphore_mem>>)
      %dma_wait3A_43 = arith.constant 0 : i32
      %dma_wait3A_44 = arith.constant 0 : i32
      %dma_wait3A_45 = tpu.memref_slice %arg4[%add3A, %dma_wait3A_43, %dma_wait3A_44] : memref<32x40x128xi32, #tpu.memory_space<hbm>> -> memref<1x40x128xi32, #tpu.memory_space<hbm>>
      %dma_wait3A_46 = tpu.memref_squeeze %dma_wait3A_45 : memref<1x40x128xi32, #tpu.memory_space<hbm>> -> memref<40x128xi32, #tpu.memory_space<hbm>>
      %dma_wait3A_47 = arith.constant 0 : i32
      %dma_wait3A_48 = arith.constant 0 : i32
      %dma_wait3A_49 = tpu.memref_slice %arg4[%add3A, %dma_wait3A_47, %dma_wait3A_48] : memref<32x40x128xi32, #tpu.memory_space<hbm>> -> memref<1x40x128xi32, #tpu.memory_space<hbm>>
      %dma_wait3A_50 = tpu.memref_squeeze %dma_wait3A_49 : memref<1x40x128xi32, #tpu.memory_space<hbm>> -> memref<40x128xi32, #tpu.memory_space<hbm>>
      tpu.wait_dma2 semaphore(%run_scoped3A : memref<!tpu.dma_semaphore, #tpu.memory_space<semaphore_mem>>) src(%dma_wait3A_50 : memref<40x128xi32, #tpu.memory_space<hbm>>) dst(%arg8 : memref<40x128xi32, #tpu.memory_space<vmem>>)
      tpu.yield
    }) : () -> ()
    %mul3A_1 = arith.constant 632 : i32
    %mul3A_2 = arith.muli %arg1, %mul3A_1 : i32
    "tpu.region"() ({
      %run_scoped3A = tpu.sem_alloc : memref<!tpu.dma_semaphore, #tpu.memory_space<semaphore_mem>>
      %dma_start3A_35 = arith.constant 0 : i32
      %dma_start3A_36 = tpu.memref_slice %arg11[%mul3A_2, %dma_start3A_35] : memref<10112x64xf32, #tpu.memory_space<vmem_shared>> -> memref<632x64xf32, #tpu.memory_space<vmem_shared>>
      %dma_start3A_37 = arith.constant 0 : i32
      %dma_start3A_38 = tpu.memref_slice %arg5[%mul3A_2, %dma_start3A_37] : memref<10112x64xf32, #tpu.memory_space<hbm>> -> memref<632x64xf32, #tpu.memory_space<hbm>>
      tpu.enqueue_dma source(%dma_start3A_38 : memref<632x64xf32, #tpu.memory_space<hbm>>) target(%dma_start3A_36 : memref<632x64xf32, #tpu.memory_space<vmem_shared>>) target_semaphore(%run_scoped3A : memref<!tpu.dma_semaphore, #tpu.memory_space<semaphore_mem>>)
      %dma_wait3A_39 = arith.constant 0 : i32
      %dma_wait3A_40 = tpu.memref_slice %arg11[%mul3A_2, %dma_wait3A_39] : memref<10112x64xf32, #tpu.memory_space<vmem_shared>> -> memref<632x64xf32, #tpu.memory_space<vmem_shared>>
      %dma_wait3A_41 = arith.constant 0 : i32
      %dma_wait3A_42 = tpu.memref_slice %arg5[%mul3A_2, %dma_wait3A_41] : memref<10112x64xf32, #tpu.memory_space<hbm>> -> memref<632x64xf32, #tpu.memory_space<hbm>>
      tpu.wait_dma2 semaphore(%run_scoped3A : memref<!tpu.dma_semaphore, #tpu.memory_space<semaphore_mem>>) src(%dma_wait3A_42 : memref<632x64xf32, #tpu.memory_space<hbm>>) dst(%dma_wait3A_40 : memref<632x64xf32, #tpu.memory_space<vmem_shared>>)
      tpu.yield
    }) : () -> ()
    "tpu.region"() ({
      %run_scoped3A = tpu.sem_alloc : memref<!tpu.dma_semaphore, #tpu.memory_space<semaphore_mem>>
      %dma_start3A_35 = arith.constant 0 : i32
      %dma_start3A_36 = tpu.memref_slice %arg12[%mul3A_2, %dma_start3A_35] : memref<10112x64xf32, #tpu.memory_space<vmem_shared>> -> memref<632x64xf32, #tpu.memory_space<vmem_shared>>
      %dma_start3A_37 = arith.constant 0 : i32
      %dma_start3A_38 = tpu.memref_slice %arg2[%mul3A_2, %dma_start3A_37] : memref<10112x64xf32, #tpu.memory_space<hbm>> -> memref<632x64xf32, #tpu.memory_space<hbm>>
      tpu.enqueue_dma source(%dma_start3A_38 : memref<632x64xf32, #tpu.memory_space<hbm>>) target(%dma_start3A_36 : memref<632x64xf32, #tpu.memory_space<vmem_shared>>) target_semaphore(%run_scoped3A : memref<!tpu.dma_semaphore, #tpu.memory_space<semaphore_mem>>)
      %dma_wait3A_39 = arith.constant 0 : i32
      %dma_wait3A_40 = tpu.memref_slice %arg12[%mul3A_2, %dma_wait3A_39] : memref<10112x64xf32, #tpu.memory_space<vmem_shared>> -> memref<632x64xf32, #tpu.memory_space<vmem_shared>>
      %dma_wait3A_41 = arith.constant 0 : i32
      %dma_wait3A_42 = tpu.memref_slice %arg2[%mul3A_2, %dma_wait3A_41] : memref<10112x64xf32, #tpu.memory_space<hbm>> -> memref<632x64xf32, #tpu.memory_space<hbm>>
      tpu.wait_dma2 semaphore(%run_scoped3A : memref<!tpu.dma_semaphore, #tpu.memory_space<semaphore_mem>>) src(%dma_wait3A_42 : memref<632x64xf32, #tpu.memory_space<hbm>>) dst(%dma_wait3A_40 : memref<632x64xf32, #tpu.memory_space<vmem_shared>>)
      tpu.yield
    }) : () -> ()
    %barrier3A = arith.constant 0 : index
    tpu.barrier barrier_id(%barrier3A)
    %dma_start3A = arith.constant 0 : i32
    %dma_start3A_3 = arith.constant 0 : i32
    %dma_start3A_4 = tpu.memref_slice %arg7[%dma_start3A, %dma_start3A_3] : memref<40x128xi32, #tpu.memory_space<vmem>> -> memref<1x128xi32, #tpu.memory_space<vmem>>
    %dma_start3A_5 = tpu.memref_squeeze %dma_start3A_4 : memref<1x128xi32, #tpu.memory_space<vmem>> -> memref<128xi32, #tpu.memory_space<vmem>>
    %dma_start3A_6 = arith.constant 0 : i32
    %dma_start3A_7 = arith.constant 0 : i32
    %dma_start3A_8 = tpu.memref_slice %arg12[%dma_start3A_6, %dma_start3A_7] : memref<10112x64xf32, #tpu.memory_space<vmem_shared>> -> memref<10112x64xf32, #tpu.memory_space<vmem_shared>>
    tpu.enqueue_indirect_dma source(%dma_start3A_8 : memref<10112x64xf32, #tpu.memory_space<vmem_shared>>) target(%arg9 : memref<128x64xf32, #tpu.memory_space<vmem>>) offsets(%dma_start3A_5 : memref<128xi32, #tpu.memory_space<vmem>>) semaphore(%arg13 : memref<!tpu.dma_semaphore, #tpu.memory_space<semaphore_mem>>)
    %dma_start3A_9 = arith.constant 1 : i32
    %dma_start3A_10 = arith.constant 0 : i32
    %dma_start3A_11 = tpu.memref_slice %arg7[%dma_start3A_9, %dma_start3A_10] : memref<40x128xi32, #tpu.memory_space<vmem>> -> memref<1x128xi32, #tpu.memory_space<vmem>>
    %dma_start3A_12 = tpu.memref_squeeze %dma_start3A_11 : memref<1x128xi32, #tpu.memory_space<vmem>> -> memref<128xi32, #tpu.memory_space<vmem>>
    %dma_start3A_13 = arith.constant 0 : i32
    %dma_start3A_14 = arith.constant 0 : i32
    %dma_start3A_15 = tpu.memref_slice %arg12[%dma_start3A_13, %dma_start3A_14] : memref<10112x64xf32, #tpu.memory_space<vmem_shared>> -> memref<10112x64xf32, #tpu.memory_space<vmem_shared>>
    tpu.enqueue_indirect_dma source(%dma_start3A_15 : memref<10112x64xf32, #tpu.memory_space<vmem_shared>>) target(%arg10 : memref<128x64xf32, #tpu.memory_space<vmem>>) offsets(%dma_start3A_12 : memref<128xi32, #tpu.memory_space<vmem>>) semaphore(%arg14 : memref<!tpu.dma_semaphore, #tpu.memory_space<semaphore_mem>>)
    %scan3A = arith.constant 0 : i32
    %scan3A_16 = arith.constant 0 : i32
    %scan3A_17 = arith.constant 20 : i32
    %scan3A_18 = arith.addi %scan3A_16, %scan3A_17 : i32
    %scan3A_19 = arith.constant 1 : i32
    scf.for %scan3A_35 = %scan3A_16 to %scan3A_18 step %scan3A_19  : i32 {
      %mul3A_36 = arith.constant 2 : i32
      %mul3A_37 = arith.muli %mul3A_36, %scan3A_35 : i32
      %dma_wait3A_38 = arith.constant 0 : i32
      %dma_wait3A_39 = arith.constant 0 : i32
      %dma_wait3A_40 = tpu.memref_slice %arg7[%dma_wait3A_38, %dma_wait3A_39] : memref<40x128xi32, #tpu.memory_space<vmem>> -> memref<1x128xi32, #tpu.memory_space<vmem>>
      %dma_wait3A_41 = tpu.memref_squeeze %dma_wait3A_40 : memref<1x128xi32, #tpu.memory_space<vmem>> -> memref<128xi32, #tpu.memory_space<vmem>>
      %dma_wait3A_42 = arith.constant 0 : i32
      %dma_wait3A_43 = arith.constant 0 : i32
      %dma_wait3A_44 = tpu.memref_slice %arg12[%dma_wait3A_42, %dma_wait3A_43] : memref<10112x64xf32, #tpu.memory_space<vmem_shared>> -> memref<10112x64xf32, #tpu.memory_space<vmem_shared>>
      tpu.wait_indirect_dma semaphore(%arg13 : memref<!tpu.dma_semaphore, #tpu.memory_space<semaphore_mem>>) src(%dma_wait3A_44 : memref<10112x64xf32, #tpu.memory_space<vmem_shared>>) dst(%arg9 : memref<128x64xf32, #tpu.memory_space<vmem>>)
      %add3A_45 = arith.constant 0 : i32
      %add3A_46 = arith.addi %mul3A_37, %add3A_45 : i32
      "tpu.region"() ({
        %run_scoped3A = tpu.sem_alloc : memref<!tpu.dma_semaphore, #tpu.memory_space<semaphore_mem>>
        %dma_start3A_79 = arith.constant 0 : i32
        %dma_start3A_80 = tpu.memref_slice %arg8[%add3A_46, %dma_start3A_79] : memref<40x128xi32, #tpu.memory_space<vmem>> -> memref<1x128xi32, #tpu.memory_space<vmem>>
        %dma_start3A_81 = tpu.memref_squeeze %dma_start3A_80 : memref<1x128xi32, #tpu.memory_space<vmem>> -> memref<128xi32, #tpu.memory_space<vmem>>
        %dma_start3A_82 = arith.constant 0 : i32
        %dma_start3A_83 = arith.constant 0 : i32
        %dma_start3A_84 = tpu.memref_slice %arg11[%dma_start3A_82, %dma_start3A_83] : memref<10112x64xf32, #tpu.memory_space<vmem_shared>> -> memref<10112x64xf32, #tpu.memory_space<vmem_shared>>
        tpu.enqueue_indirect_dma source(%arg9 : memref<128x64xf32, #tpu.memory_space<vmem>>) target(%dma_start3A_84 : memref<10112x64xf32, #tpu.memory_space<vmem_shared>>) offsets(%dma_start3A_81 : memref<128xi32, #tpu.memory_space<vmem>>) semaphore(%run_scoped3A : memref<!tpu.dma_semaphore, #tpu.memory_space<semaphore_mem>>) {add = true}
        %dma_wait3A_85 = arith.constant 0 : i32
        %dma_wait3A_86 = tpu.memref_slice %arg8[%add3A_46, %dma_wait3A_85] : memref<40x128xi32, #tpu.memory_space<vmem>> -> memref<1x128xi32, #tpu.memory_space<vmem>>
        %dma_wait3A_87 = tpu.memref_squeeze %dma_wait3A_86 : memref<1x128xi32, #tpu.memory_space<vmem>> -> memref<128xi32, #tpu.memory_space<vmem>>
        %dma_wait3A_88 = arith.constant 0 : i32
        %dma_wait3A_89 = arith.constant 0 : i32
        %dma_wait3A_90 = tpu.memref_slice %arg11[%dma_wait3A_88, %dma_wait3A_89] : memref<10112x64xf32, #tpu.memory_space<vmem_shared>> -> memref<10112x64xf32, #tpu.memory_space<vmem_shared>>
        tpu.wait_indirect_dma semaphore(%run_scoped3A : memref<!tpu.dma_semaphore, #tpu.memory_space<semaphore_mem>>) src(%arg9 : memref<128x64xf32, #tpu.memory_space<vmem>>) dst(%dma_wait3A_90 : memref<10112x64xf32, #tpu.memory_space<vmem_shared>>)
        tpu.yield
      }) : () -> ()
      %add3A_47 = arith.constant 2 : i32
      %add3A_48 = arith.addi %mul3A_37, %add3A_47 : i32
      %add3A_49 = arith.constant 0 : i32
      %add3A_50 = arith.addi %add3A_48, %add3A_49 : i32
      %min3A = arith.constant 39 : i32
      %min3A_51 = arith.minsi %add3A_50, %min3A : i32
      %dma_start3A_52 = arith.constant 0 : i32
      %dma_start3A_53 = tpu.memref_slice %arg7[%min3A_51, %dma_start3A_52] : memref<40x128xi32, #tpu.memory_space<vmem>> -> memref<1x128xi32, #tpu.memory_space<vmem>>
      %dma_start3A_54 = tpu.memref_squeeze %dma_start3A_53 : memref<1x128xi32, #tpu.memory_space<vmem>> -> memref<128xi32, #tpu.memory_space<vmem>>
      %dma_start3A_55 = arith.constant 0 : i32
      %dma_start3A_56 = arith.constant 0 : i32
      %dma_start3A_57 = tpu.memref_slice %arg12[%dma_start3A_55, %dma_start3A_56] : memref<10112x64xf32, #tpu.memory_space<vmem_shared>> -> memref<10112x64xf32, #tpu.memory_space<vmem_shared>>
      tpu.enqueue_indirect_dma source(%dma_start3A_57 : memref<10112x64xf32, #tpu.memory_space<vmem_shared>>) target(%arg9 : memref<128x64xf32, #tpu.memory_space<vmem>>) offsets(%dma_start3A_54 : memref<128xi32, #tpu.memory_space<vmem>>) semaphore(%arg13 : memref<!tpu.dma_semaphore, #tpu.memory_space<semaphore_mem>>)
      %dma_wait3A_58 = arith.constant 0 : i32
      %dma_wait3A_59 = arith.constant 0 : i32
      %dma_wait3A_60 = tpu.memref_slice %arg7[%dma_wait3A_58, %dma_wait3A_59] : memref<40x128xi32, #tpu.memory_space<vmem>> -> memref<1x128xi32, #tpu.memory_space<vmem>>
      %dma_wait3A_61 = tpu.memref_squeeze %dma_wait3A_60 : memref<1x128xi32, #tpu.memory_space<vmem>> -> memref<128xi32, #tpu.memory_space<vmem>>
      %dma_wait3A_62 = arith.constant 0 : i32
      %dma_wait3A_63 = arith.constant 0 : i32
      %dma_wait3A_64 = tpu.memref_slice %arg12[%dma_wait3A_62, %dma_wait3A_63] : memref<10112x64xf32, #tpu.memory_space<vmem_shared>> -> memref<10112x64xf32, #tpu.memory_space<vmem_shared>>
      tpu.wait_indirect_dma semaphore(%arg14 : memref<!tpu.dma_semaphore, #tpu.memory_space<semaphore_mem>>) src(%dma_wait3A_64 : memref<10112x64xf32, #tpu.memory_space<vmem_shared>>) dst(%arg10 : memref<128x64xf32, #tpu.memory_space<vmem>>)
      %add3A_65 = arith.constant 1 : i32
      %add3A_66 = arith.addi %mul3A_37, %add3A_65 : i32
      "tpu.region"() ({
        %run_scoped3A = tpu.sem_alloc : memref<!tpu.dma_semaphore, #tpu.memory_space<semaphore_mem>>
        %dma_start3A_79 = arith.constant 0 : i32
        %dma_start3A_80 = tpu.memref_slice %arg8[%add3A_66, %dma_start3A_79] : memref<40x128xi32, #tpu.memory_space<vmem>> -> memref<1x128xi32, #tpu.memory_space<vmem>>
        %dma_start3A_81 = tpu.memref_squeeze %dma_start3A_80 : memref<1x128xi32, #tpu.memory_space<vmem>> -> memref<128xi32, #tpu.memory_space<vmem>>
        %dma_start3A_82 = arith.constant 0 : i32
        %dma_start3A_83 = arith.constant 0 : i32
        %dma_start3A_84 = tpu.memref_slice %arg11[%dma_start3A_82, %dma_start3A_83] : memref<10112x64xf32, #tpu.memory_space<vmem_shared>> -> memref<10112x64xf32, #tpu.memory_space<vmem_shared>>
        tpu.enqueue_indirect_dma source(%arg10 : memref<128x64xf32, #tpu.memory_space<vmem>>) target(%dma_start3A_84 : memref<10112x64xf32, #tpu.memory_space<vmem_shared>>) offsets(%dma_start3A_81 : memref<128xi32, #tpu.memory_space<vmem>>) semaphore(%run_scoped3A : memref<!tpu.dma_semaphore, #tpu.memory_space<semaphore_mem>>) {add = true}
        %dma_wait3A_85 = arith.constant 0 : i32
        %dma_wait3A_86 = tpu.memref_slice %arg8[%add3A_66, %dma_wait3A_85] : memref<40x128xi32, #tpu.memory_space<vmem>> -> memref<1x128xi32, #tpu.memory_space<vmem>>
        %dma_wait3A_87 = tpu.memref_squeeze %dma_wait3A_86 : memref<1x128xi32, #tpu.memory_space<vmem>> -> memref<128xi32, #tpu.memory_space<vmem>>
        %dma_wait3A_88 = arith.constant 0 : i32
        %dma_wait3A_89 = arith.constant 0 : i32
        %dma_wait3A_90 = tpu.memref_slice %arg11[%dma_wait3A_88, %dma_wait3A_89] : memref<10112x64xf32, #tpu.memory_space<vmem_shared>> -> memref<10112x64xf32, #tpu.memory_space<vmem_shared>>
        tpu.wait_indirect_dma semaphore(%run_scoped3A : memref<!tpu.dma_semaphore, #tpu.memory_space<semaphore_mem>>) src(%arg10 : memref<128x64xf32, #tpu.memory_space<vmem>>) dst(%dma_wait3A_90 : memref<10112x64xf32, #tpu.memory_space<vmem_shared>>)
        tpu.yield
      }) : () -> ()
      %add3A_67 = arith.constant 2 : i32
      %add3A_68 = arith.addi %mul3A_37, %add3A_67 : i32
      %add3A_69 = arith.constant 1 : i32
      %add3A_70 = arith.addi %add3A_68, %add3A_69 : i32
      %min3A_71 = arith.constant 39 : i32
      %min3A_72 = arith.minsi %add3A_70, %min3A_71 : i32
      %dma_start3A_73 = arith.constant 0 : i32
      %dma_start3A_74 = tpu.memref_slice %arg7[%min3A_72, %dma_start3A_73] : memref<40x128xi32, #tpu.memory_space<vmem>> -> memref<1x128xi32, #tpu.memory_space<vmem>>
      %dma_start3A_75 = tpu.memref_squeeze %dma_start3A_74 : memref<1x128xi32, #tpu.memory_space<vmem>> -> memref<128xi32, #tpu.memory_space<vmem>>
      %dma_start3A_76 = arith.constant 0 : i32
      %dma_start3A_77 = arith.constant 0 : i32
      %dma_start3A_78 = tpu.memref_slice %arg12[%dma_start3A_76, %dma_start3A_77] : memref<10112x64xf32, #tpu.memory_space<vmem_shared>> -> memref<10112x64xf32, #tpu.memory_space<vmem_shared>>
      tpu.enqueue_indirect_dma source(%dma_start3A_78 : memref<10112x64xf32, #tpu.memory_space<vmem_shared>>) target(%arg10 : memref<128x64xf32, #tpu.memory_space<vmem>>) offsets(%dma_start3A_75 : memref<128xi32, #tpu.memory_space<vmem>>) semaphore(%arg14 : memref<!tpu.dma_semaphore, #tpu.memory_space<semaphore_mem>>)
    }
    %scan3A_20 = arith.constant 20 : i32
    %dma_wait3A = arith.constant 0 : i32
    %dma_wait3A_21 = arith.constant 0 : i32
    %dma_wait3A_22 = tpu.memref_slice %arg7[%dma_wait3A, %dma_wait3A_21] : memref<40x128xi32, #tpu.memory_space<vmem>> -> memref<1x128xi32, #tpu.memory_space<vmem>>
    %dma_wait3A_23 = tpu.memref_squeeze %dma_wait3A_22 : memref<1x128xi32, #tpu.memory_space<vmem>> -> memref<128xi32, #tpu.memory_space<vmem>>
    %dma_wait3A_24 = arith.constant 0 : i32
    %dma_wait3A_25 = arith.constant 0 : i32
    %dma_wait3A_26 = tpu.memref_slice %arg12[%dma_wait3A_24, %dma_wait3A_25] : memref<10112x64xf32, #tpu.memory_space<vmem_shared>> -> memref<10112x64xf32, #tpu.memory_space<vmem_shared>>
    tpu.wait_indirect_dma semaphore(%arg13 : memref<!tpu.dma_semaphore, #tpu.memory_space<semaphore_mem>>) src(%dma_wait3A_26 : memref<10112x64xf32, #tpu.memory_space<vmem_shared>>) dst(%arg9 : memref<128x64xf32, #tpu.memory_space<vmem>>)
    %dma_wait3A_27 = arith.constant 0 : i32
    %dma_wait3A_28 = arith.constant 0 : i32
    %dma_wait3A_29 = tpu.memref_slice %arg7[%dma_wait3A_27, %dma_wait3A_28] : memref<40x128xi32, #tpu.memory_space<vmem>> -> memref<1x128xi32, #tpu.memory_space<vmem>>
    %dma_wait3A_30 = tpu.memref_squeeze %dma_wait3A_29 : memref<1x128xi32, #tpu.memory_space<vmem>> -> memref<128xi32, #tpu.memory_space<vmem>>
    %dma_wait3A_31 = arith.constant 0 : i32
    %dma_wait3A_32 = arith.constant 0 : i32
    %dma_wait3A_33 = tpu.memref_slice %arg12[%dma_wait3A_31, %dma_wait3A_32] : memref<10112x64xf32, #tpu.memory_space<vmem_shared>> -> memref<10112x64xf32, #tpu.memory_space<vmem_shared>>
    tpu.wait_indirect_dma semaphore(%arg14 : memref<!tpu.dma_semaphore, #tpu.memory_space<semaphore_mem>>) src(%dma_wait3A_33 : memref<10112x64xf32, #tpu.memory_space<vmem_shared>>) dst(%arg10 : memref<128x64xf32, #tpu.memory_space<vmem>>)
    %barrier3A_34 = arith.constant 0 : index
    tpu.barrier barrier_id(%barrier3A_34)
    "tpu.region"() ({
      %run_scoped3A = tpu.sem_alloc : memref<!tpu.dma_semaphore, #tpu.memory_space<semaphore_mem>>
      %dma_start3A_35 = arith.constant 0 : i32
      %dma_start3A_36 = tpu.memref_slice %arg6[%arg0, %mul3A_2, %dma_start3A_35] : memref<2x10112x64xf32, #tpu.memory_space<hbm>> -> memref<1x632x64xf32, #tpu.memory_space<hbm>>
      %dma_start3A_37 = tpu.memref_squeeze %dma_start3A_36 : memref<1x632x64xf32, #tpu.memory_space<hbm>> -> memref<632x64xf32, #tpu.memory_space<hbm>>
      %dma_start3A_38 = arith.constant 0 : i32
      %dma_start3A_39 = tpu.memref_slice %arg11[%mul3A_2, %dma_start3A_38] : memref<10112x64xf32, #tpu.memory_space<vmem_shared>> -> memref<632x64xf32, #tpu.memory_space<vmem_shared>>
      tpu.enqueue_dma source(%dma_start3A_39 : memref<632x64xf32, #tpu.memory_space<vmem_shared>>) target(%dma_start3A_37 : memref<632x64xf32, #tpu.memory_space<hbm>>) target_semaphore(%run_scoped3A : memref<!tpu.dma_semaphore, #tpu.memory_space<semaphore_mem>>)
      %dma_wait3A_40 = arith.constant 0 : i32
      %dma_wait3A_41 = tpu.memref_slice %arg6[%arg0, %mul3A_2, %dma_wait3A_40] : memref<2x10112x64xf32, #tpu.memory_space<hbm>> -> memref<1x632x64xf32, #tpu.memory_space<hbm>>
      %dma_wait3A_42 = tpu.memref_squeeze %dma_wait3A_41 : memref<1x632x64xf32, #tpu.memory_space<hbm>> -> memref<632x64xf32, #tpu.memory_space<hbm>>
      %dma_wait3A_43 = arith.constant 0 : i32
      %dma_wait3A_44 = tpu.memref_slice %arg11[%mul3A_2, %dma_wait3A_43] : memref<10112x64xf32, #tpu.memory_space<vmem_shared>> -> memref<632x64xf32, #tpu.memory_space<vmem_shared>>
      tpu.wait_dma2 semaphore(%run_scoped3A : memref<!tpu.dma_semaphore, #tpu.memory_space<semaphore_mem>>) src(%dma_wait3A_44 : memref<632x64xf32, #tpu.memory_space<vmem_shared>>) dst(%dma_wait3A_42 : memref<632x64xf32, #tpu.memory_space<hbm>>)
      tpu.yield
    }) : () -> ()
    return
  }
}

#map = affine_map<(d0, d1) -> (0, 0, 0)>
#map1 = affine_map<(d0, d1) -> (0, 0)>
module attributes {stable_mosaic.version = 14 : i64} {
  func.func @cnt(%arg0: i32, %arg1: i32, %arg2: memref<32x40x128xi32, #tpu.memory_space<hbm>>, %arg3: memref<10112x16xf32, #tpu.memory_space<hbm>>, %arg4: memref<128x16xf32, #tpu.memory_space<hbm>>, %arg5: memref<2x10112x16xf32, #tpu.memory_space<hbm>>, %arg6: memref<40x128xi32, #tpu.memory_space<vmem>>, %arg7: memref<128x16xf32, #tpu.memory_space<vmem>>, %arg8: memref<10112x16xf32, #tpu.memory_space<vmem_shared>>) attributes {dimension_semantics = [#tpu.dimension_semantics<core_parallel>, #tpu.dimension_semantics<subcore_parallel>], iteration_bounds = array<i64: 2, 16>, scalar_prefetch = 0 : i64, scratch_operands = 3 : i64, tpu.core_type = #tpu.core_type<sc_vector_subcore>, window_params = [{transform_indices = #map}, {transform_indices = #map1}, {transform_indices = #map1}, {transform_indices = #map}]} {
    %mul3A = arith.constant 2 : i32
    %mul3A_0 = arith.muli %arg1, %mul3A : i32
    %add3A = arith.addi %mul3A_0, %arg0 : i32
    "tpu.region"() ({
      %run_scoped3A = tpu.sem_alloc : memref<!tpu.dma_semaphore, #tpu.memory_space<semaphore_mem>>
      %dma_start3A = arith.constant 0 : i32
      %dma_start3A_9 = arith.constant 0 : i32
      %dma_start3A_10 = tpu.memref_slice %arg2[%add3A, %dma_start3A, %dma_start3A_9] : memref<32x40x128xi32, #tpu.memory_space<hbm>> -> memref<1x40x128xi32, #tpu.memory_space<hbm>>
      %dma_start3A_11 = tpu.memref_squeeze %dma_start3A_10 : memref<1x40x128xi32, #tpu.memory_space<hbm>> -> memref<40x128xi32, #tpu.memory_space<hbm>>
      %dma_start3A_12 = arith.constant 0 : i32
      %dma_start3A_13 = arith.constant 0 : i32
      %dma_start3A_14 = tpu.memref_slice %arg2[%add3A, %dma_start3A_12, %dma_start3A_13] : memref<32x40x128xi32, #tpu.memory_space<hbm>> -> memref<1x40x128xi32, #tpu.memory_space<hbm>>
      %dma_start3A_15 = tpu.memref_squeeze %dma_start3A_14 : memref<1x40x128xi32, #tpu.memory_space<hbm>> -> memref<40x128xi32, #tpu.memory_space<hbm>>
      tpu.enqueue_dma source(%dma_start3A_15 : memref<40x128xi32, #tpu.memory_space<hbm>>) target(%arg6 : memref<40x128xi32, #tpu.memory_space<vmem>>) target_semaphore(%run_scoped3A : memref<!tpu.dma_semaphore, #tpu.memory_space<semaphore_mem>>)
      %dma_wait3A = arith.constant 0 : i32
      %dma_wait3A_16 = arith.constant 0 : i32
      %dma_wait3A_17 = tpu.memref_slice %arg2[%add3A, %dma_wait3A, %dma_wait3A_16] : memref<32x40x128xi32, #tpu.memory_space<hbm>> -> memref<1x40x128xi32, #tpu.memory_space<hbm>>
      %dma_wait3A_18 = tpu.memref_squeeze %dma_wait3A_17 : memref<1x40x128xi32, #tpu.memory_space<hbm>> -> memref<40x128xi32, #tpu.memory_space<hbm>>
      %dma_wait3A_19 = arith.constant 0 : i32
      %dma_wait3A_20 = arith.constant 0 : i32
      %dma_wait3A_21 = tpu.memref_slice %arg2[%add3A, %dma_wait3A_19, %dma_wait3A_20] : memref<32x40x128xi32, #tpu.memory_space<hbm>> -> memref<1x40x128xi32, #tpu.memory_space<hbm>>
      %dma_wait3A_22 = tpu.memref_squeeze %dma_wait3A_21 : memref<1x40x128xi32, #tpu.memory_space<hbm>> -> memref<40x128xi32, #tpu.memory_space<hbm>>
      tpu.wait_dma2 semaphore(%run_scoped3A : memref<!tpu.dma_semaphore, #tpu.memory_space<semaphore_mem>>) src(%dma_wait3A_22 : memref<40x128xi32, #tpu.memory_space<hbm>>) dst(%arg6 : memref<40x128xi32, #tpu.memory_space<vmem>>)
      tpu.yield
    }) : () -> ()
    "tpu.region"() ({
      %run_scoped3A = tpu.sem_alloc : memref<!tpu.dma_semaphore, #tpu.memory_space<semaphore_mem>>
      tpu.enqueue_dma source(%arg4 : memref<128x16xf32, #tpu.memory_space<hbm>>) target(%arg7 : memref<128x16xf32, #tpu.memory_space<vmem>>) target_semaphore(%run_scoped3A : memref<!tpu.dma_semaphore, #tpu.memory_space<semaphore_mem>>)
      tpu.wait_dma2 semaphore(%run_scoped3A : memref<!tpu.dma_semaphore, #tpu.memory_space<semaphore_mem>>) src(%arg4 : memref<128x16xf32, #tpu.memory_space<hbm>>) dst(%arg7 : memref<128x16xf32, #tpu.memory_space<vmem>>)
      tpu.yield
    }) : () -> ()
    %mul3A_1 = arith.constant 632 : i32
    %mul3A_2 = arith.muli %arg1, %mul3A_1 : i32
    "tpu.region"() ({
      %run_scoped3A = tpu.sem_alloc : memref<!tpu.dma_semaphore, #tpu.memory_space<semaphore_mem>>
      %dma_start3A = arith.constant 0 : i32
      %dma_start3A_9 = tpu.memref_slice %arg8[%mul3A_2, %dma_start3A] : memref<10112x16xf32, #tpu.memory_space<vmem_shared>> -> memref<632x16xf32, #tpu.memory_space<vmem_shared>>
      %dma_start3A_10 = arith.constant 0 : i32
      %dma_start3A_11 = tpu.memref_slice %arg3[%mul3A_2, %dma_start3A_10] : memref<10112x16xf32, #tpu.memory_space<hbm>> -> memref<632x16xf32, #tpu.memory_space<hbm>>
      tpu.enqueue_dma source(%dma_start3A_11 : memref<632x16xf32, #tpu.memory_space<hbm>>) target(%dma_start3A_9 : memref<632x16xf32, #tpu.memory_space<vmem_shared>>) target_semaphore(%run_scoped3A : memref<!tpu.dma_semaphore, #tpu.memory_space<semaphore_mem>>)
      %dma_wait3A = arith.constant 0 : i32
      %dma_wait3A_12 = tpu.memref_slice %arg8[%mul3A_2, %dma_wait3A] : memref<10112x16xf32, #tpu.memory_space<vmem_shared>> -> memref<632x16xf32, #tpu.memory_space<vmem_shared>>
      %dma_wait3A_13 = arith.constant 0 : i32
      %dma_wait3A_14 = tpu.memref_slice %arg3[%mul3A_2, %dma_wait3A_13] : memref<10112x16xf32, #tpu.memory_space<hbm>> -> memref<632x16xf32, #tpu.memory_space<hbm>>
      tpu.wait_dma2 semaphore(%run_scoped3A : memref<!tpu.dma_semaphore, #tpu.memory_space<semaphore_mem>>) src(%dma_wait3A_14 : memref<632x16xf32, #tpu.memory_space<hbm>>) dst(%dma_wait3A_12 : memref<632x16xf32, #tpu.memory_space<vmem_shared>>)
      tpu.yield
    }) : () -> ()
    %barrier3A = arith.constant 0 : index
    tpu.barrier barrier_id(%barrier3A)
    %scan3A = arith.constant 0 : i32
    %scan3A_3 = arith.constant 0 : i32
    %scan3A_4 = arith.constant 40 : i32
    %scan3A_5 = arith.addi %scan3A_3, %scan3A_4 : i32
    %scan3A_6 = arith.constant 1 : i32
    scf.for %scan3A_9 = %scan3A_3 to %scan3A_5 step %scan3A_6  : i32 {
      "tpu.region"() ({
        %run_scoped3A = tpu.sem_alloc : memref<!tpu.dma_semaphore, #tpu.memory_space<semaphore_mem>>
        %dma_start3A = arith.constant 0 : i32
        %dma_start3A_10 = tpu.memref_slice %arg6[%scan3A_9, %dma_start3A] : memref<40x128xi32, #tpu.memory_space<vmem>> -> memref<1x128xi32, #tpu.memory_space<vmem>>
        %dma_start3A_11 = tpu.memref_squeeze %dma_start3A_10 : memref<1x128xi32, #tpu.memory_space<vmem>> -> memref<128xi32, #tpu.memory_space<vmem>>
        %dma_start3A_12 = arith.constant 0 : i32
        %dma_start3A_13 = arith.constant 0 : i32
        %dma_start3A_14 = tpu.memref_slice %arg8[%dma_start3A_12, %dma_start3A_13] : memref<10112x16xf32, #tpu.memory_space<vmem_shared>> -> memref<10112x16xf32, #tpu.memory_space<vmem_shared>>
        tpu.enqueue_indirect_dma source(%arg7 : memref<128x16xf32, #tpu.memory_space<vmem>>) target(%dma_start3A_14 : memref<10112x16xf32, #tpu.memory_space<vmem_shared>>) offsets(%dma_start3A_11 : memref<128xi32, #tpu.memory_space<vmem>>) semaphore(%run_scoped3A : memref<!tpu.dma_semaphore, #tpu.memory_space<semaphore_mem>>) {add = true}
        %dma_wait3A = arith.constant 0 : i32
        %dma_wait3A_15 = tpu.memref_slice %arg6[%scan3A_9, %dma_wait3A] : memref<40x128xi32, #tpu.memory_space<vmem>> -> memref<1x128xi32, #tpu.memory_space<vmem>>
        %dma_wait3A_16 = tpu.memref_squeeze %dma_wait3A_15 : memref<1x128xi32, #tpu.memory_space<vmem>> -> memref<128xi32, #tpu.memory_space<vmem>>
        %dma_wait3A_17 = arith.constant 0 : i32
        %dma_wait3A_18 = arith.constant 0 : i32
        %dma_wait3A_19 = tpu.memref_slice %arg8[%dma_wait3A_17, %dma_wait3A_18] : memref<10112x16xf32, #tpu.memory_space<vmem_shared>> -> memref<10112x16xf32, #tpu.memory_space<vmem_shared>>
        tpu.wait_indirect_dma semaphore(%run_scoped3A : memref<!tpu.dma_semaphore, #tpu.memory_space<semaphore_mem>>) src(%arg7 : memref<128x16xf32, #tpu.memory_space<vmem>>) dst(%dma_wait3A_19 : memref<10112x16xf32, #tpu.memory_space<vmem_shared>>)
        tpu.yield
      }) : () -> ()
    }
    %scan3A_7 = arith.constant 40 : i32
    %barrier3A_8 = arith.constant 0 : index
    tpu.barrier barrier_id(%barrier3A_8)
    "tpu.region"() ({
      %run_scoped3A = tpu.sem_alloc : memref<!tpu.dma_semaphore, #tpu.memory_space<semaphore_mem>>
      %dma_start3A = arith.constant 0 : i32
      %dma_start3A_9 = tpu.memref_slice %arg5[%arg0, %mul3A_2, %dma_start3A] : memref<2x10112x16xf32, #tpu.memory_space<hbm>> -> memref<1x632x16xf32, #tpu.memory_space<hbm>>
      %dma_start3A_10 = tpu.memref_squeeze %dma_start3A_9 : memref<1x632x16xf32, #tpu.memory_space<hbm>> -> memref<632x16xf32, #tpu.memory_space<hbm>>
      %dma_start3A_11 = arith.constant 0 : i32
      %dma_start3A_12 = tpu.memref_slice %arg8[%mul3A_2, %dma_start3A_11] : memref<10112x16xf32, #tpu.memory_space<vmem_shared>> -> memref<632x16xf32, #tpu.memory_space<vmem_shared>>
      tpu.enqueue_dma source(%dma_start3A_12 : memref<632x16xf32, #tpu.memory_space<vmem_shared>>) target(%dma_start3A_10 : memref<632x16xf32, #tpu.memory_space<hbm>>) target_semaphore(%run_scoped3A : memref<!tpu.dma_semaphore, #tpu.memory_space<semaphore_mem>>)
      %dma_wait3A = arith.constant 0 : i32
      %dma_wait3A_13 = tpu.memref_slice %arg5[%arg0, %mul3A_2, %dma_wait3A] : memref<2x10112x16xf32, #tpu.memory_space<hbm>> -> memref<1x632x16xf32, #tpu.memory_space<hbm>>
      %dma_wait3A_14 = tpu.memref_squeeze %dma_wait3A_13 : memref<1x632x16xf32, #tpu.memory_space<hbm>> -> memref<632x16xf32, #tpu.memory_space<hbm>>
      %dma_wait3A_15 = arith.constant 0 : i32
      %dma_wait3A_16 = tpu.memref_slice %arg8[%mul3A_2, %dma_wait3A_15] : memref<10112x16xf32, #tpu.memory_space<vmem_shared>> -> memref<632x16xf32, #tpu.memory_space<vmem_shared>>
      tpu.wait_dma2 semaphore(%run_scoped3A : memref<!tpu.dma_semaphore, #tpu.memory_space<semaphore_mem>>) src(%dma_wait3A_16 : memref<632x16xf32, #tpu.memory_space<vmem_shared>>) dst(%dma_wait3A_14 : memref<632x16xf32, #tpu.memory_space<hbm>>)
      tpu.yield
    }) : () -> ()
    return
  }
}

#map = affine_map<(d0, d1) -> (0, 0)>
#map1 = affine_map<(d0, d1) -> (0, 0, 0)>
module attributes {stable_mosaic.version = 14 : i64} {
  func.func @agg(%arg0: i32, %arg1: i32, %arg2: memref<10112x64xf32, #tpu.memory_space<hbm>>, %arg3: memref<32x40x128xi32, #tpu.memory_space<hbm>>, %arg4: memref<32x40x128xi32, #tpu.memory_space<hbm>>, %arg5: memref<10112x64xf32, #tpu.memory_space<hbm>>, %arg6: memref<2x10112x64xf32, #tpu.memory_space<hbm>>, %arg7: memref<40x128xi32, #tpu.memory_space<vmem>>, %arg8: memref<40x128xi32, #tpu.memory_space<vmem>>, %arg9: memref<128x64xf32, #tpu.memory_space<vmem>>, %arg10: memref<128x64xf32, #tpu.memory_space<vmem>>, %arg11: memref<10112x64xf32, #tpu.memory_space<vmem_shared>>, %arg12: memref<10112x64xf32, #tpu.memory_space<vmem_shared>>, %arg13: memref<!tpu.dma_semaphore, #tpu.memory_space<semaphore_mem>>, %arg14: memref<!tpu.dma_semaphore, #tpu.memory_space<semaphore_mem>>) attributes {dimension_semantics = [#tpu.dimension_semantics<core_parallel>, #tpu.dimension_semantics<subcore_parallel>], iteration_bounds = array<i64: 2, 16>, scalar_prefetch = 0 : i64, scratch_operands = 8 : i64, tpu.core_type = #tpu.core_type<sc_vector_subcore>, window_params = [{transform_indices = #map}, {transform_indices = #map1}, {transform_indices = #map1}, {transform_indices = #map}, {transform_indices = #map1}]} {
    %mul3A = arith.constant 2 : i32
    %mul3A_0 = arith.muli %arg1, %mul3A : i32
    %add3A = arith.addi %mul3A_0, %arg0 : i32
    "tpu.region"() ({
      %run_scoped3A = tpu.sem_alloc : memref<!tpu.dma_semaphore, #tpu.memory_space<semaphore_mem>>
      %dma_start3A_35 = arith.constant 0 : i32
      %dma_start3A_36 = arith.constant 0 : i32
      %dma_start3A_37 = tpu.memref_slice %arg3[%add3A, %dma_start3A_35, %dma_start3A_36] : memref<32x40x128xi32, #tpu.memory_space<hbm>> -> memref<1x40x128xi32, #tpu.memory_space<hbm>>
      %dma_start3A_38 = tpu.memref_squeeze %dma_start3A_37 : memref<1x40x128xi32, #tpu.memory_space<hbm>> -> memref<40x128xi32, #tpu.memory_space<hbm>>
      %dma_start3A_39 = arith.constant 0 : i32
      %dma_start3A_40 = arith.constant 0 : i32
      %dma_start3A_41 = tpu.memref_slice %arg3[%add3A, %dma_start3A_39, %dma_start3A_40] : memref<32x40x128xi32, #tpu.memory_space<hbm>> -> memref<1x40x128xi32, #tpu.memory_space<hbm>>
      %dma_start3A_42 = tpu.memref_squeeze %dma_start3A_41 : memref<1x40x128xi32, #tpu.memory_space<hbm>> -> memref<40x128xi32, #tpu.memory_space<hbm>>
      tpu.enqueue_dma source(%dma_start3A_42 : memref<40x128xi32, #tpu.memory_space<hbm>>) target(%arg7 : memref<40x128xi32, #tpu.memory_space<vmem>>) target_semaphore(%run_scoped3A : memref<!tpu.dma_semaphore, #tpu.memory_space<semaphore_mem>>)
      %dma_wait3A_43 = arith.constant 0 : i32
      %dma_wait3A_44 = arith.constant 0 : i32
      %dma_wait3A_45 = tpu.memref_slice %arg3[%add3A, %dma_wait3A_43, %dma_wait3A_44] : memref<32x40x128xi32, #tpu.memory_space<hbm>> -> memref<1x40x128xi32, #tpu.memory_space<hbm>>
      %dma_wait3A_46 = tpu.memref_squeeze %dma_wait3A_45 : memref<1x40x128xi32, #tpu.memory_space<hbm>> -> memref<40x128xi32, #tpu.memory_space<hbm>>
      %dma_wait3A_47 = arith.constant 0 : i32
      %dma_wait3A_48 = arith.constant 0 : i32
      %dma_wait3A_49 = tpu.memref_slice %arg3[%add3A, %dma_wait3A_47, %dma_wait3A_48] : memref<32x40x128xi32, #tpu.memory_space<hbm>> -> memref<1x40x128xi32, #tpu.memory_space<hbm>>
      %dma_wait3A_50 = tpu.memref_squeeze %dma_wait3A_49 : memref<1x40x128xi32, #tpu.memory_space<hbm>> -> memref<40x128xi32, #tpu.memory_space<hbm>>
      tpu.wait_dma2 semaphore(%run_scoped3A : memref<!tpu.dma_semaphore, #tpu.memory_space<semaphore_mem>>) src(%dma_wait3A_50 : memref<40x128xi32, #tpu.memory_space<hbm>>) dst(%arg7 : memref<40x128xi32, #tpu.memory_space<vmem>>)
      tpu.yield
    }) : () -> ()
    "tpu.region"() ({
      %run_scoped3A = tpu.sem_alloc : memref<!tpu.dma_semaphore, #tpu.memory_space<semaphore_mem>>
      %dma_start3A_35 = arith.constant 0 : i32
      %dma_start3A_36 = arith.constant 0 : i32
      %dma_start3A_37 = tpu.memref_slice %arg4[%add3A, %dma_start3A_35, %dma_start3A_36] : memref<32x40x128xi32, #tpu.memory_space<hbm>> -> memref<1x40x128xi32, #tpu.memory_space<hbm>>
      %dma_start3A_38 = tpu.memref_squeeze %dma_start3A_37 : memref<1x40x128xi32, #tpu.memory_space<hbm>> -> memref<40x128xi32, #tpu.memory_space<hbm>>
      %dma_start3A_39 = arith.constant 0 : i32
      %dma_start3A_40 = arith.constant 0 : i32
      %dma_start3A_41 = tpu.memref_slice %arg4[%add3A, %dma_start3A_39, %dma_start3A_40] : memref<32x40x128xi32, #tpu.memory_space<hbm>> -> memref<1x40x128xi32, #tpu.memory_space<hbm>>
      %dma_start3A_42 = tpu.memref_squeeze %dma_start3A_41 : memref<1x40x128xi32, #tpu.memory_space<hbm>> -> memref<40x128xi32, #tpu.memory_space<hbm>>
      tpu.enqueue_dma source(%dma_start3A_42 : memref<40x128xi32, #tpu.memory_space<hbm>>) target(%arg8 : memref<40x128xi32, #tpu.memory_space<vmem>>) target_semaphore(%run_scoped3A : memref<!tpu.dma_semaphore, #tpu.memory_space<semaphore_mem>>)
      %dma_wait3A_43 = arith.constant 0 : i32
      %dma_wait3A_44 = arith.constant 0 : i32
      %dma_wait3A_45 = tpu.memref_slice %arg4[%add3A, %dma_wait3A_43, %dma_wait3A_44] : memref<32x40x128xi32, #tpu.memory_space<hbm>> -> memref<1x40x128xi32, #tpu.memory_space<hbm>>
      %dma_wait3A_46 = tpu.memref_squeeze %dma_wait3A_45 : memref<1x40x128xi32, #tpu.memory_space<hbm>> -> memref<40x128xi32, #tpu.memory_space<hbm>>
      %dma_wait3A_47 = arith.constant 0 : i32
      %dma_wait3A_48 = arith.constant 0 : i32
      %dma_wait3A_49 = tpu.memref_slice %arg4[%add3A, %dma_wait3A_47, %dma_wait3A_48] : memref<32x40x128xi32, #tpu.memory_space<hbm>> -> memref<1x40x128xi32, #tpu.memory_space<hbm>>
      %dma_wait3A_50 = tpu.memref_squeeze %dma_wait3A_49 : memref<1x40x128xi32, #tpu.memory_space<hbm>> -> memref<40x128xi32, #tpu.memory_space<hbm>>
      tpu.wait_dma2 semaphore(%run_scoped3A : memref<!tpu.dma_semaphore, #tpu.memory_space<semaphore_mem>>) src(%dma_wait3A_50 : memref<40x128xi32, #tpu.memory_space<hbm>>) dst(%arg8 : memref<40x128xi32, #tpu.memory_space<vmem>>)
      tpu.yield
    }) : () -> ()
    %mul3A_1 = arith.constant 632 : i32
    %mul3A_2 = arith.muli %arg1, %mul3A_1 : i32
    "tpu.region"() ({
      %run_scoped3A = tpu.sem_alloc : memref<!tpu.dma_semaphore, #tpu.memory_space<semaphore_mem>>
      %dma_start3A_35 = arith.constant 0 : i32
      %dma_start3A_36 = tpu.memref_slice %arg11[%mul3A_2, %dma_start3A_35] : memref<10112x64xf32, #tpu.memory_space<vmem_shared>> -> memref<632x64xf32, #tpu.memory_space<vmem_shared>>
      %dma_start3A_37 = arith.constant 0 : i32
      %dma_start3A_38 = tpu.memref_slice %arg5[%mul3A_2, %dma_start3A_37] : memref<10112x64xf32, #tpu.memory_space<hbm>> -> memref<632x64xf32, #tpu.memory_space<hbm>>
      tpu.enqueue_dma source(%dma_start3A_38 : memref<632x64xf32, #tpu.memory_space<hbm>>) target(%dma_start3A_36 : memref<632x64xf32, #tpu.memory_space<vmem_shared>>) target_semaphore(%run_scoped3A : memref<!tpu.dma_semaphore, #tpu.memory_space<semaphore_mem>>)
      %dma_wait3A_39 = arith.constant 0 : i32
      %dma_wait3A_40 = tpu.memref_slice %arg11[%mul3A_2, %dma_wait3A_39] : memref<10112x64xf32, #tpu.memory_space<vmem_shared>> -> memref<632x64xf32, #tpu.memory_space<vmem_shared>>
      %dma_wait3A_41 = arith.constant 0 : i32
      %dma_wait3A_42 = tpu.memref_slice %arg5[%mul3A_2, %dma_wait3A_41] : memref<10112x64xf32, #tpu.memory_space<hbm>> -> memref<632x64xf32, #tpu.memory_space<hbm>>
      tpu.wait_dma2 semaphore(%run_scoped3A : memref<!tpu.dma_semaphore, #tpu.memory_space<semaphore_mem>>) src(%dma_wait3A_42 : memref<632x64xf32, #tpu.memory_space<hbm>>) dst(%dma_wait3A_40 : memref<632x64xf32, #tpu.memory_space<vmem_shared>>)
      tpu.yield
    }) : () -> ()
    "tpu.region"() ({
      %run_scoped3A = tpu.sem_alloc : memref<!tpu.dma_semaphore, #tpu.memory_space<semaphore_mem>>
      %dma_start3A_35 = arith.constant 0 : i32
      %dma_start3A_36 = tpu.memref_slice %arg12[%mul3A_2, %dma_start3A_35] : memref<10112x64xf32, #tpu.memory_space<vmem_shared>> -> memref<632x64xf32, #tpu.memory_space<vmem_shared>>
      %dma_start3A_37 = arith.constant 0 : i32
      %dma_start3A_38 = tpu.memref_slice %arg2[%mul3A_2, %dma_start3A_37] : memref<10112x64xf32, #tpu.memory_space<hbm>> -> memref<632x64xf32, #tpu.memory_space<hbm>>
      tpu.enqueue_dma source(%dma_start3A_38 : memref<632x64xf32, #tpu.memory_space<hbm>>) target(%dma_start3A_36 : memref<632x64xf32, #tpu.memory_space<vmem_shared>>) target_semaphore(%run_scoped3A : memref<!tpu.dma_semaphore, #tpu.memory_space<semaphore_mem>>)
      %dma_wait3A_39 = arith.constant 0 : i32
      %dma_wait3A_40 = tpu.memref_slice %arg12[%mul3A_2, %dma_wait3A_39] : memref<10112x64xf32, #tpu.memory_space<vmem_shared>> -> memref<632x64xf32, #tpu.memory_space<vmem_shared>>
      %dma_wait3A_41 = arith.constant 0 : i32
      %dma_wait3A_42 = tpu.memref_slice %arg2[%mul3A_2, %dma_wait3A_41] : memref<10112x64xf32, #tpu.memory_space<hbm>> -> memref<632x64xf32, #tpu.memory_space<hbm>>
      tpu.wait_dma2 semaphore(%run_scoped3A : memref<!tpu.dma_semaphore, #tpu.memory_space<semaphore_mem>>) src(%dma_wait3A_42 : memref<632x64xf32, #tpu.memory_space<hbm>>) dst(%dma_wait3A_40 : memref<632x64xf32, #tpu.memory_space<vmem_shared>>)
      tpu.yield
    }) : () -> ()
    %barrier3A = arith.constant 0 : index
    tpu.barrier barrier_id(%barrier3A)
    %dma_start3A = arith.constant 0 : i32
    %dma_start3A_3 = arith.constant 0 : i32
    %dma_start3A_4 = tpu.memref_slice %arg7[%dma_start3A, %dma_start3A_3] : memref<40x128xi32, #tpu.memory_space<vmem>> -> memref<1x128xi32, #tpu.memory_space<vmem>>
    %dma_start3A_5 = tpu.memref_squeeze %dma_start3A_4 : memref<1x128xi32, #tpu.memory_space<vmem>> -> memref<128xi32, #tpu.memory_space<vmem>>
    %dma_start3A_6 = arith.constant 0 : i32
    %dma_start3A_7 = arith.constant 0 : i32
    %dma_start3A_8 = tpu.memref_slice %arg12[%dma_start3A_6, %dma_start3A_7] : memref<10112x64xf32, #tpu.memory_space<vmem_shared>> -> memref<10112x64xf32, #tpu.memory_space<vmem_shared>>
    tpu.enqueue_indirect_dma source(%dma_start3A_8 : memref<10112x64xf32, #tpu.memory_space<vmem_shared>>) target(%arg9 : memref<128x64xf32, #tpu.memory_space<vmem>>) offsets(%dma_start3A_5 : memref<128xi32, #tpu.memory_space<vmem>>) semaphore(%arg13 : memref<!tpu.dma_semaphore, #tpu.memory_space<semaphore_mem>>)
    %dma_start3A_9 = arith.constant 1 : i32
    %dma_start3A_10 = arith.constant 0 : i32
    %dma_start3A_11 = tpu.memref_slice %arg7[%dma_start3A_9, %dma_start3A_10] : memref<40x128xi32, #tpu.memory_space<vmem>> -> memref<1x128xi32, #tpu.memory_space<vmem>>
    %dma_start3A_12 = tpu.memref_squeeze %dma_start3A_11 : memref<1x128xi32, #tpu.memory_space<vmem>> -> memref<128xi32, #tpu.memory_space<vmem>>
    %dma_start3A_13 = arith.constant 0 : i32
    %dma_start3A_14 = arith.constant 0 : i32
    %dma_start3A_15 = tpu.memref_slice %arg12[%dma_start3A_13, %dma_start3A_14] : memref<10112x64xf32, #tpu.memory_space<vmem_shared>> -> memref<10112x64xf32, #tpu.memory_space<vmem_shared>>
    tpu.enqueue_indirect_dma source(%dma_start3A_15 : memref<10112x64xf32, #tpu.memory_space<vmem_shared>>) target(%arg10 : memref<128x64xf32, #tpu.memory_space<vmem>>) offsets(%dma_start3A_12 : memref<128xi32, #tpu.memory_space<vmem>>) semaphore(%arg14 : memref<!tpu.dma_semaphore, #tpu.memory_space<semaphore_mem>>)
    %scan3A = arith.constant 0 : i32
    %scan3A_16 = arith.constant 0 : i32
    %scan3A_17 = arith.constant 20 : i32
    %scan3A_18 = arith.addi %scan3A_16, %scan3A_17 : i32
    %scan3A_19 = arith.constant 1 : i32
    scf.for %scan3A_35 = %scan3A_16 to %scan3A_18 step %scan3A_19  : i32 {
      %mul3A_36 = arith.constant 2 : i32
      %mul3A_37 = arith.muli %mul3A_36, %scan3A_35 : i32
      %dma_wait3A_38 = arith.constant 0 : i32
      %dma_wait3A_39 = arith.constant 0 : i32
      %dma_wait3A_40 = tpu.memref_slice %arg7[%dma_wait3A_38, %dma_wait3A_39] : memref<40x128xi32, #tpu.memory_space<vmem>> -> memref<1x128xi32, #tpu.memory_space<vmem>>
      %dma_wait3A_41 = tpu.memref_squeeze %dma_wait3A_40 : memref<1x128xi32, #tpu.memory_space<vmem>> -> memref<128xi32, #tpu.memory_space<vmem>>
      %dma_wait3A_42 = arith.constant 0 : i32
      %dma_wait3A_43 = arith.constant 0 : i32
      %dma_wait3A_44 = tpu.memref_slice %arg12[%dma_wait3A_42, %dma_wait3A_43] : memref<10112x64xf32, #tpu.memory_space<vmem_shared>> -> memref<10112x64xf32, #tpu.memory_space<vmem_shared>>
      tpu.wait_indirect_dma semaphore(%arg13 : memref<!tpu.dma_semaphore, #tpu.memory_space<semaphore_mem>>) src(%dma_wait3A_44 : memref<10112x64xf32, #tpu.memory_space<vmem_shared>>) dst(%arg9 : memref<128x64xf32, #tpu.memory_space<vmem>>)
      %add3A_45 = arith.constant 0 : i32
      %add3A_46 = arith.addi %mul3A_37, %add3A_45 : i32
      "tpu.region"() ({
        %run_scoped3A = tpu.sem_alloc : memref<!tpu.dma_semaphore, #tpu.memory_space<semaphore_mem>>
        %dma_start3A_79 = arith.constant 0 : i32
        %dma_start3A_80 = tpu.memref_slice %arg8[%add3A_46, %dma_start3A_79] : memref<40x128xi32, #tpu.memory_space<vmem>> -> memref<1x128xi32, #tpu.memory_space<vmem>>
        %dma_start3A_81 = tpu.memref_squeeze %dma_start3A_80 : memref<1x128xi32, #tpu.memory_space<vmem>> -> memref<128xi32, #tpu.memory_space<vmem>>
        %dma_start3A_82 = arith.constant 0 : i32
        %dma_start3A_83 = arith.constant 0 : i32
        %dma_start3A_84 = tpu.memref_slice %arg11[%dma_start3A_82, %dma_start3A_83] : memref<10112x64xf32, #tpu.memory_space<vmem_shared>> -> memref<10112x64xf32, #tpu.memory_space<vmem_shared>>
        tpu.enqueue_indirect_dma source(%arg9 : memref<128x64xf32, #tpu.memory_space<vmem>>) target(%dma_start3A_84 : memref<10112x64xf32, #tpu.memory_space<vmem_shared>>) offsets(%dma_start3A_81 : memref<128xi32, #tpu.memory_space<vmem>>) semaphore(%run_scoped3A : memref<!tpu.dma_semaphore, #tpu.memory_space<semaphore_mem>>) {add = true}
        %dma_wait3A_85 = arith.constant 0 : i32
        %dma_wait3A_86 = tpu.memref_slice %arg8[%add3A_46, %dma_wait3A_85] : memref<40x128xi32, #tpu.memory_space<vmem>> -> memref<1x128xi32, #tpu.memory_space<vmem>>
        %dma_wait3A_87 = tpu.memref_squeeze %dma_wait3A_86 : memref<1x128xi32, #tpu.memory_space<vmem>> -> memref<128xi32, #tpu.memory_space<vmem>>
        %dma_wait3A_88 = arith.constant 0 : i32
        %dma_wait3A_89 = arith.constant 0 : i32
        %dma_wait3A_90 = tpu.memref_slice %arg11[%dma_wait3A_88, %dma_wait3A_89] : memref<10112x64xf32, #tpu.memory_space<vmem_shared>> -> memref<10112x64xf32, #tpu.memory_space<vmem_shared>>
        tpu.wait_indirect_dma semaphore(%run_scoped3A : memref<!tpu.dma_semaphore, #tpu.memory_space<semaphore_mem>>) src(%arg9 : memref<128x64xf32, #tpu.memory_space<vmem>>) dst(%dma_wait3A_90 : memref<10112x64xf32, #tpu.memory_space<vmem_shared>>)
        tpu.yield
      }) : () -> ()
      %add3A_47 = arith.constant 2 : i32
      %add3A_48 = arith.addi %mul3A_37, %add3A_47 : i32
      %add3A_49 = arith.constant 0 : i32
      %add3A_50 = arith.addi %add3A_48, %add3A_49 : i32
      %min3A = arith.constant 39 : i32
      %min3A_51 = arith.minsi %add3A_50, %min3A : i32
      %dma_start3A_52 = arith.constant 0 : i32
      %dma_start3A_53 = tpu.memref_slice %arg7[%min3A_51, %dma_start3A_52] : memref<40x128xi32, #tpu.memory_space<vmem>> -> memref<1x128xi32, #tpu.memory_space<vmem>>
      %dma_start3A_54 = tpu.memref_squeeze %dma_start3A_53 : memref<1x128xi32, #tpu.memory_space<vmem>> -> memref<128xi32, #tpu.memory_space<vmem>>
      %dma_start3A_55 = arith.constant 0 : i32
      %dma_start3A_56 = arith.constant 0 : i32
      %dma_start3A_57 = tpu.memref_slice %arg12[%dma_start3A_55, %dma_start3A_56] : memref<10112x64xf32, #tpu.memory_space<vmem_shared>> -> memref<10112x64xf32, #tpu.memory_space<vmem_shared>>
      tpu.enqueue_indirect_dma source(%dma_start3A_57 : memref<10112x64xf32, #tpu.memory_space<vmem_shared>>) target(%arg9 : memref<128x64xf32, #tpu.memory_space<vmem>>) offsets(%dma_start3A_54 : memref<128xi32, #tpu.memory_space<vmem>>) semaphore(%arg13 : memref<!tpu.dma_semaphore, #tpu.memory_space<semaphore_mem>>)
      %dma_wait3A_58 = arith.constant 0 : i32
      %dma_wait3A_59 = arith.constant 0 : i32
      %dma_wait3A_60 = tpu.memref_slice %arg7[%dma_wait3A_58, %dma_wait3A_59] : memref<40x128xi32, #tpu.memory_space<vmem>> -> memref<1x128xi32, #tpu.memory_space<vmem>>
      %dma_wait3A_61 = tpu.memref_squeeze %dma_wait3A_60 : memref<1x128xi32, #tpu.memory_space<vmem>> -> memref<128xi32, #tpu.memory_space<vmem>>
      %dma_wait3A_62 = arith.constant 0 : i32
      %dma_wait3A_63 = arith.constant 0 : i32
      %dma_wait3A_64 = tpu.memref_slice %arg12[%dma_wait3A_62, %dma_wait3A_63] : memref<10112x64xf32, #tpu.memory_space<vmem_shared>> -> memref<10112x64xf32, #tpu.memory_space<vmem_shared>>
      tpu.wait_indirect_dma semaphore(%arg14 : memref<!tpu.dma_semaphore, #tpu.memory_space<semaphore_mem>>) src(%dma_wait3A_64 : memref<10112x64xf32, #tpu.memory_space<vmem_shared>>) dst(%arg10 : memref<128x64xf32, #tpu.memory_space<vmem>>)
      %add3A_65 = arith.constant 1 : i32
      %add3A_66 = arith.addi %mul3A_37, %add3A_65 : i32
      "tpu.region"() ({
        %run_scoped3A = tpu.sem_alloc : memref<!tpu.dma_semaphore, #tpu.memory_space<semaphore_mem>>
        %dma_start3A_79 = arith.constant 0 : i32
        %dma_start3A_80 = tpu.memref_slice %arg8[%add3A_66, %dma_start3A_79] : memref<40x128xi32, #tpu.memory_space<vmem>> -> memref<1x128xi32, #tpu.memory_space<vmem>>
        %dma_start3A_81 = tpu.memref_squeeze %dma_start3A_80 : memref<1x128xi32, #tpu.memory_space<vmem>> -> memref<128xi32, #tpu.memory_space<vmem>>
        %dma_start3A_82 = arith.constant 0 : i32
        %dma_start3A_83 = arith.constant 0 : i32
        %dma_start3A_84 = tpu.memref_slice %arg11[%dma_start3A_82, %dma_start3A_83] : memref<10112x64xf32, #tpu.memory_space<vmem_shared>> -> memref<10112x64xf32, #tpu.memory_space<vmem_shared>>
        tpu.enqueue_indirect_dma source(%arg10 : memref<128x64xf32, #tpu.memory_space<vmem>>) target(%dma_start3A_84 : memref<10112x64xf32, #tpu.memory_space<vmem_shared>>) offsets(%dma_start3A_81 : memref<128xi32, #tpu.memory_space<vmem>>) semaphore(%run_scoped3A : memref<!tpu.dma_semaphore, #tpu.memory_space<semaphore_mem>>) {add = true}
        %dma_wait3A_85 = arith.constant 0 : i32
        %dma_wait3A_86 = tpu.memref_slice %arg8[%add3A_66, %dma_wait3A_85] : memref<40x128xi32, #tpu.memory_space<vmem>> -> memref<1x128xi32, #tpu.memory_space<vmem>>
        %dma_wait3A_87 = tpu.memref_squeeze %dma_wait3A_86 : memref<1x128xi32, #tpu.memory_space<vmem>> -> memref<128xi32, #tpu.memory_space<vmem>>
        %dma_wait3A_88 = arith.constant 0 : i32
        %dma_wait3A_89 = arith.constant 0 : i32
        %dma_wait3A_90 = tpu.memref_slice %arg11[%dma_wait3A_88, %dma_wait3A_89] : memref<10112x64xf32, #tpu.memory_space<vmem_shared>> -> memref<10112x64xf32, #tpu.memory_space<vmem_shared>>
        tpu.wait_indirect_dma semaphore(%run_scoped3A : memref<!tpu.dma_semaphore, #tpu.memory_space<semaphore_mem>>) src(%arg10 : memref<128x64xf32, #tpu.memory_space<vmem>>) dst(%dma_wait3A_90 : memref<10112x64xf32, #tpu.memory_space<vmem_shared>>)
        tpu.yield
      }) : () -> ()
      %add3A_67 = arith.constant 2 : i32
      %add3A_68 = arith.addi %mul3A_37, %add3A_67 : i32
      %add3A_69 = arith.constant 1 : i32
      %add3A_70 = arith.addi %add3A_68, %add3A_69 : i32
      %min3A_71 = arith.constant 39 : i32
      %min3A_72 = arith.minsi %add3A_70, %min3A_71 : i32
      %dma_start3A_73 = arith.constant 0 : i32
      %dma_start3A_74 = tpu.memref_slice %arg7[%min3A_72, %dma_start3A_73] : memref<40x128xi32, #tpu.memory_space<vmem>> -> memref<1x128xi32, #tpu.memory_space<vmem>>
      %dma_start3A_75 = tpu.memref_squeeze %dma_start3A_74 : memref<1x128xi32, #tpu.memory_space<vmem>> -> memref<128xi32, #tpu.memory_space<vmem>>
      %dma_start3A_76 = arith.constant 0 : i32
      %dma_start3A_77 = arith.constant 0 : i32
      %dma_start3A_78 = tpu.memref_slice %arg12[%dma_start3A_76, %dma_start3A_77] : memref<10112x64xf32, #tpu.memory_space<vmem_shared>> -> memref<10112x64xf32, #tpu.memory_space<vmem_shared>>
      tpu.enqueue_indirect_dma source(%dma_start3A_78 : memref<10112x64xf32, #tpu.memory_space<vmem_shared>>) target(%arg10 : memref<128x64xf32, #tpu.memory_space<vmem>>) offsets(%dma_start3A_75 : memref<128xi32, #tpu.memory_space<vmem>>) semaphore(%arg14 : memref<!tpu.dma_semaphore, #tpu.memory_space<semaphore_mem>>)
    }
    %scan3A_20 = arith.constant 20 : i32
    %dma_wait3A = arith.constant 0 : i32
    %dma_wait3A_21 = arith.constant 0 : i32
    %dma_wait3A_22 = tpu.memref_slice %arg7[%dma_wait3A, %dma_wait3A_21] : memref<40x128xi32, #tpu.memory_space<vmem>> -> memref<1x128xi32, #tpu.memory_space<vmem>>
    %dma_wait3A_23 = tpu.memref_squeeze %dma_wait3A_22 : memref<1x128xi32, #tpu.memory_space<vmem>> -> memref<128xi32, #tpu.memory_space<vmem>>
    %dma_wait3A_24 = arith.constant 0 : i32
    %dma_wait3A_25 = arith.constant 0 : i32
    %dma_wait3A_26 = tpu.memref_slice %arg12[%dma_wait3A_24, %dma_wait3A_25] : memref<10112x64xf32, #tpu.memory_space<vmem_shared>> -> memref<10112x64xf32, #tpu.memory_space<vmem_shared>>
    tpu.wait_indirect_dma semaphore(%arg13 : memref<!tpu.dma_semaphore, #tpu.memory_space<semaphore_mem>>) src(%dma_wait3A_26 : memref<10112x64xf32, #tpu.memory_space<vmem_shared>>) dst(%arg9 : memref<128x64xf32, #tpu.memory_space<vmem>>)
    %dma_wait3A_27 = arith.constant 0 : i32
    %dma_wait3A_28 = arith.constant 0 : i32
    %dma_wait3A_29 = tpu.memref_slice %arg7[%dma_wait3A_27, %dma_wait3A_28] : memref<40x128xi32, #tpu.memory_space<vmem>> -> memref<1x128xi32, #tpu.memory_space<vmem>>
    %dma_wait3A_30 = tpu.memref_squeeze %dma_wait3A_29 : memref<1x128xi32, #tpu.memory_space<vmem>> -> memref<128xi32, #tpu.memory_space<vmem>>
    %dma_wait3A_31 = arith.constant 0 : i32
    %dma_wait3A_32 = arith.constant 0 : i32
    %dma_wait3A_33 = tpu.memref_slice %arg12[%dma_wait3A_31, %dma_wait3A_32] : memref<10112x64xf32, #tpu.memory_space<vmem_shared>> -> memref<10112x64xf32, #tpu.memory_space<vmem_shared>>
    tpu.wait_indirect_dma semaphore(%arg14 : memref<!tpu.dma_semaphore, #tpu.memory_space<semaphore_mem>>) src(%dma_wait3A_33 : memref<10112x64xf32, #tpu.memory_space<vmem_shared>>) dst(%arg10 : memref<128x64xf32, #tpu.memory_space<vmem>>)
    %barrier3A_34 = arith.constant 0 : index
    tpu.barrier barrier_id(%barrier3A_34)
    "tpu.region"() ({
      %run_scoped3A = tpu.sem_alloc : memref<!tpu.dma_semaphore, #tpu.memory_space<semaphore_mem>>
      %dma_start3A_35 = arith.constant 0 : i32
      %dma_start3A_36 = tpu.memref_slice %arg6[%arg0, %mul3A_2, %dma_start3A_35] : memref<2x10112x64xf32, #tpu.memory_space<hbm>> -> memref<1x632x64xf32, #tpu.memory_space<hbm>>
      %dma_start3A_37 = tpu.memref_squeeze %dma_start3A_36 : memref<1x632x64xf32, #tpu.memory_space<hbm>> -> memref<632x64xf32, #tpu.memory_space<hbm>>
      %dma_start3A_38 = arith.constant 0 : i32
      %dma_start3A_39 = tpu.memref_slice %arg11[%mul3A_2, %dma_start3A_38] : memref<10112x64xf32, #tpu.memory_space<vmem_shared>> -> memref<632x64xf32, #tpu.memory_space<vmem_shared>>
      tpu.enqueue_dma source(%dma_start3A_39 : memref<632x64xf32, #tpu.memory_space<vmem_shared>>) target(%dma_start3A_37 : memref<632x64xf32, #tpu.memory_space<hbm>>) target_semaphore(%run_scoped3A : memref<!tpu.dma_semaphore, #tpu.memory_space<semaphore_mem>>)
      %dma_wait3A_40 = arith.constant 0 : i32
      %dma_wait3A_41 = tpu.memref_slice %arg6[%arg0, %mul3A_2, %dma_wait3A_40] : memref<2x10112x64xf32, #tpu.memory_space<hbm>> -> memref<1x632x64xf32, #tpu.memory_space<hbm>>
      %dma_wait3A_42 = tpu.memref_squeeze %dma_wait3A_41 : memref<1x632x64xf32, #tpu.memory_space<hbm>> -> memref<632x64xf32, #tpu.memory_space<hbm>>
      %dma_wait3A_43 = arith.constant 0 : i32
      %dma_wait3A_44 = tpu.memref_slice %arg11[%mul3A_2, %dma_wait3A_43] : memref<10112x64xf32, #tpu.memory_space<vmem_shared>> -> memref<632x64xf32, #tpu.memory_space<vmem_shared>>
      tpu.wait_dma2 semaphore(%run_scoped3A : memref<!tpu.dma_semaphore, #tpu.memory_space<semaphore_mem>>) src(%dma_wait3A_44 : memref<632x64xf32, #tpu.memory_space<vmem_shared>>) dst(%dma_wait3A_42 : memref<632x64xf32, #tpu.memory_space<hbm>>)
      tpu.yield
    }) : () -> ()
    return
  }
}

#map = affine_map<(d0, d1) -> (0, 0)>
#map1 = affine_map<(d0, d1) -> (0, 0, 0)>
module attributes {stable_mosaic.version = 14 : i64} {
  func.func @agg(%arg0: i32, %arg1: i32, %arg2: memref<10112x64xf32, #tpu.memory_space<hbm>>, %arg3: memref<32x40x128xi32, #tpu.memory_space<hbm>>, %arg4: memref<32x40x128xi32, #tpu.memory_space<hbm>>, %arg5: memref<10112x64xf32, #tpu.memory_space<hbm>>, %arg6: memref<2x10112x64xf32, #tpu.memory_space<hbm>>, %arg7: memref<40x128xi32, #tpu.memory_space<vmem>>, %arg8: memref<40x128xi32, #tpu.memory_space<vmem>>, %arg9: memref<128x64xf32, #tpu.memory_space<vmem>>, %arg10: memref<128x64xf32, #tpu.memory_space<vmem>>, %arg11: memref<10112x64xf32, #tpu.memory_space<vmem_shared>>, %arg12: memref<10112x64xf32, #tpu.memory_space<vmem_shared>>, %arg13: memref<!tpu.dma_semaphore, #tpu.memory_space<semaphore_mem>>, %arg14: memref<!tpu.dma_semaphore, #tpu.memory_space<semaphore_mem>>) attributes {dimension_semantics = [#tpu.dimension_semantics<core_parallel>, #tpu.dimension_semantics<subcore_parallel>], iteration_bounds = array<i64: 2, 16>, scalar_prefetch = 0 : i64, scratch_operands = 8 : i64, tpu.core_type = #tpu.core_type<sc_vector_subcore>, window_params = [{transform_indices = #map}, {transform_indices = #map1}, {transform_indices = #map1}, {transform_indices = #map}, {transform_indices = #map1}]} {
    %mul3A = arith.constant 2 : i32
    %mul3A_0 = arith.muli %arg1, %mul3A : i32
    %add3A = arith.addi %mul3A_0, %arg0 : i32
    "tpu.region"() ({
      %run_scoped3A = tpu.sem_alloc : memref<!tpu.dma_semaphore, #tpu.memory_space<semaphore_mem>>
      %dma_start3A_35 = arith.constant 0 : i32
      %dma_start3A_36 = arith.constant 0 : i32
      %dma_start3A_37 = tpu.memref_slice %arg3[%add3A, %dma_start3A_35, %dma_start3A_36] : memref<32x40x128xi32, #tpu.memory_space<hbm>> -> memref<1x40x128xi32, #tpu.memory_space<hbm>>
      %dma_start3A_38 = tpu.memref_squeeze %dma_start3A_37 : memref<1x40x128xi32, #tpu.memory_space<hbm>> -> memref<40x128xi32, #tpu.memory_space<hbm>>
      %dma_start3A_39 = arith.constant 0 : i32
      %dma_start3A_40 = arith.constant 0 : i32
      %dma_start3A_41 = tpu.memref_slice %arg3[%add3A, %dma_start3A_39, %dma_start3A_40] : memref<32x40x128xi32, #tpu.memory_space<hbm>> -> memref<1x40x128xi32, #tpu.memory_space<hbm>>
      %dma_start3A_42 = tpu.memref_squeeze %dma_start3A_41 : memref<1x40x128xi32, #tpu.memory_space<hbm>> -> memref<40x128xi32, #tpu.memory_space<hbm>>
      tpu.enqueue_dma source(%dma_start3A_42 : memref<40x128xi32, #tpu.memory_space<hbm>>) target(%arg7 : memref<40x128xi32, #tpu.memory_space<vmem>>) target_semaphore(%run_scoped3A : memref<!tpu.dma_semaphore, #tpu.memory_space<semaphore_mem>>)
      %dma_wait3A_43 = arith.constant 0 : i32
      %dma_wait3A_44 = arith.constant 0 : i32
      %dma_wait3A_45 = tpu.memref_slice %arg3[%add3A, %dma_wait3A_43, %dma_wait3A_44] : memref<32x40x128xi32, #tpu.memory_space<hbm>> -> memref<1x40x128xi32, #tpu.memory_space<hbm>>
      %dma_wait3A_46 = tpu.memref_squeeze %dma_wait3A_45 : memref<1x40x128xi32, #tpu.memory_space<hbm>> -> memref<40x128xi32, #tpu.memory_space<hbm>>
      %dma_wait3A_47 = arith.constant 0 : i32
      %dma_wait3A_48 = arith.constant 0 : i32
      %dma_wait3A_49 = tpu.memref_slice %arg3[%add3A, %dma_wait3A_47, %dma_wait3A_48] : memref<32x40x128xi32, #tpu.memory_space<hbm>> -> memref<1x40x128xi32, #tpu.memory_space<hbm>>
      %dma_wait3A_50 = tpu.memref_squeeze %dma_wait3A_49 : memref<1x40x128xi32, #tpu.memory_space<hbm>> -> memref<40x128xi32, #tpu.memory_space<hbm>>
      tpu.wait_dma2 semaphore(%run_scoped3A : memref<!tpu.dma_semaphore, #tpu.memory_space<semaphore_mem>>) src(%dma_wait3A_50 : memref<40x128xi32, #tpu.memory_space<hbm>>) dst(%arg7 : memref<40x128xi32, #tpu.memory_space<vmem>>)
      tpu.yield
    }) : () -> ()
    "tpu.region"() ({
      %run_scoped3A = tpu.sem_alloc : memref<!tpu.dma_semaphore, #tpu.memory_space<semaphore_mem>>
      %dma_start3A_35 = arith.constant 0 : i32
      %dma_start3A_36 = arith.constant 0 : i32
      %dma_start3A_37 = tpu.memref_slice %arg4[%add3A, %dma_start3A_35, %dma_start3A_36] : memref<32x40x128xi32, #tpu.memory_space<hbm>> -> memref<1x40x128xi32, #tpu.memory_space<hbm>>
      %dma_start3A_38 = tpu.memref_squeeze %dma_start3A_37 : memref<1x40x128xi32, #tpu.memory_space<hbm>> -> memref<40x128xi32, #tpu.memory_space<hbm>>
      %dma_start3A_39 = arith.constant 0 : i32
      %dma_start3A_40 = arith.constant 0 : i32
      %dma_start3A_41 = tpu.memref_slice %arg4[%add3A, %dma_start3A_39, %dma_start3A_40] : memref<32x40x128xi32, #tpu.memory_space<hbm>> -> memref<1x40x128xi32, #tpu.memory_space<hbm>>
      %dma_start3A_42 = tpu.memref_squeeze %dma_start3A_41 : memref<1x40x128xi32, #tpu.memory_space<hbm>> -> memref<40x128xi32, #tpu.memory_space<hbm>>
      tpu.enqueue_dma source(%dma_start3A_42 : memref<40x128xi32, #tpu.memory_space<hbm>>) target(%arg8 : memref<40x128xi32, #tpu.memory_space<vmem>>) target_semaphore(%run_scoped3A : memref<!tpu.dma_semaphore, #tpu.memory_space<semaphore_mem>>)
      %dma_wait3A_43 = arith.constant 0 : i32
      %dma_wait3A_44 = arith.constant 0 : i32
      %dma_wait3A_45 = tpu.memref_slice %arg4[%add3A, %dma_wait3A_43, %dma_wait3A_44] : memref<32x40x128xi32, #tpu.memory_space<hbm>> -> memref<1x40x128xi32, #tpu.memory_space<hbm>>
      %dma_wait3A_46 = tpu.memref_squeeze %dma_wait3A_45 : memref<1x40x128xi32, #tpu.memory_space<hbm>> -> memref<40x128xi32, #tpu.memory_space<hbm>>
      %dma_wait3A_47 = arith.constant 0 : i32
      %dma_wait3A_48 = arith.constant 0 : i32
      %dma_wait3A_49 = tpu.memref_slice %arg4[%add3A, %dma_wait3A_47, %dma_wait3A_48] : memref<32x40x128xi32, #tpu.memory_space<hbm>> -> memref<1x40x128xi32, #tpu.memory_space<hbm>>
      %dma_wait3A_50 = tpu.memref_squeeze %dma_wait3A_49 : memref<1x40x128xi32, #tpu.memory_space<hbm>> -> memref<40x128xi32, #tpu.memory_space<hbm>>
      tpu.wait_dma2 semaphore(%run_scoped3A : memref<!tpu.dma_semaphore, #tpu.memory_space<semaphore_mem>>) src(%dma_wait3A_50 : memref<40x128xi32, #tpu.memory_space<hbm>>) dst(%arg8 : memref<40x128xi32, #tpu.memory_space<vmem>>)
      tpu.yield
    }) : () -> ()
    %mul3A_1 = arith.constant 632 : i32
    %mul3A_2 = arith.muli %arg1, %mul3A_1 : i32
    "tpu.region"() ({
      %run_scoped3A = tpu.sem_alloc : memref<!tpu.dma_semaphore, #tpu.memory_space<semaphore_mem>>
      %dma_start3A_35 = arith.constant 0 : i32
      %dma_start3A_36 = tpu.memref_slice %arg11[%mul3A_2, %dma_start3A_35] : memref<10112x64xf32, #tpu.memory_space<vmem_shared>> -> memref<632x64xf32, #tpu.memory_space<vmem_shared>>
      %dma_start3A_37 = arith.constant 0 : i32
      %dma_start3A_38 = tpu.memref_slice %arg5[%mul3A_2, %dma_start3A_37] : memref<10112x64xf32, #tpu.memory_space<hbm>> -> memref<632x64xf32, #tpu.memory_space<hbm>>
      tpu.enqueue_dma source(%dma_start3A_38 : memref<632x64xf32, #tpu.memory_space<hbm>>) target(%dma_start3A_36 : memref<632x64xf32, #tpu.memory_space<vmem_shared>>) target_semaphore(%run_scoped3A : memref<!tpu.dma_semaphore, #tpu.memory_space<semaphore_mem>>)
      %dma_wait3A_39 = arith.constant 0 : i32
      %dma_wait3A_40 = tpu.memref_slice %arg11[%mul3A_2, %dma_wait3A_39] : memref<10112x64xf32, #tpu.memory_space<vmem_shared>> -> memref<632x64xf32, #tpu.memory_space<vmem_shared>>
      %dma_wait3A_41 = arith.constant 0 : i32
      %dma_wait3A_42 = tpu.memref_slice %arg5[%mul3A_2, %dma_wait3A_41] : memref<10112x64xf32, #tpu.memory_space<hbm>> -> memref<632x64xf32, #tpu.memory_space<hbm>>
      tpu.wait_dma2 semaphore(%run_scoped3A : memref<!tpu.dma_semaphore, #tpu.memory_space<semaphore_mem>>) src(%dma_wait3A_42 : memref<632x64xf32, #tpu.memory_space<hbm>>) dst(%dma_wait3A_40 : memref<632x64xf32, #tpu.memory_space<vmem_shared>>)
      tpu.yield
    }) : () -> ()
    "tpu.region"() ({
      %run_scoped3A = tpu.sem_alloc : memref<!tpu.dma_semaphore, #tpu.memory_space<semaphore_mem>>
      %dma_start3A_35 = arith.constant 0 : i32
      %dma_start3A_36 = tpu.memref_slice %arg12[%mul3A_2, %dma_start3A_35] : memref<10112x64xf32, #tpu.memory_space<vmem_shared>> -> memref<632x64xf32, #tpu.memory_space<vmem_shared>>
      %dma_start3A_37 = arith.constant 0 : i32
      %dma_start3A_38 = tpu.memref_slice %arg2[%mul3A_2, %dma_start3A_37] : memref<10112x64xf32, #tpu.memory_space<hbm>> -> memref<632x64xf32, #tpu.memory_space<hbm>>
      tpu.enqueue_dma source(%dma_start3A_38 : memref<632x64xf32, #tpu.memory_space<hbm>>) target(%dma_start3A_36 : memref<632x64xf32, #tpu.memory_space<vmem_shared>>) target_semaphore(%run_scoped3A : memref<!tpu.dma_semaphore, #tpu.memory_space<semaphore_mem>>)
      %dma_wait3A_39 = arith.constant 0 : i32
      %dma_wait3A_40 = tpu.memref_slice %arg12[%mul3A_2, %dma_wait3A_39] : memref<10112x64xf32, #tpu.memory_space<vmem_shared>> -> memref<632x64xf32, #tpu.memory_space<vmem_shared>>
      %dma_wait3A_41 = arith.constant 0 : i32
      %dma_wait3A_42 = tpu.memref_slice %arg2[%mul3A_2, %dma_wait3A_41] : memref<10112x64xf32, #tpu.memory_space<hbm>> -> memref<632x64xf32, #tpu.memory_space<hbm>>
      tpu.wait_dma2 semaphore(%run_scoped3A : memref<!tpu.dma_semaphore, #tpu.memory_space<semaphore_mem>>) src(%dma_wait3A_42 : memref<632x64xf32, #tpu.memory_space<hbm>>) dst(%dma_wait3A_40 : memref<632x64xf32, #tpu.memory_space<vmem_shared>>)
      tpu.yield
    }) : () -> ()
    %barrier3A = arith.constant 0 : index
    tpu.barrier barrier_id(%barrier3A)
    %dma_start3A = arith.constant 0 : i32
    %dma_start3A_3 = arith.constant 0 : i32
    %dma_start3A_4 = tpu.memref_slice %arg7[%dma_start3A, %dma_start3A_3] : memref<40x128xi32, #tpu.memory_space<vmem>> -> memref<1x128xi32, #tpu.memory_space<vmem>>
    %dma_start3A_5 = tpu.memref_squeeze %dma_start3A_4 : memref<1x128xi32, #tpu.memory_space<vmem>> -> memref<128xi32, #tpu.memory_space<vmem>>
    %dma_start3A_6 = arith.constant 0 : i32
    %dma_start3A_7 = arith.constant 0 : i32
    %dma_start3A_8 = tpu.memref_slice %arg12[%dma_start3A_6, %dma_start3A_7] : memref<10112x64xf32, #tpu.memory_space<vmem_shared>> -> memref<10112x64xf32, #tpu.memory_space<vmem_shared>>
    tpu.enqueue_indirect_dma source(%dma_start3A_8 : memref<10112x64xf32, #tpu.memory_space<vmem_shared>>) target(%arg9 : memref<128x64xf32, #tpu.memory_space<vmem>>) offsets(%dma_start3A_5 : memref<128xi32, #tpu.memory_space<vmem>>) semaphore(%arg13 : memref<!tpu.dma_semaphore, #tpu.memory_space<semaphore_mem>>)
    %dma_start3A_9 = arith.constant 1 : i32
    %dma_start3A_10 = arith.constant 0 : i32
    %dma_start3A_11 = tpu.memref_slice %arg7[%dma_start3A_9, %dma_start3A_10] : memref<40x128xi32, #tpu.memory_space<vmem>> -> memref<1x128xi32, #tpu.memory_space<vmem>>
    %dma_start3A_12 = tpu.memref_squeeze %dma_start3A_11 : memref<1x128xi32, #tpu.memory_space<vmem>> -> memref<128xi32, #tpu.memory_space<vmem>>
    %dma_start3A_13 = arith.constant 0 : i32
    %dma_start3A_14 = arith.constant 0 : i32
    %dma_start3A_15 = tpu.memref_slice %arg12[%dma_start3A_13, %dma_start3A_14] : memref<10112x64xf32, #tpu.memory_space<vmem_shared>> -> memref<10112x64xf32, #tpu.memory_space<vmem_shared>>
    tpu.enqueue_indirect_dma source(%dma_start3A_15 : memref<10112x64xf32, #tpu.memory_space<vmem_shared>>) target(%arg10 : memref<128x64xf32, #tpu.memory_space<vmem>>) offsets(%dma_start3A_12 : memref<128xi32, #tpu.memory_space<vmem>>) semaphore(%arg14 : memref<!tpu.dma_semaphore, #tpu.memory_space<semaphore_mem>>)
    %scan3A = arith.constant 0 : i32
    %scan3A_16 = arith.constant 0 : i32
    %scan3A_17 = arith.constant 20 : i32
    %scan3A_18 = arith.addi %scan3A_16, %scan3A_17 : i32
    %scan3A_19 = arith.constant 1 : i32
    scf.for %scan3A_35 = %scan3A_16 to %scan3A_18 step %scan3A_19  : i32 {
      %mul3A_36 = arith.constant 2 : i32
      %mul3A_37 = arith.muli %mul3A_36, %scan3A_35 : i32
      %dma_wait3A_38 = arith.constant 0 : i32
      %dma_wait3A_39 = arith.constant 0 : i32
      %dma_wait3A_40 = tpu.memref_slice %arg7[%dma_wait3A_38, %dma_wait3A_39] : memref<40x128xi32, #tpu.memory_space<vmem>> -> memref<1x128xi32, #tpu.memory_space<vmem>>
      %dma_wait3A_41 = tpu.memref_squeeze %dma_wait3A_40 : memref<1x128xi32, #tpu.memory_space<vmem>> -> memref<128xi32, #tpu.memory_space<vmem>>
      %dma_wait3A_42 = arith.constant 0 : i32
      %dma_wait3A_43 = arith.constant 0 : i32
      %dma_wait3A_44 = tpu.memref_slice %arg12[%dma_wait3A_42, %dma_wait3A_43] : memref<10112x64xf32, #tpu.memory_space<vmem_shared>> -> memref<10112x64xf32, #tpu.memory_space<vmem_shared>>
      tpu.wait_indirect_dma semaphore(%arg13 : memref<!tpu.dma_semaphore, #tpu.memory_space<semaphore_mem>>) src(%dma_wait3A_44 : memref<10112x64xf32, #tpu.memory_space<vmem_shared>>) dst(%arg9 : memref<128x64xf32, #tpu.memory_space<vmem>>)
      %add3A_45 = arith.constant 0 : i32
      %add3A_46 = arith.addi %mul3A_37, %add3A_45 : i32
      "tpu.region"() ({
        %run_scoped3A = tpu.sem_alloc : memref<!tpu.dma_semaphore, #tpu.memory_space<semaphore_mem>>
        %dma_start3A_79 = arith.constant 0 : i32
        %dma_start3A_80 = tpu.memref_slice %arg8[%add3A_46, %dma_start3A_79] : memref<40x128xi32, #tpu.memory_space<vmem>> -> memref<1x128xi32, #tpu.memory_space<vmem>>
        %dma_start3A_81 = tpu.memref_squeeze %dma_start3A_80 : memref<1x128xi32, #tpu.memory_space<vmem>> -> memref<128xi32, #tpu.memory_space<vmem>>
        %dma_start3A_82 = arith.constant 0 : i32
        %dma_start3A_83 = arith.constant 0 : i32
        %dma_start3A_84 = tpu.memref_slice %arg11[%dma_start3A_82, %dma_start3A_83] : memref<10112x64xf32, #tpu.memory_space<vmem_shared>> -> memref<10112x64xf32, #tpu.memory_space<vmem_shared>>
        tpu.enqueue_indirect_dma source(%arg9 : memref<128x64xf32, #tpu.memory_space<vmem>>) target(%dma_start3A_84 : memref<10112x64xf32, #tpu.memory_space<vmem_shared>>) offsets(%dma_start3A_81 : memref<128xi32, #tpu.memory_space<vmem>>) semaphore(%run_scoped3A : memref<!tpu.dma_semaphore, #tpu.memory_space<semaphore_mem>>) {add = true}
        %dma_wait3A_85 = arith.constant 0 : i32
        %dma_wait3A_86 = tpu.memref_slice %arg8[%add3A_46, %dma_wait3A_85] : memref<40x128xi32, #tpu.memory_space<vmem>> -> memref<1x128xi32, #tpu.memory_space<vmem>>
        %dma_wait3A_87 = tpu.memref_squeeze %dma_wait3A_86 : memref<1x128xi32, #tpu.memory_space<vmem>> -> memref<128xi32, #tpu.memory_space<vmem>>
        %dma_wait3A_88 = arith.constant 0 : i32
        %dma_wait3A_89 = arith.constant 0 : i32
        %dma_wait3A_90 = tpu.memref_slice %arg11[%dma_wait3A_88, %dma_wait3A_89] : memref<10112x64xf32, #tpu.memory_space<vmem_shared>> -> memref<10112x64xf32, #tpu.memory_space<vmem_shared>>
        tpu.wait_indirect_dma semaphore(%run_scoped3A : memref<!tpu.dma_semaphore, #tpu.memory_space<semaphore_mem>>) src(%arg9 : memref<128x64xf32, #tpu.memory_space<vmem>>) dst(%dma_wait3A_90 : memref<10112x64xf32, #tpu.memory_space<vmem_shared>>)
        tpu.yield
      }) : () -> ()
      %add3A_47 = arith.constant 2 : i32
      %add3A_48 = arith.addi %mul3A_37, %add3A_47 : i32
      %add3A_49 = arith.constant 0 : i32
      %add3A_50 = arith.addi %add3A_48, %add3A_49 : i32
      %min3A = arith.constant 39 : i32
      %min3A_51 = arith.minsi %add3A_50, %min3A : i32
      %dma_start3A_52 = arith.constant 0 : i32
      %dma_start3A_53 = tpu.memref_slice %arg7[%min3A_51, %dma_start3A_52] : memref<40x128xi32, #tpu.memory_space<vmem>> -> memref<1x128xi32, #tpu.memory_space<vmem>>
      %dma_start3A_54 = tpu.memref_squeeze %dma_start3A_53 : memref<1x128xi32, #tpu.memory_space<vmem>> -> memref<128xi32, #tpu.memory_space<vmem>>
      %dma_start3A_55 = arith.constant 0 : i32
      %dma_start3A_56 = arith.constant 0 : i32
      %dma_start3A_57 = tpu.memref_slice %arg12[%dma_start3A_55, %dma_start3A_56] : memref<10112x64xf32, #tpu.memory_space<vmem_shared>> -> memref<10112x64xf32, #tpu.memory_space<vmem_shared>>
      tpu.enqueue_indirect_dma source(%dma_start3A_57 : memref<10112x64xf32, #tpu.memory_space<vmem_shared>>) target(%arg9 : memref<128x64xf32, #tpu.memory_space<vmem>>) offsets(%dma_start3A_54 : memref<128xi32, #tpu.memory_space<vmem>>) semaphore(%arg13 : memref<!tpu.dma_semaphore, #tpu.memory_space<semaphore_mem>>)
      %dma_wait3A_58 = arith.constant 0 : i32
      %dma_wait3A_59 = arith.constant 0 : i32
      %dma_wait3A_60 = tpu.memref_slice %arg7[%dma_wait3A_58, %dma_wait3A_59] : memref<40x128xi32, #tpu.memory_space<vmem>> -> memref<1x128xi32, #tpu.memory_space<vmem>>
      %dma_wait3A_61 = tpu.memref_squeeze %dma_wait3A_60 : memref<1x128xi32, #tpu.memory_space<vmem>> -> memref<128xi32, #tpu.memory_space<vmem>>
      %dma_wait3A_62 = arith.constant 0 : i32
      %dma_wait3A_63 = arith.constant 0 : i32
      %dma_wait3A_64 = tpu.memref_slice %arg12[%dma_wait3A_62, %dma_wait3A_63] : memref<10112x64xf32, #tpu.memory_space<vmem_shared>> -> memref<10112x64xf32, #tpu.memory_space<vmem_shared>>
      tpu.wait_indirect_dma semaphore(%arg14 : memref<!tpu.dma_semaphore, #tpu.memory_space<semaphore_mem>>) src(%dma_wait3A_64 : memref<10112x64xf32, #tpu.memory_space<vmem_shared>>) dst(%arg10 : memref<128x64xf32, #tpu.memory_space<vmem>>)
      %add3A_65 = arith.constant 1 : i32
      %add3A_66 = arith.addi %mul3A_37, %add3A_65 : i32
      "tpu.region"() ({
        %run_scoped3A = tpu.sem_alloc : memref<!tpu.dma_semaphore, #tpu.memory_space<semaphore_mem>>
        %dma_start3A_79 = arith.constant 0 : i32
        %dma_start3A_80 = tpu.memref_slice %arg8[%add3A_66, %dma_start3A_79] : memref<40x128xi32, #tpu.memory_space<vmem>> -> memref<1x128xi32, #tpu.memory_space<vmem>>
        %dma_start3A_81 = tpu.memref_squeeze %dma_start3A_80 : memref<1x128xi32, #tpu.memory_space<vmem>> -> memref<128xi32, #tpu.memory_space<vmem>>
        %dma_start3A_82 = arith.constant 0 : i32
        %dma_start3A_83 = arith.constant 0 : i32
        %dma_start3A_84 = tpu.memref_slice %arg11[%dma_start3A_82, %dma_start3A_83] : memref<10112x64xf32, #tpu.memory_space<vmem_shared>> -> memref<10112x64xf32, #tpu.memory_space<vmem_shared>>
        tpu.enqueue_indirect_dma source(%arg10 : memref<128x64xf32, #tpu.memory_space<vmem>>) target(%dma_start3A_84 : memref<10112x64xf32, #tpu.memory_space<vmem_shared>>) offsets(%dma_start3A_81 : memref<128xi32, #tpu.memory_space<vmem>>) semaphore(%run_scoped3A : memref<!tpu.dma_semaphore, #tpu.memory_space<semaphore_mem>>) {add = true}
        %dma_wait3A_85 = arith.constant 0 : i32
        %dma_wait3A_86 = tpu.memref_slice %arg8[%add3A_66, %dma_wait3A_85] : memref<40x128xi32, #tpu.memory_space<vmem>> -> memref<1x128xi32, #tpu.memory_space<vmem>>
        %dma_wait3A_87 = tpu.memref_squeeze %dma_wait3A_86 : memref<1x128xi32, #tpu.memory_space<vmem>> -> memref<128xi32, #tpu.memory_space<vmem>>
        %dma_wait3A_88 = arith.constant 0 : i32
        %dma_wait3A_89 = arith.constant 0 : i32
        %dma_wait3A_90 = tpu.memref_slice %arg11[%dma_wait3A_88, %dma_wait3A_89] : memref<10112x64xf32, #tpu.memory_space<vmem_shared>> -> memref<10112x64xf32, #tpu.memory_space<vmem_shared>>
        tpu.wait_indirect_dma semaphore(%run_scoped3A : memref<!tpu.dma_semaphore, #tpu.memory_space<semaphore_mem>>) src(%arg10 : memref<128x64xf32, #tpu.memory_space<vmem>>) dst(%dma_wait3A_90 : memref<10112x64xf32, #tpu.memory_space<vmem_shared>>)
        tpu.yield
      }) : () -> ()
      %add3A_67 = arith.constant 2 : i32
      %add3A_68 = arith.addi %mul3A_37, %add3A_67 : i32
      %add3A_69 = arith.constant 1 : i32
      %add3A_70 = arith.addi %add3A_68, %add3A_69 : i32
      %min3A_71 = arith.constant 39 : i32
      %min3A_72 = arith.minsi %add3A_70, %min3A_71 : i32
      %dma_start3A_73 = arith.constant 0 : i32
      %dma_start3A_74 = tpu.memref_slice %arg7[%min3A_72, %dma_start3A_73] : memref<40x128xi32, #tpu.memory_space<vmem>> -> memref<1x128xi32, #tpu.memory_space<vmem>>
      %dma_start3A_75 = tpu.memref_squeeze %dma_start3A_74 : memref<1x128xi32, #tpu.memory_space<vmem>> -> memref<128xi32, #tpu.memory_space<vmem>>
      %dma_start3A_76 = arith.constant 0 : i32
      %dma_start3A_77 = arith.constant 0 : i32
      %dma_start3A_78 = tpu.memref_slice %arg12[%dma_start3A_76, %dma_start3A_77] : memref<10112x64xf32, #tpu.memory_space<vmem_shared>> -> memref<10112x64xf32, #tpu.memory_space<vmem_shared>>
      tpu.enqueue_indirect_dma source(%dma_start3A_78 : memref<10112x64xf32, #tpu.memory_space<vmem_shared>>) target(%arg10 : memref<128x64xf32, #tpu.memory_space<vmem>>) offsets(%dma_start3A_75 : memref<128xi32, #tpu.memory_space<vmem>>) semaphore(%arg14 : memref<!tpu.dma_semaphore, #tpu.memory_space<semaphore_mem>>)
    }
    %scan3A_20 = arith.constant 20 : i32
    %dma_wait3A = arith.constant 0 : i32
    %dma_wait3A_21 = arith.constant 0 : i32
    %dma_wait3A_22 = tpu.memref_slice %arg7[%dma_wait3A, %dma_wait3A_21] : memref<40x128xi32, #tpu.memory_space<vmem>> -> memref<1x128xi32, #tpu.memory_space<vmem>>
    %dma_wait3A_23 = tpu.memref_squeeze %dma_wait3A_22 : memref<1x128xi32, #tpu.memory_space<vmem>> -> memref<128xi32, #tpu.memory_space<vmem>>
    %dma_wait3A_24 = arith.constant 0 : i32
    %dma_wait3A_25 = arith.constant 0 : i32
    %dma_wait3A_26 = tpu.memref_slice %arg12[%dma_wait3A_24, %dma_wait3A_25] : memref<10112x64xf32, #tpu.memory_space<vmem_shared>> -> memref<10112x64xf32, #tpu.memory_space<vmem_shared>>
    tpu.wait_indirect_dma semaphore(%arg13 : memref<!tpu.dma_semaphore, #tpu.memory_space<semaphore_mem>>) src(%dma_wait3A_26 : memref<10112x64xf32, #tpu.memory_space<vmem_shared>>) dst(%arg9 : memref<128x64xf32, #tpu.memory_space<vmem>>)
    %dma_wait3A_27 = arith.constant 0 : i32
    %dma_wait3A_28 = arith.constant 0 : i32
    %dma_wait3A_29 = tpu.memref_slice %arg7[%dma_wait3A_27, %dma_wait3A_28] : memref<40x128xi32, #tpu.memory_space<vmem>> -> memref<1x128xi32, #tpu.memory_space<vmem>>
    %dma_wait3A_30 = tpu.memref_squeeze %dma_wait3A_29 : memref<1x128xi32, #tpu.memory_space<vmem>> -> memref<128xi32, #tpu.memory_space<vmem>>
    %dma_wait3A_31 = arith.constant 0 : i32
    %dma_wait3A_32 = arith.constant 0 : i32
    %dma_wait3A_33 = tpu.memref_slice %arg12[%dma_wait3A_31, %dma_wait3A_32] : memref<10112x64xf32, #tpu.memory_space<vmem_shared>> -> memref<10112x64xf32, #tpu.memory_space<vmem_shared>>
    tpu.wait_indirect_dma semaphore(%arg14 : memref<!tpu.dma_semaphore, #tpu.memory_space<semaphore_mem>>) src(%dma_wait3A_33 : memref<10112x64xf32, #tpu.memory_space<vmem_shared>>) dst(%arg10 : memref<128x64xf32, #tpu.memory_space<vmem>>)
    %barrier3A_34 = arith.constant 0 : index
    tpu.barrier barrier_id(%barrier3A_34)
    "tpu.region"() ({
      %run_scoped3A = tpu.sem_alloc : memref<!tpu.dma_semaphore, #tpu.memory_space<semaphore_mem>>
      %dma_start3A_35 = arith.constant 0 : i32
      %dma_start3A_36 = tpu.memref_slice %arg6[%arg0, %mul3A_2, %dma_start3A_35] : memref<2x10112x64xf32, #tpu.memory_space<hbm>> -> memref<1x632x64xf32, #tpu.memory_space<hbm>>
      %dma_start3A_37 = tpu.memref_squeeze %dma_start3A_36 : memref<1x632x64xf32, #tpu.memory_space<hbm>> -> memref<632x64xf32, #tpu.memory_space<hbm>>
      %dma_start3A_38 = arith.constant 0 : i32
      %dma_start3A_39 = tpu.memref_slice %arg11[%mul3A_2, %dma_start3A_38] : memref<10112x64xf32, #tpu.memory_space<vmem_shared>> -> memref<632x64xf32, #tpu.memory_space<vmem_shared>>
      tpu.enqueue_dma source(%dma_start3A_39 : memref<632x64xf32, #tpu.memory_space<vmem_shared>>) target(%dma_start3A_37 : memref<632x64xf32, #tpu.memory_space<hbm>>) target_semaphore(%run_scoped3A : memref<!tpu.dma_semaphore, #tpu.memory_space<semaphore_mem>>)
      %dma_wait3A_40 = arith.constant 0 : i32
      %dma_wait3A_41 = tpu.memref_slice %arg6[%arg0, %mul3A_2, %dma_wait3A_40] : memref<2x10112x64xf32, #tpu.memory_space<hbm>> -> memref<1x632x64xf32, #tpu.memory_space<hbm>>
      %dma_wait3A_42 = tpu.memref_squeeze %dma_wait3A_41 : memref<1x632x64xf32, #tpu.memory_space<hbm>> -> memref<632x64xf32, #tpu.memory_space<hbm>>
      %dma_wait3A_43 = arith.constant 0 : i32
      %dma_wait3A_44 = tpu.memref_slice %arg11[%mul3A_2, %dma_wait3A_43] : memref<10112x64xf32, #tpu.memory_space<vmem_shared>> -> memref<632x64xf32, #tpu.memory_space<vmem_shared>>
      tpu.wait_dma2 semaphore(%run_scoped3A : memref<!tpu.dma_semaphore, #tpu.memory_space<semaphore_mem>>) src(%dma_wait3A_44 : memref<632x64xf32, #tpu.memory_space<vmem_shared>>) dst(%dma_wait3A_42 : memref<632x64xf32, #tpu.memory_space<hbm>>)
      tpu.yield
    }) : () -> ()
    return
  }
}

#map = affine_map<(d0, d1) -> (0, 0)>
#map1 = affine_map<(d0, d1) -> (0, 0, 0)>
module attributes {stable_mosaic.version = 14 : i64} {
  func.func @agg(%arg0: i32, %arg1: i32, %arg2: memref<10112x64xf32, #tpu.memory_space<hbm>>, %arg3: memref<32x40x128xi32, #tpu.memory_space<hbm>>, %arg4: memref<32x40x128xi32, #tpu.memory_space<hbm>>, %arg5: memref<10112x64xf32, #tpu.memory_space<hbm>>, %arg6: memref<2x10112x64xf32, #tpu.memory_space<hbm>>, %arg7: memref<40x128xi32, #tpu.memory_space<vmem>>, %arg8: memref<40x128xi32, #tpu.memory_space<vmem>>, %arg9: memref<128x64xf32, #tpu.memory_space<vmem>>, %arg10: memref<128x64xf32, #tpu.memory_space<vmem>>, %arg11: memref<10112x64xf32, #tpu.memory_space<vmem_shared>>, %arg12: memref<10112x64xf32, #tpu.memory_space<vmem_shared>>, %arg13: memref<!tpu.dma_semaphore, #tpu.memory_space<semaphore_mem>>, %arg14: memref<!tpu.dma_semaphore, #tpu.memory_space<semaphore_mem>>) attributes {dimension_semantics = [#tpu.dimension_semantics<core_parallel>, #tpu.dimension_semantics<subcore_parallel>], iteration_bounds = array<i64: 2, 16>, scalar_prefetch = 0 : i64, scratch_operands = 8 : i64, tpu.core_type = #tpu.core_type<sc_vector_subcore>, window_params = [{transform_indices = #map}, {transform_indices = #map1}, {transform_indices = #map1}, {transform_indices = #map}, {transform_indices = #map1}]} {
    %mul3A = arith.constant 2 : i32
    %mul3A_0 = arith.muli %arg1, %mul3A : i32
    %add3A = arith.addi %mul3A_0, %arg0 : i32
    "tpu.region"() ({
      %run_scoped3A = tpu.sem_alloc : memref<!tpu.dma_semaphore, #tpu.memory_space<semaphore_mem>>
      %dma_start3A_35 = arith.constant 0 : i32
      %dma_start3A_36 = arith.constant 0 : i32
      %dma_start3A_37 = tpu.memref_slice %arg3[%add3A, %dma_start3A_35, %dma_start3A_36] : memref<32x40x128xi32, #tpu.memory_space<hbm>> -> memref<1x40x128xi32, #tpu.memory_space<hbm>>
      %dma_start3A_38 = tpu.memref_squeeze %dma_start3A_37 : memref<1x40x128xi32, #tpu.memory_space<hbm>> -> memref<40x128xi32, #tpu.memory_space<hbm>>
      %dma_start3A_39 = arith.constant 0 : i32
      %dma_start3A_40 = arith.constant 0 : i32
      %dma_start3A_41 = tpu.memref_slice %arg3[%add3A, %dma_start3A_39, %dma_start3A_40] : memref<32x40x128xi32, #tpu.memory_space<hbm>> -> memref<1x40x128xi32, #tpu.memory_space<hbm>>
      %dma_start3A_42 = tpu.memref_squeeze %dma_start3A_41 : memref<1x40x128xi32, #tpu.memory_space<hbm>> -> memref<40x128xi32, #tpu.memory_space<hbm>>
      tpu.enqueue_dma source(%dma_start3A_42 : memref<40x128xi32, #tpu.memory_space<hbm>>) target(%arg7 : memref<40x128xi32, #tpu.memory_space<vmem>>) target_semaphore(%run_scoped3A : memref<!tpu.dma_semaphore, #tpu.memory_space<semaphore_mem>>)
      %dma_wait3A_43 = arith.constant 0 : i32
      %dma_wait3A_44 = arith.constant 0 : i32
      %dma_wait3A_45 = tpu.memref_slice %arg3[%add3A, %dma_wait3A_43, %dma_wait3A_44] : memref<32x40x128xi32, #tpu.memory_space<hbm>> -> memref<1x40x128xi32, #tpu.memory_space<hbm>>
      %dma_wait3A_46 = tpu.memref_squeeze %dma_wait3A_45 : memref<1x40x128xi32, #tpu.memory_space<hbm>> -> memref<40x128xi32, #tpu.memory_space<hbm>>
      %dma_wait3A_47 = arith.constant 0 : i32
      %dma_wait3A_48 = arith.constant 0 : i32
      %dma_wait3A_49 = tpu.memref_slice %arg3[%add3A, %dma_wait3A_47, %dma_wait3A_48] : memref<32x40x128xi32, #tpu.memory_space<hbm>> -> memref<1x40x128xi32, #tpu.memory_space<hbm>>
      %dma_wait3A_50 = tpu.memref_squeeze %dma_wait3A_49 : memref<1x40x128xi32, #tpu.memory_space<hbm>> -> memref<40x128xi32, #tpu.memory_space<hbm>>
      tpu.wait_dma2 semaphore(%run_scoped3A : memref<!tpu.dma_semaphore, #tpu.memory_space<semaphore_mem>>) src(%dma_wait3A_50 : memref<40x128xi32, #tpu.memory_space<hbm>>) dst(%arg7 : memref<40x128xi32, #tpu.memory_space<vmem>>)
      tpu.yield
    }) : () -> ()
    "tpu.region"() ({
      %run_scoped3A = tpu.sem_alloc : memref<!tpu.dma_semaphore, #tpu.memory_space<semaphore_mem>>
      %dma_start3A_35 = arith.constant 0 : i32
      %dma_start3A_36 = arith.constant 0 : i32
      %dma_start3A_37 = tpu.memref_slice %arg4[%add3A, %dma_start3A_35, %dma_start3A_36] : memref<32x40x128xi32, #tpu.memory_space<hbm>> -> memref<1x40x128xi32, #tpu.memory_space<hbm>>
      %dma_start3A_38 = tpu.memref_squeeze %dma_start3A_37 : memref<1x40x128xi32, #tpu.memory_space<hbm>> -> memref<40x128xi32, #tpu.memory_space<hbm>>
      %dma_start3A_39 = arith.constant 0 : i32
      %dma_start3A_40 = arith.constant 0 : i32
      %dma_start3A_41 = tpu.memref_slice %arg4[%add3A, %dma_start3A_39, %dma_start3A_40] : memref<32x40x128xi32, #tpu.memory_space<hbm>> -> memref<1x40x128xi32, #tpu.memory_space<hbm>>
      %dma_start3A_42 = tpu.memref_squeeze %dma_start3A_41 : memref<1x40x128xi32, #tpu.memory_space<hbm>> -> memref<40x128xi32, #tpu.memory_space<hbm>>
      tpu.enqueue_dma source(%dma_start3A_42 : memref<40x128xi32, #tpu.memory_space<hbm>>) target(%arg8 : memref<40x128xi32, #tpu.memory_space<vmem>>) target_semaphore(%run_scoped3A : memref<!tpu.dma_semaphore, #tpu.memory_space<semaphore_mem>>)
      %dma_wait3A_43 = arith.constant 0 : i32
      %dma_wait3A_44 = arith.constant 0 : i32
      %dma_wait3A_45 = tpu.memref_slice %arg4[%add3A, %dma_wait3A_43, %dma_wait3A_44] : memref<32x40x128xi32, #tpu.memory_space<hbm>> -> memref<1x40x128xi32, #tpu.memory_space<hbm>>
      %dma_wait3A_46 = tpu.memref_squeeze %dma_wait3A_45 : memref<1x40x128xi32, #tpu.memory_space<hbm>> -> memref<40x128xi32, #tpu.memory_space<hbm>>
      %dma_wait3A_47 = arith.constant 0 : i32
      %dma_wait3A_48 = arith.constant 0 : i32
      %dma_wait3A_49 = tpu.memref_slice %arg4[%add3A, %dma_wait3A_47, %dma_wait3A_48] : memref<32x40x128xi32, #tpu.memory_space<hbm>> -> memref<1x40x128xi32, #tpu.memory_space<hbm>>
      %dma_wait3A_50 = tpu.memref_squeeze %dma_wait3A_49 : memref<1x40x128xi32, #tpu.memory_space<hbm>> -> memref<40x128xi32, #tpu.memory_space<hbm>>
      tpu.wait_dma2 semaphore(%run_scoped3A : memref<!tpu.dma_semaphore, #tpu.memory_space<semaphore_mem>>) src(%dma_wait3A_50 : memref<40x128xi32, #tpu.memory_space<hbm>>) dst(%arg8 : memref<40x128xi32, #tpu.memory_space<vmem>>)
      tpu.yield
    }) : () -> ()
    %mul3A_1 = arith.constant 632 : i32
    %mul3A_2 = arith.muli %arg1, %mul3A_1 : i32
    "tpu.region"() ({
      %run_scoped3A = tpu.sem_alloc : memref<!tpu.dma_semaphore, #tpu.memory_space<semaphore_mem>>
      %dma_start3A_35 = arith.constant 0 : i32
      %dma_start3A_36 = tpu.memref_slice %arg11[%mul3A_2, %dma_start3A_35] : memref<10112x64xf32, #tpu.memory_space<vmem_shared>> -> memref<632x64xf32, #tpu.memory_space<vmem_shared>>
      %dma_start3A_37 = arith.constant 0 : i32
      %dma_start3A_38 = tpu.memref_slice %arg5[%mul3A_2, %dma_start3A_37] : memref<10112x64xf32, #tpu.memory_space<hbm>> -> memref<632x64xf32, #tpu.memory_space<hbm>>
      tpu.enqueue_dma source(%dma_start3A_38 : memref<632x64xf32, #tpu.memory_space<hbm>>) target(%dma_start3A_36 : memref<632x64xf32, #tpu.memory_space<vmem_shared>>) target_semaphore(%run_scoped3A : memref<!tpu.dma_semaphore, #tpu.memory_space<semaphore_mem>>)
      %dma_wait3A_39 = arith.constant 0 : i32
      %dma_wait3A_40 = tpu.memref_slice %arg11[%mul3A_2, %dma_wait3A_39] : memref<10112x64xf32, #tpu.memory_space<vmem_shared>> -> memref<632x64xf32, #tpu.memory_space<vmem_shared>>
      %dma_wait3A_41 = arith.constant 0 : i32
      %dma_wait3A_42 = tpu.memref_slice %arg5[%mul3A_2, %dma_wait3A_41] : memref<10112x64xf32, #tpu.memory_space<hbm>> -> memref<632x64xf32, #tpu.memory_space<hbm>>
      tpu.wait_dma2 semaphore(%run_scoped3A : memref<!tpu.dma_semaphore, #tpu.memory_space<semaphore_mem>>) src(%dma_wait3A_42 : memref<632x64xf32, #tpu.memory_space<hbm>>) dst(%dma_wait3A_40 : memref<632x64xf32, #tpu.memory_space<vmem_shared>>)
      tpu.yield
    }) : () -> ()
    "tpu.region"() ({
      %run_scoped3A = tpu.sem_alloc : memref<!tpu.dma_semaphore, #tpu.memory_space<semaphore_mem>>
      %dma_start3A_35 = arith.constant 0 : i32
      %dma_start3A_36 = tpu.memref_slice %arg12[%mul3A_2, %dma_start3A_35] : memref<10112x64xf32, #tpu.memory_space<vmem_shared>> -> memref<632x64xf32, #tpu.memory_space<vmem_shared>>
      %dma_start3A_37 = arith.constant 0 : i32
      %dma_start3A_38 = tpu.memref_slice %arg2[%mul3A_2, %dma_start3A_37] : memref<10112x64xf32, #tpu.memory_space<hbm>> -> memref<632x64xf32, #tpu.memory_space<hbm>>
      tpu.enqueue_dma source(%dma_start3A_38 : memref<632x64xf32, #tpu.memory_space<hbm>>) target(%dma_start3A_36 : memref<632x64xf32, #tpu.memory_space<vmem_shared>>) target_semaphore(%run_scoped3A : memref<!tpu.dma_semaphore, #tpu.memory_space<semaphore_mem>>)
      %dma_wait3A_39 = arith.constant 0 : i32
      %dma_wait3A_40 = tpu.memref_slice %arg12[%mul3A_2, %dma_wait3A_39] : memref<10112x64xf32, #tpu.memory_space<vmem_shared>> -> memref<632x64xf32, #tpu.memory_space<vmem_shared>>
      %dma_wait3A_41 = arith.constant 0 : i32
      %dma_wait3A_42 = tpu.memref_slice %arg2[%mul3A_2, %dma_wait3A_41] : memref<10112x64xf32, #tpu.memory_space<hbm>> -> memref<632x64xf32, #tpu.memory_space<hbm>>
      tpu.wait_dma2 semaphore(%run_scoped3A : memref<!tpu.dma_semaphore, #tpu.memory_space<semaphore_mem>>) src(%dma_wait3A_42 : memref<632x64xf32, #tpu.memory_space<hbm>>) dst(%dma_wait3A_40 : memref<632x64xf32, #tpu.memory_space<vmem_shared>>)
      tpu.yield
    }) : () -> ()
    %barrier3A = arith.constant 0 : index
    tpu.barrier barrier_id(%barrier3A)
    %dma_start3A = arith.constant 0 : i32
    %dma_start3A_3 = arith.constant 0 : i32
    %dma_start3A_4 = tpu.memref_slice %arg7[%dma_start3A, %dma_start3A_3] : memref<40x128xi32, #tpu.memory_space<vmem>> -> memref<1x128xi32, #tpu.memory_space<vmem>>
    %dma_start3A_5 = tpu.memref_squeeze %dma_start3A_4 : memref<1x128xi32, #tpu.memory_space<vmem>> -> memref<128xi32, #tpu.memory_space<vmem>>
    %dma_start3A_6 = arith.constant 0 : i32
    %dma_start3A_7 = arith.constant 0 : i32
    %dma_start3A_8 = tpu.memref_slice %arg12[%dma_start3A_6, %dma_start3A_7] : memref<10112x64xf32, #tpu.memory_space<vmem_shared>> -> memref<10112x64xf32, #tpu.memory_space<vmem_shared>>
    tpu.enqueue_indirect_dma source(%dma_start3A_8 : memref<10112x64xf32, #tpu.memory_space<vmem_shared>>) target(%arg9 : memref<128x64xf32, #tpu.memory_space<vmem>>) offsets(%dma_start3A_5 : memref<128xi32, #tpu.memory_space<vmem>>) semaphore(%arg13 : memref<!tpu.dma_semaphore, #tpu.memory_space<semaphore_mem>>)
    %dma_start3A_9 = arith.constant 1 : i32
    %dma_start3A_10 = arith.constant 0 : i32
    %dma_start3A_11 = tpu.memref_slice %arg7[%dma_start3A_9, %dma_start3A_10] : memref<40x128xi32, #tpu.memory_space<vmem>> -> memref<1x128xi32, #tpu.memory_space<vmem>>
    %dma_start3A_12 = tpu.memref_squeeze %dma_start3A_11 : memref<1x128xi32, #tpu.memory_space<vmem>> -> memref<128xi32, #tpu.memory_space<vmem>>
    %dma_start3A_13 = arith.constant 0 : i32
    %dma_start3A_14 = arith.constant 0 : i32
    %dma_start3A_15 = tpu.memref_slice %arg12[%dma_start3A_13, %dma_start3A_14] : memref<10112x64xf32, #tpu.memory_space<vmem_shared>> -> memref<10112x64xf32, #tpu.memory_space<vmem_shared>>
    tpu.enqueue_indirect_dma source(%dma_start3A_15 : memref<10112x64xf32, #tpu.memory_space<vmem_shared>>) target(%arg10 : memref<128x64xf32, #tpu.memory_space<vmem>>) offsets(%dma_start3A_12 : memref<128xi32, #tpu.memory_space<vmem>>) semaphore(%arg14 : memref<!tpu.dma_semaphore, #tpu.memory_space<semaphore_mem>>)
    %scan3A = arith.constant 0 : i32
    %scan3A_16 = arith.constant 0 : i32
    %scan3A_17 = arith.constant 20 : i32
    %scan3A_18 = arith.addi %scan3A_16, %scan3A_17 : i32
    %scan3A_19 = arith.constant 1 : i32
    scf.for %scan3A_35 = %scan3A_16 to %scan3A_18 step %scan3A_19  : i32 {
      %mul3A_36 = arith.constant 2 : i32
      %mul3A_37 = arith.muli %mul3A_36, %scan3A_35 : i32
      %dma_wait3A_38 = arith.constant 0 : i32
      %dma_wait3A_39 = arith.constant 0 : i32
      %dma_wait3A_40 = tpu.memref_slice %arg7[%dma_wait3A_38, %dma_wait3A_39] : memref<40x128xi32, #tpu.memory_space<vmem>> -> memref<1x128xi32, #tpu.memory_space<vmem>>
      %dma_wait3A_41 = tpu.memref_squeeze %dma_wait3A_40 : memref<1x128xi32, #tpu.memory_space<vmem>> -> memref<128xi32, #tpu.memory_space<vmem>>
      %dma_wait3A_42 = arith.constant 0 : i32
      %dma_wait3A_43 = arith.constant 0 : i32
      %dma_wait3A_44 = tpu.memref_slice %arg12[%dma_wait3A_42, %dma_wait3A_43] : memref<10112x64xf32, #tpu.memory_space<vmem_shared>> -> memref<10112x64xf32, #tpu.memory_space<vmem_shared>>
      tpu.wait_indirect_dma semaphore(%arg13 : memref<!tpu.dma_semaphore, #tpu.memory_space<semaphore_mem>>) src(%dma_wait3A_44 : memref<10112x64xf32, #tpu.memory_space<vmem_shared>>) dst(%arg9 : memref<128x64xf32, #tpu.memory_space<vmem>>)
      %add3A_45 = arith.constant 0 : i32
      %add3A_46 = arith.addi %mul3A_37, %add3A_45 : i32
      "tpu.region"() ({
        %run_scoped3A = tpu.sem_alloc : memref<!tpu.dma_semaphore, #tpu.memory_space<semaphore_mem>>
        %dma_start3A_79 = arith.constant 0 : i32
        %dma_start3A_80 = tpu.memref_slice %arg8[%add3A_46, %dma_start3A_79] : memref<40x128xi32, #tpu.memory_space<vmem>> -> memref<1x128xi32, #tpu.memory_space<vmem>>
        %dma_start3A_81 = tpu.memref_squeeze %dma_start3A_80 : memref<1x128xi32, #tpu.memory_space<vmem>> -> memref<128xi32, #tpu.memory_space<vmem>>
        %dma_start3A_82 = arith.constant 0 : i32
        %dma_start3A_83 = arith.constant 0 : i32
        %dma_start3A_84 = tpu.memref_slice %arg11[%dma_start3A_82, %dma_start3A_83] : memref<10112x64xf32, #tpu.memory_space<vmem_shared>> -> memref<10112x64xf32, #tpu.memory_space<vmem_shared>>
        tpu.enqueue_indirect_dma source(%arg9 : memref<128x64xf32, #tpu.memory_space<vmem>>) target(%dma_start3A_84 : memref<10112x64xf32, #tpu.memory_space<vmem_shared>>) offsets(%dma_start3A_81 : memref<128xi32, #tpu.memory_space<vmem>>) semaphore(%run_scoped3A : memref<!tpu.dma_semaphore, #tpu.memory_space<semaphore_mem>>) {add = true}
        %dma_wait3A_85 = arith.constant 0 : i32
        %dma_wait3A_86 = tpu.memref_slice %arg8[%add3A_46, %dma_wait3A_85] : memref<40x128xi32, #tpu.memory_space<vmem>> -> memref<1x128xi32, #tpu.memory_space<vmem>>
        %dma_wait3A_87 = tpu.memref_squeeze %dma_wait3A_86 : memref<1x128xi32, #tpu.memory_space<vmem>> -> memref<128xi32, #tpu.memory_space<vmem>>
        %dma_wait3A_88 = arith.constant 0 : i32
        %dma_wait3A_89 = arith.constant 0 : i32
        %dma_wait3A_90 = tpu.memref_slice %arg11[%dma_wait3A_88, %dma_wait3A_89] : memref<10112x64xf32, #tpu.memory_space<vmem_shared>> -> memref<10112x64xf32, #tpu.memory_space<vmem_shared>>
        tpu.wait_indirect_dma semaphore(%run_scoped3A : memref<!tpu.dma_semaphore, #tpu.memory_space<semaphore_mem>>) src(%arg9 : memref<128x64xf32, #tpu.memory_space<vmem>>) dst(%dma_wait3A_90 : memref<10112x64xf32, #tpu.memory_space<vmem_shared>>)
        tpu.yield
      }) : () -> ()
      %add3A_47 = arith.constant 2 : i32
      %add3A_48 = arith.addi %mul3A_37, %add3A_47 : i32
      %add3A_49 = arith.constant 0 : i32
      %add3A_50 = arith.addi %add3A_48, %add3A_49 : i32
      %min3A = arith.constant 39 : i32
      %min3A_51 = arith.minsi %add3A_50, %min3A : i32
      %dma_start3A_52 = arith.constant 0 : i32
      %dma_start3A_53 = tpu.memref_slice %arg7[%min3A_51, %dma_start3A_52] : memref<40x128xi32, #tpu.memory_space<vmem>> -> memref<1x128xi32, #tpu.memory_space<vmem>>
      %dma_start3A_54 = tpu.memref_squeeze %dma_start3A_53 : memref<1x128xi32, #tpu.memory_space<vmem>> -> memref<128xi32, #tpu.memory_space<vmem>>
      %dma_start3A_55 = arith.constant 0 : i32
      %dma_start3A_56 = arith.constant 0 : i32
      %dma_start3A_57 = tpu.memref_slice %arg12[%dma_start3A_55, %dma_start3A_56] : memref<10112x64xf32, #tpu.memory_space<vmem_shared>> -> memref<10112x64xf32, #tpu.memory_space<vmem_shared>>
      tpu.enqueue_indirect_dma source(%dma_start3A_57 : memref<10112x64xf32, #tpu.memory_space<vmem_shared>>) target(%arg9 : memref<128x64xf32, #tpu.memory_space<vmem>>) offsets(%dma_start3A_54 : memref<128xi32, #tpu.memory_space<vmem>>) semaphore(%arg13 : memref<!tpu.dma_semaphore, #tpu.memory_space<semaphore_mem>>)
      %dma_wait3A_58 = arith.constant 0 : i32
      %dma_wait3A_59 = arith.constant 0 : i32
      %dma_wait3A_60 = tpu.memref_slice %arg7[%dma_wait3A_58, %dma_wait3A_59] : memref<40x128xi32, #tpu.memory_space<vmem>> -> memref<1x128xi32, #tpu.memory_space<vmem>>
      %dma_wait3A_61 = tpu.memref_squeeze %dma_wait3A_60 : memref<1x128xi32, #tpu.memory_space<vmem>> -> memref<128xi32, #tpu.memory_space<vmem>>
      %dma_wait3A_62 = arith.constant 0 : i32
      %dma_wait3A_63 = arith.constant 0 : i32
      %dma_wait3A_64 = tpu.memref_slice %arg12[%dma_wait3A_62, %dma_wait3A_63] : memref<10112x64xf32, #tpu.memory_space<vmem_shared>> -> memref<10112x64xf32, #tpu.memory_space<vmem_shared>>
      tpu.wait_indirect_dma semaphore(%arg14 : memref<!tpu.dma_semaphore, #tpu.memory_space<semaphore_mem>>) src(%dma_wait3A_64 : memref<10112x64xf32, #tpu.memory_space<vmem_shared>>) dst(%arg10 : memref<128x64xf32, #tpu.memory_space<vmem>>)
      %add3A_65 = arith.constant 1 : i32
      %add3A_66 = arith.addi %mul3A_37, %add3A_65 : i32
      "tpu.region"() ({
        %run_scoped3A = tpu.sem_alloc : memref<!tpu.dma_semaphore, #tpu.memory_space<semaphore_mem>>
        %dma_start3A_79 = arith.constant 0 : i32
        %dma_start3A_80 = tpu.memref_slice %arg8[%add3A_66, %dma_start3A_79] : memref<40x128xi32, #tpu.memory_space<vmem>> -> memref<1x128xi32, #tpu.memory_space<vmem>>
        %dma_start3A_81 = tpu.memref_squeeze %dma_start3A_80 : memref<1x128xi32, #tpu.memory_space<vmem>> -> memref<128xi32, #tpu.memory_space<vmem>>
        %dma_start3A_82 = arith.constant 0 : i32
        %dma_start3A_83 = arith.constant 0 : i32
        %dma_start3A_84 = tpu.memref_slice %arg11[%dma_start3A_82, %dma_start3A_83] : memref<10112x64xf32, #tpu.memory_space<vmem_shared>> -> memref<10112x64xf32, #tpu.memory_space<vmem_shared>>
        tpu.enqueue_indirect_dma source(%arg10 : memref<128x64xf32, #tpu.memory_space<vmem>>) target(%dma_start3A_84 : memref<10112x64xf32, #tpu.memory_space<vmem_shared>>) offsets(%dma_start3A_81 : memref<128xi32, #tpu.memory_space<vmem>>) semaphore(%run_scoped3A : memref<!tpu.dma_semaphore, #tpu.memory_space<semaphore_mem>>) {add = true}
        %dma_wait3A_85 = arith.constant 0 : i32
        %dma_wait3A_86 = tpu.memref_slice %arg8[%add3A_66, %dma_wait3A_85] : memref<40x128xi32, #tpu.memory_space<vmem>> -> memref<1x128xi32, #tpu.memory_space<vmem>>
        %dma_wait3A_87 = tpu.memref_squeeze %dma_wait3A_86 : memref<1x128xi32, #tpu.memory_space<vmem>> -> memref<128xi32, #tpu.memory_space<vmem>>
        %dma_wait3A_88 = arith.constant 0 : i32
        %dma_wait3A_89 = arith.constant 0 : i32
        %dma_wait3A_90 = tpu.memref_slice %arg11[%dma_wait3A_88, %dma_wait3A_89] : memref<10112x64xf32, #tpu.memory_space<vmem_shared>> -> memref<10112x64xf32, #tpu.memory_space<vmem_shared>>
        tpu.wait_indirect_dma semaphore(%run_scoped3A : memref<!tpu.dma_semaphore, #tpu.memory_space<semaphore_mem>>) src(%arg10 : memref<128x64xf32, #tpu.memory_space<vmem>>) dst(%dma_wait3A_90 : memref<10112x64xf32, #tpu.memory_space<vmem_shared>>)
        tpu.yield
      }) : () -> ()
      %add3A_67 = arith.constant 2 : i32
      %add3A_68 = arith.addi %mul3A_37, %add3A_67 : i32
      %add3A_69 = arith.constant 1 : i32
      %add3A_70 = arith.addi %add3A_68, %add3A_69 : i32
      %min3A_71 = arith.constant 39 : i32
      %min3A_72 = arith.minsi %add3A_70, %min3A_71 : i32
      %dma_start3A_73 = arith.constant 0 : i32
      %dma_start3A_74 = tpu.memref_slice %arg7[%min3A_72, %dma_start3A_73] : memref<40x128xi32, #tpu.memory_space<vmem>> -> memref<1x128xi32, #tpu.memory_space<vmem>>
      %dma_start3A_75 = tpu.memref_squeeze %dma_start3A_74 : memref<1x128xi32, #tpu.memory_space<vmem>> -> memref<128xi32, #tpu.memory_space<vmem>>
      %dma_start3A_76 = arith.constant 0 : i32
      %dma_start3A_77 = arith.constant 0 : i32
      %dma_start3A_78 = tpu.memref_slice %arg12[%dma_start3A_76, %dma_start3A_77] : memref<10112x64xf32, #tpu.memory_space<vmem_shared>> -> memref<10112x64xf32, #tpu.memory_space<vmem_shared>>
      tpu.enqueue_indirect_dma source(%dma_start3A_78 : memref<10112x64xf32, #tpu.memory_space<vmem_shared>>) target(%arg10 : memref<128x64xf32, #tpu.memory_space<vmem>>) offsets(%dma_start3A_75 : memref<128xi32, #tpu.memory_space<vmem>>) semaphore(%arg14 : memref<!tpu.dma_semaphore, #tpu.memory_space<semaphore_mem>>)
    }
    %scan3A_20 = arith.constant 20 : i32
    %dma_wait3A = arith.constant 0 : i32
    %dma_wait3A_21 = arith.constant 0 : i32
    %dma_wait3A_22 = tpu.memref_slice %arg7[%dma_wait3A, %dma_wait3A_21] : memref<40x128xi32, #tpu.memory_space<vmem>> -> memref<1x128xi32, #tpu.memory_space<vmem>>
    %dma_wait3A_23 = tpu.memref_squeeze %dma_wait3A_22 : memref<1x128xi32, #tpu.memory_space<vmem>> -> memref<128xi32, #tpu.memory_space<vmem>>
    %dma_wait3A_24 = arith.constant 0 : i32
    %dma_wait3A_25 = arith.constant 0 : i32
    %dma_wait3A_26 = tpu.memref_slice %arg12[%dma_wait3A_24, %dma_wait3A_25] : memref<10112x64xf32, #tpu.memory_space<vmem_shared>> -> memref<10112x64xf32, #tpu.memory_space<vmem_shared>>
    tpu.wait_indirect_dma semaphore(%arg13 : memref<!tpu.dma_semaphore, #tpu.memory_space<semaphore_mem>>) src(%dma_wait3A_26 : memref<10112x64xf32, #tpu.memory_space<vmem_shared>>) dst(%arg9 : memref<128x64xf32, #tpu.memory_space<vmem>>)
    %dma_wait3A_27 = arith.constant 0 : i32
    %dma_wait3A_28 = arith.constant 0 : i32
    %dma_wait3A_29 = tpu.memref_slice %arg7[%dma_wait3A_27, %dma_wait3A_28] : memref<40x128xi32, #tpu.memory_space<vmem>> -> memref<1x128xi32, #tpu.memory_space<vmem>>
    %dma_wait3A_30 = tpu.memref_squeeze %dma_wait3A_29 : memref<1x128xi32, #tpu.memory_space<vmem>> -> memref<128xi32, #tpu.memory_space<vmem>>
    %dma_wait3A_31 = arith.constant 0 : i32
    %dma_wait3A_32 = arith.constant 0 : i32
    %dma_wait3A_33 = tpu.memref_slice %arg12[%dma_wait3A_31, %dma_wait3A_32] : memref<10112x64xf32, #tpu.memory_space<vmem_shared>> -> memref<10112x64xf32, #tpu.memory_space<vmem_shared>>
    tpu.wait_indirect_dma semaphore(%arg14 : memref<!tpu.dma_semaphore, #tpu.memory_space<semaphore_mem>>) src(%dma_wait3A_33 : memref<10112x64xf32, #tpu.memory_space<vmem_shared>>) dst(%arg10 : memref<128x64xf32, #tpu.memory_space<vmem>>)
    %barrier3A_34 = arith.constant 0 : index
    tpu.barrier barrier_id(%barrier3A_34)
    "tpu.region"() ({
      %run_scoped3A = tpu.sem_alloc : memref<!tpu.dma_semaphore, #tpu.memory_space<semaphore_mem>>
      %dma_start3A_35 = arith.constant 0 : i32
      %dma_start3A_36 = tpu.memref_slice %arg6[%arg0, %mul3A_2, %dma_start3A_35] : memref<2x10112x64xf32, #tpu.memory_space<hbm>> -> memref<1x632x64xf32, #tpu.memory_space<hbm>>
      %dma_start3A_37 = tpu.memref_squeeze %dma_start3A_36 : memref<1x632x64xf32, #tpu.memory_space<hbm>> -> memref<632x64xf32, #tpu.memory_space<hbm>>
      %dma_start3A_38 = arith.constant 0 : i32
      %dma_start3A_39 = tpu.memref_slice %arg11[%mul3A_2, %dma_start3A_38] : memref<10112x64xf32, #tpu.memory_space<vmem_shared>> -> memref<632x64xf32, #tpu.memory_space<vmem_shared>>
      tpu.enqueue_dma source(%dma_start3A_39 : memref<632x64xf32, #tpu.memory_space<vmem_shared>>) target(%dma_start3A_37 : memref<632x64xf32, #tpu.memory_space<hbm>>) target_semaphore(%run_scoped3A : memref<!tpu.dma_semaphore, #tpu.memory_space<semaphore_mem>>)
      %dma_wait3A_40 = arith.constant 0 : i32
      %dma_wait3A_41 = tpu.memref_slice %arg6[%arg0, %mul3A_2, %dma_wait3A_40] : memref<2x10112x64xf32, #tpu.memory_space<hbm>> -> memref<1x632x64xf32, #tpu.memory_space<hbm>>
      %dma_wait3A_42 = tpu.memref_squeeze %dma_wait3A_41 : memref<1x632x64xf32, #tpu.memory_space<hbm>> -> memref<632x64xf32, #tpu.memory_space<hbm>>
      %dma_wait3A_43 = arith.constant 0 : i32
      %dma_wait3A_44 = tpu.memref_slice %arg11[%mul3A_2, %dma_wait3A_43] : memref<10112x64xf32, #tpu.memory_space<vmem_shared>> -> memref<632x64xf32, #tpu.memory_space<vmem_shared>>
      tpu.wait_dma2 semaphore(%run_scoped3A : memref<!tpu.dma_semaphore, #tpu.memory_space<semaphore_mem>>) src(%dma_wait3A_44 : memref<632x64xf32, #tpu.memory_space<vmem_shared>>) dst(%dma_wait3A_42 : memref<632x64xf32, #tpu.memory_space<hbm>>)
      tpu.yield
    }) : () -> ()
    return
  }
}

module attributes {stable_mosaic.version = 14 : i64} {
  func.func @body(%arg0: i32, %arg1: memref<400x256xf32, #tpu.memory_space<vmem>>, %arg2: memref<128x256xf32, #tpu.memory_space<vmem>>, %arg3: memref<400x64xf32, #tpu.memory_space<vmem>>, %arg4: memref<400x64xf32, #tpu.memory_space<vmem>>) attributes {dimension_semantics = [#tpu.dimension_semantics<arbitrary>], iteration_bounds = array<i64: 25>, scalar_prefetch = 0 : i64, scratch_operands = 0 : i64, tpu.core_type = #tpu.core_type<tc>, window_params = [{transform_indices = @transform_0, window_bounds = array<i64: 400, 256>}, {pipeline_mode = #tpu.pipeline_mode<synchronous>, transform_indices = @transform_1, window_bounds = array<i64: 128, 256>}, {transform_indices = @transform_2, window_bounds = array<i64: 400, 64>}, {transform_indices = @transform_3, window_bounds = array<i64: 400, 64>}]} {
    %get3A = arith.constant 0 : index
    %get3A_0 = arith.constant 0 : index
    %get3A_1 = vector.load %arg1[%get3A, %get3A_0] : memref<400x256xf32, #tpu.memory_space<vmem>>, vector<400x256xf32>
    %get3A_2 = arith.constant 0 : index
    %get3A_3 = arith.constant 0 : index
    %get3A_4 = vector.load %arg2[%get3A_2, %get3A_3] : memref<128x256xf32, #tpu.memory_space<vmem>>, vector<128x256xf32>
    %dot_general3A = arith.constant dense<0.000000e+00> : vector<400x128xf32>
    %dot_general3A_5 = tpu.matmul %get3A_1, %get3A_4, %dot_general3A {dimension_numbers = #tpu.dot_dimension_numbers<[1], [1], [0], [0], [0, 0, 1, 0], [], []>, transpose_lhs_hint = false} : vector<400x256xf32>, vector<128x256xf32>, vector<400x128xf32> -> vector<400x128xf32>
    %slice3A = vector.extract_strided_slice %dot_general3A_5 {offsets = [0, 0], sizes = [400, 64], strides = [1, 1]} : vector<400x128xf32> to vector<400x64xf32>
    %swap3A = arith.constant 0 : index
    %swap3A_6 = arith.constant 0 : index
    %swap3A_7 = vector.load %arg3[%swap3A, %swap3A_6] : memref<400x64xf32, #tpu.memory_space<vmem>>, vector<400x64xf32>
    tpu.vector_store %arg3[%swap3A, %swap3A_6], %slice3A {strides = array<i32>} : memref<400x64xf32, #tpu.memory_space<vmem>>, vector<400x64xf32>,
    %slice3A_8 = vector.extract_strided_slice %dot_general3A_5 {offsets = [0, 64], sizes = [400, 64], strides = [1, 1]} : vector<400x128xf32> to vector<400x64xf32>
    %swap3A_9 = arith.constant 0 : index
    %swap3A_10 = arith.constant 0 : index
    %swap3A_11 = vector.load %arg4[%swap3A_9, %swap3A_10] : memref<400x64xf32, #tpu.memory_space<vmem>>, vector<400x64xf32>
    tpu.vector_store %arg4[%swap3A_9, %swap3A_10], %slice3A_8 {strides = array<i32>} : memref<400x64xf32, #tpu.memory_space<vmem>>, vector<400x64xf32>,
    return
  }
  func.func @transform_0(%arg0: i32) -> (i32, i32) {
    %c0_i32 = arith.constant 0 : i32
    %c0_i32_0 = arith.constant 0 : i32
    return %arg0, %c0_i32 : i32, i32
  }
  func.func @transform_1(%arg0: i32) -> (i32, i32) {
    %c0_i32 = arith.constant 0 : i32
    %c0_i32_0 = arith.constant 0 : i32
    %c0_i32_1 = arith.constant 0 : i32
    return %c0_i32, %c0_i32_0 : i32, i32
  }
  func.func @transform_2(%arg0: i32) -> (i32, i32) {
    %c0_i32 = arith.constant 0 : i32
    %c0_i32_0 = arith.constant 0 : i32
    return %arg0, %c0_i32 : i32, i32
  }
  func.func @transform_3(%arg0: i32) -> (i32, i32) {
    %c0_i32 = arith.constant 0 : i32
    %c0_i32_0 = arith.constant 0 : i32
    return %arg0, %c0_i32 : i32, i32
  }
}

module attributes {stable_mosaic.version = 14 : i64} {
  func.func @body2(%arg0: i32, %arg1: memref<400x256xf32, #tpu.memory_space<vmem>>, %arg2: memref<2x400x64xf32, #tpu.memory_space<vmem>>, %arg3: memref<2x400x64xf32, #tpu.memory_space<vmem>>, %arg4: memref<2x400x16xf32, #tpu.memory_space<vmem>>, %arg5: memref<128x256xf32, #tpu.memory_space<vmem>>, %arg6: memref<1x128xf32, #tpu.memory_space<vmem>>, %arg7: memref<1x128xf32, #tpu.memory_space<vmem>>, %arg8: memref<1x128xf32, #tpu.memory_space<vmem>>, %arg9: memref<64x128xf32, #tpu.memory_space<vmem>>, %arg10: memref<400x128xf32, #tpu.memory_space<vmem>>, %arg11: memref<400x64xf32, #tpu.memory_space<vmem>>, %arg12: memref<400x16xf32, #tpu.memory_space<vmem>>) attributes {dimension_semantics = [#tpu.dimension_semantics<arbitrary>], iteration_bounds = array<i64: 25>, scalar_prefetch = 0 : i64, scratch_operands = 0 : i64, tpu.core_type = #tpu.core_type<tc>, window_params = [{transform_indices = @transform_0, window_bounds = array<i64: 400, 256>}, {transform_indices = @transform_1, window_bounds = array<i64: 2, 400, 64>}, {transform_indices = @transform_2, window_bounds = array<i64: 2, 400, 64>}, {transform_indices = @transform_3, window_bounds = array<i64: 2, 400, 16>}, {pipeline_mode = #tpu.pipeline_mode<synchronous>, transform_indices = @transform_4, window_bounds = array<i64: 128, 256>}, {pipeline_mode = #tpu.pipeline_mode<synchronous>, transform_indices = @transform_5, window_bounds = array<i64: 1, 128>}, {pipeline_mode = #tpu.pipeline_mode<synchronous>, transform_indices = @transform_6, window_bounds = array<i64: 1, 128>}, {pipeline_mode = #tpu.pipeline_mode<synchronous>, transform_indices = @transform_7, window_bounds = array<i64: 1, 128>}, {pipeline_mode = #tpu.pipeline_mode<synchronous>, transform_indices = @transform_8, window_bounds = array<i64: 64, 128>}, {transform_indices = @transform_9, window_bounds = array<i64: 400, 128>}, {transform_indices = @transform_10, window_bounds = array<i64: 400, 64>}, {transform_indices = @transform_11, window_bounds = array<i64: 400, 16>}]} {
    %get3A = arith.constant 0 : index
    %get3A_0 = arith.constant 0 : index
    %get3A_1 = arith.constant 0 : index
    %get3A_2 = vector.load %arg2[%get3A, %get3A_0, %get3A_1] : memref<2x400x64xf32, #tpu.memory_space<vmem>>, vector<1x400x64xf32>
    %get3A_3 = vector.shape_cast %get3A_2 : vector<1x400x64xf32> to vector<400x64xf32>
    %get3A_4 = arith.constant 1 : index
    %get3A_5 = arith.constant 0 : index
    %get3A_6 = arith.constant 0 : index
    %get3A_7 = vector.load %arg2[%get3A_4, %get3A_5, %get3A_6] : memref<2x400x64xf32, #tpu.memory_space<vmem>>, vector<1x400x64xf32>
    %get3A_8 = vector.shape_cast %get3A_7 : vector<1x400x64xf32> to vector<400x64xf32>
    %add3A = arith.addf %get3A_3, %get3A_8 : vector<400x64xf32>
    %get3A_9 = arith.constant 0 : index
    %get3A_10 = arith.constant 0 : index
    %get3A_11 = arith.constant 0 : index
    %get3A_12 = vector.load %arg3[%get3A_9, %get3A_10, %get3A_11] : memref<2x400x64xf32, #tpu.memory_space<vmem>>, vector<1x400x64xf32>
    %get3A_13 = vector.shape_cast %get3A_12 : vector<1x400x64xf32> to vector<400x64xf32>
    %get3A_14 = arith.constant 1 : index
    %get3A_15 = arith.constant 0 : index
    %get3A_16 = arith.constant 0 : index
    %get3A_17 = vector.load %arg3[%get3A_14, %get3A_15, %get3A_16] : memref<2x400x64xf32, #tpu.memory_space<vmem>>, vector<1x400x64xf32>
    %get3A_18 = vector.shape_cast %get3A_17 : vector<1x400x64xf32> to vector<400x64xf32>
    %add3A_19 = arith.addf %get3A_13, %get3A_18 : vector<400x64xf32>
    %concatenate3A = tpu.concatenate %add3A, %add3A_19 in 1 : vector<400x64xf32>, vector<400x64xf32> -> vector<400x128xf32>
    %get3A_20 = arith.constant 0 : index
    %get3A_21 = arith.constant 0 : index
    %get3A_22 = arith.constant 0 : index
    %get3A_23 = vector.load %arg4[%get3A_20, %get3A_21, %get3A_22] : memref<2x400x16xf32, #tpu.memory_space<vmem>>, vector<1x400x1xf32>
    %get3A_24 = vector.shape_cast %get3A_23 : vector<1x400x1xf32> to vector<400x1xf32>
    %get3A_25 = arith.constant 1 : index
    %get3A_26 = arith.constant 0 : index
    %get3A_27 = arith.constant 0 : index
    %get3A_28 = vector.load %arg4[%get3A_25, %get3A_26, %get3A_27] : memref<2x400x16xf32, #tpu.memory_space<vmem>>, vector<1x400x1xf32>
    %get3A_29 = vector.shape_cast %get3A_28 : vector<1x400x1xf32> to vector<400x1xf32>
    %add3A_30 = arith.addf %get3A_24, %get3A_29 : vector<400x1xf32>
    %max3A = arith.constant 1.000000e+00 : f32
    %max3A_31 = vector.broadcast %max3A : f32 to vector<400x1xf32>
    %max3A_32 = arith.maximumf %add3A_30, %max3A_31 : vector<400x1xf32>
    %div3A = arith.constant 1.000000e+00 : f32
    %div3A_33 = vector.broadcast %div3A : f32 to vector<400x1xf32>
    %div3A_34 = arith.divf %div3A_33, %max3A_32 : vector<400x1xf32>
    %mul3A = vector.broadcast %div3A_34 : vector<400x1xf32> to vector<400x128xf32>
    %mul3A_35 = arith.mulf %concatenate3A, %mul3A : vector<400x128xf32>
    %get3A_36 = arith.constant 0 : index
    %get3A_37 = arith.constant 0 : index
    %get3A_38 = vector.load %arg6[%get3A_36, %get3A_37] : memref<1x128xf32, #tpu.memory_space<vmem>>, vector<1x128xf32>
    %add3A_39 = vector.broadcast %get3A_38 : vector<1x128xf32> to vector<400x128xf32>
    %add3A_40 = arith.addf %mul3A_35, %add3A_39 : vector<400x128xf32>
    %get3A_41 = arith.constant 0 : index
    %get3A_42 = arith.constant 0 : index
    %get3A_43 = vector.load %arg1[%get3A_41, %get3A_42] : memref<400x256xf32, #tpu.memory_space<vmem>>, vector<400x256xf32>
    %get3A_44 = arith.constant 0 : index
    %get3A_45 = arith.constant 0 : index
    %get3A_46 = vector.load %arg5[%get3A_44, %get3A_45] : memref<128x256xf32, #tpu.memory_space<vmem>>, vector<128x256xf32>
    %dot_general3A = arith.constant dense<0.000000e+00> : vector<400x128xf32>
    %dot_general3A_47 = tpu.matmul %get3A_43, %get3A_46, %dot_general3A {dimension_numbers = #tpu.dot_dimension_numbers<[1], [1], [0], [0], [0, 0, 1, 0], [], []>, transpose_lhs_hint = false} : vector<400x256xf32>, vector<128x256xf32>, vector<400x128xf32> -> vector<400x128xf32>
    %add3A_48 = arith.addf %add3A_40, %dot_general3A_47 : vector<400x128xf32>
    %max3A_49 = arith.constant 0.000000e+00 : f32
    %max3A_50 = vector.broadcast %max3A_49 : f32 to vector<400x128xf32>
    %max3A_51 = arith.maximumf %add3A_48, %max3A_50 : vector<400x128xf32>
    %get3A_52 = arith.constant 0 : index
    %get3A_53 = arith.constant 0 : index
    %get3A_54 = vector.load %arg7[%get3A_52, %get3A_53] : memref<1x128xf32, #tpu.memory_space<vmem>>, vector<1x128xf32>
    %get3A_55 = arith.constant 0 : index
    %get3A_56 = arith.constant 0 : index
    %get3A_57 = vector.load %arg8[%get3A_55, %get3A_56] : memref<1x128xf32, #tpu.memory_space<vmem>>, vector<1x128xf32>
    %reduce_sum3A = arith.constant dense<0.000000e+00> : vector<400xf32>
    %reduce_sum3A_58 = vector.multi_reduction <add>, %max3A_51, %reduce_sum3A [1] : vector<400x128xf32> to vector<400xf32>
    %broadcast_in_dim3A = vector.shape_cast %reduce_sum3A_58 : vector<400xf32> to vector<400x1xf32>
    %div3A_59 = arith.constant 1.280000e+02 : f32
    %div3A_60 = vector.broadcast %div3A_59 : f32 to vector<400x1xf32>
    %div3A_61 = arith.divf %broadcast_in_dim3A, %div3A_60 : vector<400x1xf32>
    %sub3A = vector.broadcast %div3A_61 : vector<400x1xf32> to vector<400x128xf32>
    %sub3A_62 = arith.subf %max3A_51, %sub3A : vector<400x128xf32>
    %mul3A_63 = arith.mulf %sub3A_62, %sub3A_62 : vector<400x128xf32>
    %reduce_sum3A_64 = arith.constant dense<0.000000e+00> : vector<400xf32>
    %reduce_sum3A_65 = vector.multi_reduction <add>, %mul3A_63, %reduce_sum3A_64 [1] : vector<400x128xf32> to vector<400xf32>
    %broadcast_in_dim3A_66 = vector.shape_cast %reduce_sum3A_65 : vector<400xf32> to vector<400x1xf32>
    %div3A_67 = arith.constant 1.280000e+02 : f32
    %div3A_68 = vector.broadcast %div3A_67 : f32 to vector<400x1xf32>
    %div3A_69 = arith.divf %broadcast_in_dim3A_66, %div3A_68 : vector<400x1xf32>
    %add3A_70 = arith.constant 9.99999974E-6 : f32
    %add3A_71 = vector.broadcast %add3A_70 : f32 to vector<400x1xf32>
    %add3A_72 = arith.addf %div3A_69, %add3A_71 : vector<400x1xf32>
    %rsqrt3A = math.rsqrt %add3A_72 : vector<400x1xf32>
    %mul3A_73 = vector.broadcast %rsqrt3A : vector<400x1xf32> to vector<400x128xf32>
    %mul3A_74 = arith.mulf %sub3A_62, %mul3A_73 : vector<400x128xf32>
    %mul3A_75 = vector.broadcast %get3A_54 : vector<1x128xf32> to vector<400x128xf32>
    %mul3A_76 = arith.mulf %mul3A_74, %mul3A_75 : vector<400x128xf32>
    %add3A_77 = vector.broadcast %get3A_57 : vector<1x128xf32> to vector<400x128xf32>
    %add3A_78 = arith.addf %mul3A_76, %add3A_77 : vector<400x128xf32>
    %swap3A = arith.constant 0 : index
    %swap3A_79 = arith.constant 0 : index
    %swap3A_80 = vector.load %arg10[%swap3A, %swap3A_79] : memref<400x128xf32, #tpu.memory_space<vmem>>, vector<400x128xf32>
    tpu.vector_store %arg10[%swap3A, %swap3A_79], %add3A_78 {strides = array<i32>} : memref<400x128xf32, #tpu.memory_space<vmem>>, vector<400x128xf32>,
    %get3A_81 = arith.constant 0 : index
    %get3A_82 = arith.constant 0 : index
    %get3A_83 = vector.load %arg9[%get3A_81, %get3A_82] : memref<64x128xf32, #tpu.memory_space<vmem>>, vector<64x128xf32>
    %dot_general3A_84 = arith.constant dense<0.000000e+00> : vector<400x64xf32>
    %dot_general3A_85 = tpu.matmul %add3A_78, %get3A_83, %dot_general3A_84 {dimension_numbers = #tpu.dot_dimension_numbers<[1], [1], [0], [0], [0, 0, 1, 0], [], []>, transpose_lhs_hint = false} : vector<400x128xf32>, vector<64x128xf32>, vector<400x64xf32> -> vector<400x64xf32>
    %swap3A_86 = arith.constant 0 : index
    %swap3A_87 = arith.constant 0 : index
    %swap3A_88 = vector.load %arg11[%swap3A_86, %swap3A_87] : memref<400x64xf32, #tpu.memory_space<vmem>>, vector<400x64xf32>
    tpu.vector_store %arg11[%swap3A_86, %swap3A_87], %dot_general3A_85 {strides = array<i32>} : memref<400x64xf32, #tpu.memory_space<vmem>>, vector<400x64xf32>,
    %broadcast_in_dim3A_89 = vector.shape_cast %div3A_34 : vector<400x1xf32> to vector<400x1xf32>
    %broadcast_in_dim3A_90 = vector.broadcast %broadcast_in_dim3A_89 : vector<400x1xf32> to vector<400x16xf32>
    %swap3A_91 = arith.constant 0 : index
    %swap3A_92 = arith.constant 0 : index
    %swap3A_93 = vector.load %arg12[%swap3A_91, %swap3A_92] : memref<400x16xf32, #tpu.memory_space<vmem>>, vector<400x16xf32>
    tpu.vector_store %arg12[%swap3A_91, %swap3A_92], %broadcast_in_dim3A_90 {strides = array<i32>} : memref<400x16xf32, #tpu.memory_space<vmem>>, vector<400x16xf32>,
    return
  }
  func.func @transform_0(%arg0: i32) -> (i32, i32) {
    %c0_i32 = arith.constant 0 : i32
    %c0_i32_0 = arith.constant 0 : i32
    return %arg0, %c0_i32 : i32, i32
  }
  func.func @transform_1(%arg0: i32) -> (i32, i32, i32) {
    %c0_i32 = arith.constant 0 : i32
    %c0_i32_0 = arith.constant 0 : i32
    %c0_i32_1 = arith.constant 0 : i32
    return %c0_i32, %arg0, %c0_i32_0 : i32, i32, i32
  }
  func.func @transform_2(%arg0: i32) -> (i32, i32, i32) {
    %c0_i32 = arith.constant 0 : i32
    %c0_i32_0 = arith.constant 0 : i32
    %c0_i32_1 = arith.constant 0 : i32
    return %c0_i32, %arg0, %c0_i32_0 : i32, i32, i32
  }
  func.func @transform_3(%arg0: i32) -> (i32, i32, i32) {
    %c0_i32 = arith.constant 0 : i32
    %c0_i32_0 = arith.constant 0 : i32
    %c0_i32_1 = arith.constant 0 : i32
    return %c0_i32, %arg0, %c0_i32_0 : i32, i32, i32
  }
  func.func @transform_4(%arg0: i32) -> (i32, i32) {
    %c0_i32 = arith.constant 0 : i32
    %c0_i32_0 = arith.constant 0 : i32
    %c0_i32_1 = arith.constant 0 : i32
    return %c0_i32, %c0_i32_0 : i32, i32
  }
  func.func @transform_5(%arg0: i32) -> (i32, i32) {
    %c0_i32 = arith.constant 0 : i32
    %c0_i32_0 = arith.constant 0 : i32
    %c0_i32_1 = arith.constant 0 : i32
    return %c0_i32, %c0_i32_0 : i32, i32
  }
  func.func @transform_6(%arg0: i32) -> (i32, i32) {
    %c0_i32 = arith.constant 0 : i32
    %c0_i32_0 = arith.constant 0 : i32
    %c0_i32_1 = arith.constant 0 : i32
    return %c0_i32, %c0_i32_0 : i32, i32
  }
  func.func @transform_7(%arg0: i32) -> (i32, i32) {
    %c0_i32 = arith.constant 0 : i32
    %c0_i32_0 = arith.constant 0 : i32
    %c0_i32_1 = arith.constant 0 : i32
    return %c0_i32, %c0_i32_0 : i32, i32
  }
  func.func @transform_8(%arg0: i32) -> (i32, i32) {
    %c0_i32 = arith.constant 0 : i32
    %c0_i32_0 = arith.constant 0 : i32
    %c0_i32_1 = arith.constant 0 : i32
    return %c0_i32, %c0_i32_0 : i32, i32
  }
  func.func @transform_9(%arg0: i32) -> (i32, i32) {
    %c0_i32 = arith.constant 0 : i32
    %c0_i32_0 = arith.constant 0 : i32
    return %arg0, %c0_i32 : i32, i32
  }
  func.func @transform_10(%arg0: i32) -> (i32, i32) {
    %c0_i32 = arith.constant 0 : i32
    %c0_i32_0 = arith.constant 0 : i32
    return %arg0, %c0_i32 : i32, i32
  }
  func.func @transform_11(%arg0: i32) -> (i32, i32) {
    %c0_i32 = arith.constant 0 : i32
    %c0_i32_0 = arith.constant 0 : i32
    return %arg0, %c0_i32 : i32, i32
  }
}

module attributes {stable_mosaic.version = 14 : i64} {
  func.func @body2(%arg0: i32, %arg1: memref<400x128xf32, #tpu.memory_space<vmem>>, %arg2: memref<2x400x64xf32, #tpu.memory_space<vmem>>, %arg3: memref<400x16xf32, #tpu.memory_space<vmem>>, %arg4: memref<64x128xf32, #tpu.memory_space<vmem>>, %arg5: memref<1x64xf32, #tpu.memory_space<vmem>>, %arg6: memref<1x64xf32, #tpu.memory_space<vmem>>, %arg7: memref<1x64xf32, #tpu.memory_space<vmem>>, %arg8: memref<64x64xf32, #tpu.memory_space<vmem>>, %arg9: memref<400x64xf32, #tpu.memory_space<vmem>>, %arg10: memref<400x64xf32, #tpu.memory_space<vmem>>) attributes {dimension_semantics = [#tpu.dimension_semantics<arbitrary>], iteration_bounds = array<i64: 25>, scalar_prefetch = 0 : i64, scratch_operands = 0 : i64, tpu.core_type = #tpu.core_type<tc>, window_params = [{transform_indices = @transform_0, window_bounds = array<i64: 400, 128>}, {transform_indices = @transform_1, window_bounds = array<i64: 2, 400, 64>}, {transform_indices = @transform_2, window_bounds = array<i64: 400, 16>}, {pipeline_mode = #tpu.pipeline_mode<synchronous>, transform_indices = @transform_3, window_bounds = array<i64: 64, 128>}, {pipeline_mode = #tpu.pipeline_mode<synchronous>, transform_indices = @transform_4, window_bounds = array<i64: 1, 64>}, {pipeline_mode = #tpu.pipeline_mode<synchronous>, transform_indices = @transform_5, window_bounds = array<i64: 1, 64>}, {pipeline_mode = #tpu.pipeline_mode<synchronous>, transform_indices = @transform_6, window_bounds = array<i64: 1, 64>}, {pipeline_mode = #tpu.pipeline_mode<synchronous>, transform_indices = @transform_7, window_bounds = array<i64: 64, 64>}, {transform_indices = @transform_8, window_bounds = array<i64: 400, 64>}, {transform_indices = @transform_9, window_bounds = array<i64: 400, 64>}]} {
    %get3A = arith.constant 0 : index
    %get3A_0 = arith.constant 0 : index
    %get3A_1 = arith.constant 0 : index
    %get3A_2 = vector.load %arg2[%get3A, %get3A_0, %get3A_1] : memref<2x400x64xf32, #tpu.memory_space<vmem>>, vector<1x400x64xf32>
    %get3A_3 = vector.shape_cast %get3A_2 : vector<1x400x64xf32> to vector<400x64xf32>
    %get3A_4 = arith.constant 1 : index
    %get3A_5 = arith.constant 0 : index
    %get3A_6 = arith.constant 0 : index
    %get3A_7 = vector.load %arg2[%get3A_4, %get3A_5, %get3A_6] : memref<2x400x64xf32, #tpu.memory_space<vmem>>, vector<1x400x64xf32>
    %get3A_8 = vector.shape_cast %get3A_7 : vector<1x400x64xf32> to vector<400x64xf32>
    %add3A = arith.addf %get3A_3, %get3A_8 : vector<400x64xf32>
    %get3A_9 = arith.constant 0 : index
    %get3A_10 = arith.constant 0 : index
    %get3A_11 = vector.load %arg3[%get3A_9, %get3A_10] : memref<400x16xf32, #tpu.memory_space<vmem>>, vector<400x1xf32>
    %mul3A = vector.broadcast %get3A_11 : vector<400x1xf32> to vector<400x64xf32>
    %mul3A_12 = arith.mulf %add3A, %mul3A : vector<400x64xf32>
    %get3A_13 = arith.constant 0 : index
    %get3A_14 = arith.constant 0 : index
    %get3A_15 = vector.load %arg5[%get3A_13, %get3A_14] : memref<1x64xf32, #tpu.memory_space<vmem>>, vector<1x64xf32>
    %add3A_16 = vector.broadcast %get3A_15 : vector<1x64xf32> to vector<400x64xf32>
    %add3A_17 = arith.addf %mul3A_12, %add3A_16 : vector<400x64xf32>
    %get3A_18 = arith.constant 0 : index
    %get3A_19 = arith.constant 0 : index
    %get3A_20 = vector.load %arg1[%get3A_18, %get3A_19] : memref<400x128xf32, #tpu.memory_space<vmem>>, vector<400x128xf32>
    %get3A_21 = arith.constant 0 : index
    %get3A_22 = arith.constant 0 : index
    %get3A_23 = vector.load %arg4[%get3A_21, %get3A_22] : memref<64x128xf32, #tpu.memory_space<vmem>>, vector<64x128xf32>
    %dot_general3A = arith.constant dense<0.000000e+00> : vector<400x64xf32>
    %dot_general3A_24 = tpu.matmul %get3A_20, %get3A_23, %dot_general3A {dimension_numbers = #tpu.dot_dimension_numbers<[1], [1], [0], [0], [0, 0, 1, 0], [], []>, transpose_lhs_hint = false} : vector<400x128xf32>, vector<64x128xf32>, vector<400x64xf32> -> vector<400x64xf32>
    %add3A_25 = arith.addf %add3A_17, %dot_general3A_24 : vector<400x64xf32>
    %max3A = arith.constant 0.000000e+00 : f32
    %max3A_26 = vector.broadcast %max3A : f32 to vector<400x64xf32>
    %max3A_27 = arith.maximumf %add3A_25, %max3A_26 : vector<400x64xf32>
    %get3A_28 = arith.constant 0 : index
    %get3A_29 = arith.constant 0 : index
    %get3A_30 = vector.load %arg6[%get3A_28, %get3A_29] : memref<1x64xf32, #tpu.memory_space<vmem>>, vector<1x64xf32>
    %get3A_31 = arith.constant 0 : index
    %get3A_32 = arith.constant 0 : index
    %get3A_33 = vector.load %arg7[%get3A_31, %get3A_32] : memref<1x64xf32, #tpu.memory_space<vmem>>, vector<1x64xf32>
    %reduce_sum3A = arith.constant dense<0.000000e+00> : vector<400xf32>
    %reduce_sum3A_34 = vector.multi_reduction <add>, %max3A_27, %reduce_sum3A [1] : vector<400x64xf32> to vector<400xf32>
    %broadcast_in_dim3A = vector.shape_cast %reduce_sum3A_34 : vector<400xf32> to vector<400x1xf32>
    %div3A = arith.constant 6.400000e+01 : f32
    %div3A_35 = vector.broadcast %div3A : f32 to vector<400x1xf32>
    %div3A_36 = arith.divf %broadcast_in_dim3A, %div3A_35 : vector<400x1xf32>
    %sub3A = vector.broadcast %div3A_36 : vector<400x1xf32> to vector<400x64xf32>
    %sub3A_37 = arith.subf %max3A_27, %sub3A : vector<400x64xf32>
    %mul3A_38 = arith.mulf %sub3A_37, %sub3A_37 : vector<400x64xf32>
    %reduce_sum3A_39 = arith.constant dense<0.000000e+00> : vector<400xf32>
    %reduce_sum3A_40 = vector.multi_reduction <add>, %mul3A_38, %reduce_sum3A_39 [1] : vector<400x64xf32> to vector<400xf32>
    %broadcast_in_dim3A_41 = vector.shape_cast %reduce_sum3A_40 : vector<400xf32> to vector<400x1xf32>
    %div3A_42 = arith.constant 6.400000e+01 : f32
    %div3A_43 = vector.broadcast %div3A_42 : f32 to vector<400x1xf32>
    %div3A_44 = arith.divf %broadcast_in_dim3A_41, %div3A_43 : vector<400x1xf32>
    %add3A_45 = arith.constant 9.99999974E-6 : f32
    %add3A_46 = vector.broadcast %add3A_45 : f32 to vector<400x1xf32>
    %add3A_47 = arith.addf %div3A_44, %add3A_46 : vector<400x1xf32>
    %rsqrt3A = math.rsqrt %add3A_47 : vector<400x1xf32>
    %mul3A_48 = vector.broadcast %rsqrt3A : vector<400x1xf32> to vector<400x64xf32>
    %mul3A_49 = arith.mulf %sub3A_37, %mul3A_48 : vector<400x64xf32>
    %mul3A_50 = vector.broadcast %get3A_30 : vector<1x64xf32> to vector<400x64xf32>
    %mul3A_51 = arith.mulf %mul3A_49, %mul3A_50 : vector<400x64xf32>
    %add3A_52 = vector.broadcast %get3A_33 : vector<1x64xf32> to vector<400x64xf32>
    %add3A_53 = arith.addf %mul3A_51, %add3A_52 : vector<400x64xf32>
    %swap3A = arith.constant 0 : index
    %swap3A_54 = arith.constant 0 : index
    %swap3A_55 = vector.load %arg9[%swap3A, %swap3A_54] : memref<400x64xf32, #tpu.memory_space<vmem>>, vector<400x64xf32>
    tpu.vector_store %arg9[%swap3A, %swap3A_54], %add3A_53 {strides = array<i32>} : memref<400x64xf32, #tpu.memory_space<vmem>>, vector<400x64xf32>,
    %get3A_56 = arith.constant 0 : index
    %get3A_57 = arith.constant 0 : index
    %get3A_58 = vector.load %arg8[%get3A_56, %get3A_57] : memref<64x64xf32, #tpu.memory_space<vmem>>, vector<64x64xf32>
    %dot_general3A_59 = arith.constant dense<0.000000e+00> : vector<400x64xf32>
    %dot_general3A_60 = tpu.matmul %add3A_53, %get3A_58, %dot_general3A_59 {dimension_numbers = #tpu.dot_dimension_numbers<[1], [1], [0], [0], [0, 0, 1, 0], [], []>, transpose_lhs_hint = false} : vector<400x64xf32>, vector<64x64xf32>, vector<400x64xf32> -> vector<400x64xf32>
    %swap3A_61 = arith.constant 0 : index
    %swap3A_62 = arith.constant 0 : index
    %swap3A_63 = vector.load %arg10[%swap3A_61, %swap3A_62] : memref<400x64xf32, #tpu.memory_space<vmem>>, vector<400x64xf32>
    tpu.vector_store %arg10[%swap3A_61, %swap3A_62], %dot_general3A_60 {strides = array<i32>} : memref<400x64xf32, #tpu.memory_space<vmem>>, vector<400x64xf32>,
    return
  }
  func.func @transform_0(%arg0: i32) -> (i32, i32) {
    %c0_i32 = arith.constant 0 : i32
    %c0_i32_0 = arith.constant 0 : i32
    return %arg0, %c0_i32 : i32, i32
  }
  func.func @transform_1(%arg0: i32) -> (i32, i32, i32) {
    %c0_i32 = arith.constant 0 : i32
    %c0_i32_0 = arith.constant 0 : i32
    %c0_i32_1 = arith.constant 0 : i32
    return %c0_i32, %arg0, %c0_i32_0 : i32, i32, i32
  }
  func.func @transform_2(%arg0: i32) -> (i32, i32) {
    %c0_i32 = arith.constant 0 : i32
    %c0_i32_0 = arith.constant 0 : i32
    return %arg0, %c0_i32 : i32, i32
  }
  func.func @transform_3(%arg0: i32) -> (i32, i32) {
    %c0_i32 = arith.constant 0 : i32
    %c0_i32_0 = arith.constant 0 : i32
    %c0_i32_1 = arith.constant 0 : i32
    return %c0_i32, %c0_i32_0 : i32, i32
  }
  func.func @transform_4(%arg0: i32) -> (i32, i32) {
    %c0_i32 = arith.constant 0 : i32
    %c0_i32_0 = arith.constant 0 : i32
    %c0_i32_1 = arith.constant 0 : i32
    return %c0_i32, %c0_i32_0 : i32, i32
  }
  func.func @transform_5(%arg0: i32) -> (i32, i32) {
    %c0_i32 = arith.constant 0 : i32
    %c0_i32_0 = arith.constant 0 : i32
    %c0_i32_1 = arith.constant 0 : i32
    return %c0_i32, %c0_i32_0 : i32, i32
  }
  func.func @transform_6(%arg0: i32) -> (i32, i32) {
    %c0_i32 = arith.constant 0 : i32
    %c0_i32_0 = arith.constant 0 : i32
    %c0_i32_1 = arith.constant 0 : i32
    return %c0_i32, %c0_i32_0 : i32, i32
  }
  func.func @transform_7(%arg0: i32) -> (i32, i32) {
    %c0_i32 = arith.constant 0 : i32
    %c0_i32_0 = arith.constant 0 : i32
    %c0_i32_1 = arith.constant 0 : i32
    return %c0_i32, %c0_i32_0 : i32, i32
  }
  func.func @transform_8(%arg0: i32) -> (i32, i32) {
    %c0_i32 = arith.constant 0 : i32
    %c0_i32_0 = arith.constant 0 : i32
    return %arg0, %c0_i32 : i32, i32
  }
  func.func @transform_9(%arg0: i32) -> (i32, i32) {
    %c0_i32 = arith.constant 0 : i32
    %c0_i32_0 = arith.constant 0 : i32
    return %arg0, %c0_i32 : i32, i32
  }
}

module attributes {stable_mosaic.version = 14 : i64} {
  func.func @body2(%arg0: i32, %arg1: memref<400x64xf32, #tpu.memory_space<vmem>>, %arg2: memref<2x400x64xf32, #tpu.memory_space<vmem>>, %arg3: memref<400x16xf32, #tpu.memory_space<vmem>>, %arg4: memref<64x64xf32, #tpu.memory_space<vmem>>, %arg5: memref<1x64xf32, #tpu.memory_space<vmem>>, %arg6: memref<1x64xf32, #tpu.memory_space<vmem>>, %arg7: memref<1x64xf32, #tpu.memory_space<vmem>>, %arg8: memref<400x64xf32, #tpu.memory_space<vmem>>) attributes {dimension_semantics = [#tpu.dimension_semantics<arbitrary>], iteration_bounds = array<i64: 25>, scalar_prefetch = 0 : i64, scratch_operands = 0 : i64, tpu.core_type = #tpu.core_type<tc>, window_params = [{transform_indices = @transform_0, window_bounds = array<i64: 400, 64>}, {transform_indices = @transform_1, window_bounds = array<i64: 2, 400, 64>}, {transform_indices = @transform_2, window_bounds = array<i64: 400, 16>}, {pipeline_mode = #tpu.pipeline_mode<synchronous>, transform_indices = @transform_3, window_bounds = array<i64: 64, 64>}, {pipeline_mode = #tpu.pipeline_mode<synchronous>, transform_indices = @transform_4, window_bounds = array<i64: 1, 64>}, {pipeline_mode = #tpu.pipeline_mode<synchronous>, transform_indices = @transform_5, window_bounds = array<i64: 1, 64>}, {pipeline_mode = #tpu.pipeline_mode<synchronous>, transform_indices = @transform_6, window_bounds = array<i64: 1, 64>}, {transform_indices = @transform_7, window_bounds = array<i64: 400, 64>}]} {
    %get3A = arith.constant 0 : index
    %get3A_0 = arith.constant 0 : index
    %get3A_1 = arith.constant 0 : index
    %get3A_2 = vector.load %arg2[%get3A, %get3A_0, %get3A_1] : memref<2x400x64xf32, #tpu.memory_space<vmem>>, vector<1x400x64xf32>
    %get3A_3 = vector.shape_cast %get3A_2 : vector<1x400x64xf32> to vector<400x64xf32>
    %get3A_4 = arith.constant 1 : index
    %get3A_5 = arith.constant 0 : index
    %get3A_6 = arith.constant 0 : index
    %get3A_7 = vector.load %arg2[%get3A_4, %get3A_5, %get3A_6] : memref<2x400x64xf32, #tpu.memory_space<vmem>>, vector<1x400x64xf32>
    %get3A_8 = vector.shape_cast %get3A_7 : vector<1x400x64xf32> to vector<400x64xf32>
    %add3A = arith.addf %get3A_3, %get3A_8 : vector<400x64xf32>
    %get3A_9 = arith.constant 0 : index
    %get3A_10 = arith.constant 0 : index
    %get3A_11 = vector.load %arg3[%get3A_9, %get3A_10] : memref<400x16xf32, #tpu.memory_space<vmem>>, vector<400x1xf32>
    %mul3A = vector.broadcast %get3A_11 : vector<400x1xf32> to vector<400x64xf32>
    %mul3A_12 = arith.mulf %add3A, %mul3A : vector<400x64xf32>
    %get3A_13 = arith.constant 0 : index
    %get3A_14 = arith.constant 0 : index
    %get3A_15 = vector.load %arg5[%get3A_13, %get3A_14] : memref<1x64xf32, #tpu.memory_space<vmem>>, vector<1x64xf32>
    %add3A_16 = vector.broadcast %get3A_15 : vector<1x64xf32> to vector<400x64xf32>
    %add3A_17 = arith.addf %mul3A_12, %add3A_16 : vector<400x64xf32>
    %get3A_18 = arith.constant 0 : index
    %get3A_19 = arith.constant 0 : index
    %get3A_20 = vector.load %arg1[%get3A_18, %get3A_19] : memref<400x64xf32, #tpu.memory_space<vmem>>, vector<400x64xf32>
    %get3A_21 = arith.constant 0 : index
    %get3A_22 = arith.constant 0 : index
    %get3A_23 = vector.load %arg4[%get3A_21, %get3A_22] : memref<64x64xf32, #tpu.memory_space<vmem>>, vector<64x64xf32>
    %dot_general3A = arith.constant dense<0.000000e+00> : vector<400x64xf32>
    %dot_general3A_24 = tpu.matmul %get3A_20, %get3A_23, %dot_general3A {dimension_numbers = #tpu.dot_dimension_numbers<[1], [1], [0], [0], [0, 0, 1, 0], [], []>, transpose_lhs_hint = false} : vector<400x64xf32>, vector<64x64xf32>, vector<400x64xf32> -> vector<400x64xf32>
    %add3A_25 = arith.addf %add3A_17, %dot_general3A_24 : vector<400x64xf32>
    %max3A = arith.constant 0.000000e+00 : f32
    %max3A_26 = vector.broadcast %max3A : f32 to vector<400x64xf32>
    %max3A_27 = arith.maximumf %add3A_25, %max3A_26 : vector<400x64xf32>
    %get3A_28 = arith.constant 0 : index
    %get3A_29 = arith.constant 0 : index
    %get3A_30 = vector.load %arg6[%get3A_28, %get3A_29] : memref<1x64xf32, #tpu.memory_space<vmem>>, vector<1x64xf32>
    %get3A_31 = arith.constant 0 : index
    %get3A_32 = arith.constant 0 : index
    %get3A_33 = vector.load %arg7[%get3A_31, %get3A_32] : memref<1x64xf32, #tpu.memory_space<vmem>>, vector<1x64xf32>
    %reduce_sum3A = arith.constant dense<0.000000e+00> : vector<400xf32>
    %reduce_sum3A_34 = vector.multi_reduction <add>, %max3A_27, %reduce_sum3A [1] : vector<400x64xf32> to vector<400xf32>
    %broadcast_in_dim3A = vector.shape_cast %reduce_sum3A_34 : vector<400xf32> to vector<400x1xf32>
    %div3A = arith.constant 6.400000e+01 : f32
    %div3A_35 = vector.broadcast %div3A : f32 to vector<400x1xf32>
    %div3A_36 = arith.divf %broadcast_in_dim3A, %div3A_35 : vector<400x1xf32>
    %sub3A = vector.broadcast %div3A_36 : vector<400x1xf32> to vector<400x64xf32>
    %sub3A_37 = arith.subf %max3A_27, %sub3A : vector<400x64xf32>
    %mul3A_38 = arith.mulf %sub3A_37, %sub3A_37 : vector<400x64xf32>
    %reduce_sum3A_39 = arith.constant dense<0.000000e+00> : vector<400xf32>
    %reduce_sum3A_40 = vector.multi_reduction <add>, %mul3A_38, %reduce_sum3A_39 [1] : vector<400x64xf32> to vector<400xf32>
    %broadcast_in_dim3A_41 = vector.shape_cast %reduce_sum3A_40 : vector<400xf32> to vector<400x1xf32>
    %div3A_42 = arith.constant 6.400000e+01 : f32
    %div3A_43 = vector.broadcast %div3A_42 : f32 to vector<400x1xf32>
    %div3A_44 = arith.divf %broadcast_in_dim3A_41, %div3A_43 : vector<400x1xf32>
    %add3A_45 = arith.constant 9.99999974E-6 : f32
    %add3A_46 = vector.broadcast %add3A_45 : f32 to vector<400x1xf32>
    %add3A_47 = arith.addf %div3A_44, %add3A_46 : vector<400x1xf32>
    %rsqrt3A = math.rsqrt %add3A_47 : vector<400x1xf32>
    %mul3A_48 = vector.broadcast %rsqrt3A : vector<400x1xf32> to vector<400x64xf32>
    %mul3A_49 = arith.mulf %sub3A_37, %mul3A_48 : vector<400x64xf32>
    %mul3A_50 = vector.broadcast %get3A_30 : vector<1x64xf32> to vector<400x64xf32>
    %mul3A_51 = arith.mulf %mul3A_49, %mul3A_50 : vector<400x64xf32>
    %add3A_52 = vector.broadcast %get3A_33 : vector<1x64xf32> to vector<400x64xf32>
    %add3A_53 = arith.addf %mul3A_51, %add3A_52 : vector<400x64xf32>
    %swap3A = arith.constant 0 : index
    %swap3A_54 = arith.constant 0 : index
    %swap3A_55 = vector.load %arg8[%swap3A, %swap3A_54] : memref<400x64xf32, #tpu.memory_space<vmem>>, vector<400x64xf32>
    tpu.vector_store %arg8[%swap3A, %swap3A_54], %add3A_53 {strides = array<i32>} : memref<400x64xf32, #tpu.memory_space<vmem>>, vector<400x64xf32>,
    return
  }
  func.func @transform_0(%arg0: i32) -> (i32, i32) {
    %c0_i32 = arith.constant 0 : i32
    %c0_i32_0 = arith.constant 0 : i32
    return %arg0, %c0_i32 : i32, i32
  }
  func.func @transform_1(%arg0: i32) -> (i32, i32, i32) {
    %c0_i32 = arith.constant 0 : i32
    %c0_i32_0 = arith.constant 0 : i32
    %c0_i32_1 = arith.constant 0 : i32
    return %c0_i32, %arg0, %c0_i32_0 : i32, i32, i32
  }
  func.func @transform_2(%arg0: i32) -> (i32, i32) {
    %c0_i32 = arith.constant 0 : i32
    %c0_i32_0 = arith.constant 0 : i32
    return %arg0, %c0_i32 : i32, i32
  }
  func.func @transform_3(%arg0: i32) -> (i32, i32) {
    %c0_i32 = arith.constant 0 : i32
    %c0_i32_0 = arith.constant 0 : i32
    %c0_i32_1 = arith.constant 0 : i32
    return %c0_i32, %c0_i32_0 : i32, i32
  }
  func.func @transform_4(%arg0: i32) -> (i32, i32) {
    %c0_i32 = arith.constant 0 : i32
    %c0_i32_0 = arith.constant 0 : i32
    %c0_i32_1 = arith.constant 0 : i32
    return %c0_i32, %c0_i32_0 : i32, i32
  }
  func.func @transform_5(%arg0: i32) -> (i32, i32) {
    %c0_i32 = arith.constant 0 : i32
    %c0_i32_0 = arith.constant 0 : i32
    %c0_i32_1 = arith.constant 0 : i32
    return %c0_i32, %c0_i32_0 : i32, i32
  }
  func.func @transform_6(%arg0: i32) -> (i32, i32) {
    %c0_i32 = arith.constant 0 : i32
    %c0_i32_0 = arith.constant 0 : i32
    %c0_i32_1 = arith.constant 0 : i32
    return %c0_i32, %c0_i32_0 : i32, i32
  }
  func.func @transform_7(%arg0: i32) -> (i32, i32) {
    %c0_i32 = arith.constant 0 : i32
    %c0_i32_0 = arith.constant 0 : i32
    return %arg0, %c0_i32 : i32, i32
  }
}

</mosaic_0001>

<sc_bundles>
// kernel: kernel.11.cloned.1.call-start
scs
__scs_entry_jumppad:
0x0: {  	(pc) =	sbr.rel $0x88, $3  }
0x1: {  	(tag) =	ssettag $0x0;
	lr =	simm.s32 $0x1  }
0x2: {  	[smem:$0x3F90] =	sst lr;
	_ =	strace $0xD0000000  }
0x3: {  	_ = 	snop  }
0x4: {  	_ = 	snop  }
0x5: {  	_ = 	snop  }
0x6: {  	_ = 	snop  }
0x7: {  	_ = 	snop  }
__scs_overlays_trampoline_lowered:
0x8: {  	[smem:$0x3F9F] =	sst s0  }
0x9: {  	[smem:$0x3FA0] =	sst s1  }
0xa: {  	[smem:$0x3FA1] =	sst s2  }
0xb: {  	[smem:$0x3FA2] =	sst s3  }
0xc: {  	[smem:$0x3FA3] =	sst s4  }
0xd: {  	[smem:$0x3FA4] =	sst s5  }
0xe: {  	[smem:$0x3FA5] =	sst s6  }
0xf: {  	[smem:$0x3FA6] =	sst s7  }
0x10: {  	[smem:$0x3FA7] =	sst s8  }
0x11: {  	[smem:$0x3FA8] =	sst s9;
	s0 =	simm.s32 @!p0 $0x0  }
0x12: {  	s1 =	sld [smem:$0x3F8E];
	s0 =	simm.s32 @p0 $0x1  }
0x13: {  	[smem:$0x3FA9] =	sst s0;
	s0 =	simm.s32 @!p1 $0x0  }
0x14: {  	s2 =	sld [smem:$0x3F8D];
	s0 =	simm.s32 @p1 $0x1  }
0x15: {  	[smem:$0x3FAA] =	sst s0;
	s0 =	simm.s32 @!p2 $0x0  }
0x16: {  	s3 =	sld [smem:$0x3FDB];
	s0 =	simm.s32 @p2 $0x1  }
0x17: {  	s4 =	simm.s32 $0x1BF5;
	[smem:$0x3FAC] =	sst s0  }
0x18: {  	s0 =	sld [smem:$0x3F8F];
	_ =	swait.ge [sflag:s4], $0x0  }
0x19: {  	s7 =	sld [smem:$0x3F90]  }
0x1a: {  	s8 =	sadd.s32 $0xFFFFE003, lr  }
0x1b: {  	s9 =	sadd.s32 $0xFFFFFEF7, lr;
	s5 =	simm.s32 $0xFFFFFFFF;
	p2 =	slt.u32 s8, $0xFFFFF086  }
0x1c: {  	p1 =	slt.u32 s9, $0xF7A;
	s5 =	simm.s32 @!p2 $0x0  }
0x1d: {  	s5 =	simm.s32 @p1 $0x1;
	p0 =	seq.s32 s7, s2  }
0x1e: {  	s7 =	smul.u32 @!p0 $0xF7A, s2;
	p2 =	seq.s32 @!p0 s5, $0x0  }
0x1f: {  	s9 =	smul.u32 $0xF7A, s1;
	s8 =	simm.s32 @!p0 $0x1BF5;
	p2 =	por !p2, p0  }
0x20: {  	[sflag:s8] =	ssyncset.s32 @!p0 $0xFFFFF086;
	s6 =	sadd.s32 @!p0 s3, s7;
	s7 =	simm.s32 @!p0 $0x108  }
0x21: {  	s3 =	sadd.s32 s3, s9;
	s6 =	sadd.s32 @!p0 $0x88, s6;
	s7 =	simm.s32 @p2 $0x1082  }
0x22: {  	[simem:s7], [sflag:s8] =	dma.local @!p0 [hbm:s6], $0xF7A  }
0x23: {  	s9 =	sor.u32 $0xD0000000, s2;
	s6 =	simm.s32 $0x108;
	_ =	swait.ge @!p0 [sflag:s8], $0x0  }
0x24: {  	s3 =	sadd.s32 $0x88, s3;
	s6 =	simm.s32 @!p1 $0x1082;
	[sflag:s4] =	ssyncset.s32 $0xFFFFF086  }
0x25: {  	[simem:s6], [sflag:s4] =	dma.local [hbm:s3], $0xF7A  }
0x26: {  	[smem:$0x3F90] =	sst s1;
	(tag) =	ssettag s2;
	_ =	strace s9  }
0x27: {  	s1 =	sld [smem:$0x3FA0]  }
0x28: {  	s2 =	sld [smem:$0x3FA1]  }
0x29: {  	s4 =	sld [smem:$0x3FA3]  }
0x2a: {  	p0 =	seq.s32 s5, $0x0;
	s5 =	sld [smem:$0x3FA4]  }
0x2b: {  	s6 =	sld [smem:$0x3FA5]  }
0x2c: {  	s7 =	sld [smem:$0x3FA6]  }
0x2d: {  	s3 =	simm.s32 $0x108;
	s8 =	sld [smem:$0x3FA7]  }
0x2e: {  	s3 =	simm.s32 @!p0 $0x1082;
	s9 =	sld [smem:$0x3FA8]  }
0x2f: {  	lr =	sadd.s32 s0, s3;
	s0 =	sld [smem:$0x3F9F]  }
0x30: {  	s3 =	sld [smem:$0x3FA2]  }
0x31: {  	[smem:$0x3FAB] =	sst s10  }
0x32: {  	s10 =	sld [smem:$0x3FA9];
	_ =	sdelay $0x3  }
0x33: {  	p0 =	seq.s32 s10, $0x1;
	s10 =	sld [smem:$0x3FAB];
	_ =	sdelay $0x3  }
0x34: {  	[smem:$0x3FAB] =	sst s10  }
0x35: {  	s10 =	sld [smem:$0x3FAA];
	_ =	sdelay $0x3  }
0x36: {  	p1 =	seq.s32 s10, $0x1;
	s10 =	sld [smem:$0x3FAB];
	_ =	sdelay $0x3  }
0x37: {  	[smem:$0x3FAB] =	sst s10  }
0x38: {  	s10 =	sld [smem:$0x3FAC]  }
0x39: {  	_ = 	snop;
	(pc) =	sbr.ind lr, $3  }
0x3a: {  	_ = 	snop  }
0x3b: {  	_ = 	snop  }
0x3c: {  	p2 =	seq.s32 s10, $0x1;
	s10 =	sld [smem:$0x3FAB]  }
0x3d: {  	_ =	shalt  }
0x3e: {  	_ =	shalt  }
0x3f: {  	_ =	shalt  }
0x40: {  	_ =	shalt  }
0x41: {  	_ =	shalt  }
0x42: {  	_ =	shalt  }
0x43: {  	_ =	shalt  }
0x44: {  	_ =	shalt  }
0x45: {  	_ =	shalt  }
0x46: {  	_ =	shalt  }
0x47: {  	_ =	shalt  }
0x48: {  	_ =	shalt  }
0x49: {  	_ =	shalt  }
0x4a: {  	_ =	shalt  }
0x4b: {  	_ =	shalt  }
0x4c: {  	_ =	shalt  }
0x4d: {  	_ =	shalt  }
0x4e: {  	_ =	shalt  }
0x4f: {  	_ =	shalt  }
0x50: {  	_ =	shalt  }
0x51: {  	_ =	shalt  }
0x52: {  	_ =	shalt  }
0x53: {  	_ =	shalt  }
0x54: {  	_ =	shalt  }
0x55: {  	_ =	shalt  }
0x56: {  	_ =	shalt  }
0x57: {  	_ =	shalt  }
0x58: {  	_ =	shalt  }
0x59: {  	_ =	shalt  }
0x5a: {  	_ =	shalt  }
0x5b: {  	_ =	shalt  }
0x5c: {  	_ =	shalt  }
0x5d: {  	_ =	shalt  }
0x5e: {  	_ =	shalt  }
0x5f: {  	_ =	shalt  }
0x60: {  	_ =	shalt  }
0x61: {  	_ =	shalt  }
0x62: {  	_ =	shalt  }
0x63: {  	_ =	shalt  }
0x64: {  	_ =	shalt  }
0x65: {  	_ =	shalt  }
0x66: {  	_ =	shalt  }
0x67: {  	_ =	shalt  }
0x68: {  	_ =	shalt  }
0x69: {  	_ =	shalt  }
0x6a: {  	_ =	shalt  }
0x6b: {  	_ =	shalt  }
0x6c: {  	_ =	shalt  }
0x6d: {  	_ =	shalt  }
0x6e: {  	_ =	shalt  }
0x6f: {  	_ =	shalt  }
0x70: {  	_ =	shalt  }
0x71: {  	_ =	shalt  }
0x72: {  	_ =	shalt  }
0x73: {  	_ =	shalt  }
0x74: {  	_ =	shalt  }
0x75: {  	_ =	shalt  }
0x76: {  	_ =	shalt  }
0x77: {  	_ =	shalt  }
0x78: {  	_ =	shalt  }
0x79: {  	_ =	shalt  }
0x7a: {  	_ =	shalt  }
0x7b: {  	_ =	shalt  }
0x7c: {  	_ =	shalt  }
0x7d: {  	_ =	shalt  }
0x7e: {  	_ =	shalt  }
0x7f: {  	_ =	shalt  }
0x80: {  	_ =	shalt  }
0x81: {  	_ =	shalt  }
0x82: {  	_ =	shalt  }
0x83: {  	_ =	shalt  }
0x84: {  	_ =	shalt  }
0x85: {  	_ =	shalt  }
0x86: {  	_ =	shalt  }
0x87: {  	_ =	shalt  }
.Lfunc_end0:
.L_simem_size_0:
called_computation_lowered:
.L_overlay_start_0:
0x88: {  	s2 =	sld [smem:$0x3FD9]  }
0x89: {  	s3 =	sld [smem:$0x3FFE];
	_ =	sdelay $0x1  }
0x8a: {  	s1 =	srdreg.scid  }
0x8b: {  	s0 =	sand.u32 $0x1, s1  }
0x8c: {  	s16 =	sshll.u32 s0, $0xA;
	s2 =	sadd.s32 s3, s2  }
0x8d: {  	s2 =	sadd.s32 s2, s16  }
0x8e: {  	[smem:$0x3FB7] =	sst s2  }
0x8f: {  	_ = 	snop  }
0x90: {  	(tm) =	ssettm $0x1  }
0x91: {  	s17 =	sld [smem:$0x3FFB];
	_ =	sdelay $0x3  }
0x92: {  	_ =	strace s17  }
0x93: {  	s2 =	sld [smem:$0x3FFC];
	_ =	sdelay $0x3  }
0x94: {  	_ =	strace s2  }
0x95: {  	s2 =	sld [smem:$0x3FFD];
	_ =	sdelay $0x3  }
0x96: {  	_ =	strace s2  }
0x97: {  	_ =	strace $0x8FFFFFFF  }
0x98: {  	s18 =	sld [smem:$0x3FDB];
	_ =	sdelay $0x1  }
0x99: {  	s19 =	simm.s32 $_scs_section_size  }
0x9a: {  	s4 =	simm.s32 $_size__tile_overlayer_lowered;
	s5 =	simm.s32 $_tile_overlayer_lowered  }
0x9b: {  	s22 =	simm.s32 $0x1BFF;
	s21 =	sshll.u32 s5, $0x1;
	s2 =	sadd.s32 s19, s18  }
0x9c: {  	s6 =	simm.s32 $0x0;
	s20 =	sshll.u32 s4, $0x1;
	s4 =	sadd.s32 s21, s2  }
0x9d: {  	[timem:s6], [sflag:s22] =	dma.local [hbm:s4], s20  }
0x9e: {  	_ =	swait.ge [sflag:s22], s20  }
0x9f: {  	s3 =	ssub.s32 $0x0, s20;
	[sflag:s22] =	ssyncset.done $0x0  }
0xa0: {  	[sflag:s22] =	ssyncadd.s32 s3;
	_ =	sdelay $0x1  }
0xa1: {  	s23 =	simm.s32 $0x1B8B  }
0xa2: {  	_ =	swait.ge [sflag:s23], $0x1  }
0xa3: {  	[sflag:s23] =	ssyncset.done $0x0  }
0xa4: {  	s25 =	simm.s32 $0x1B8E;
	s24 =	sld [smem:$0x3FFE];
	[sflag:s23] =	ssyncadd.s32 $0xFFFFFFFF  }
0xa5: {  	s26 =	simm.s32 $execute0_lowered;
	[smem:$0x3FD2] =	sst s25  }
0xa6: {  	s4 =	sshll.u32 s26, $0x1;
	_ =	strace $0x80000046;
	[dreg:$0x1] =	wrdreg $0xFFFFFFFF  }
0xa7: {  	s28 =	simm.s32 $_size_execute0_lowered;
	s2 =	sadd.s32 s2, s4;
	[dreg:$0x0] =	wrdreg $0x0  }
0xa8: {  	s4 =	sshll.u32 s28, $0x1;
	[dreg:$0x2] =	wrdreg s2  }
0xa9: {  	[dreg:$0x3] =	wrdreg s4  }
0xaa: {  	[dreg:$0x4] =	wrdreg $0xC0  }
0xab: {  	_ =	task [dreg:s6], $0x5FFFF  }
0xac: {  	[dreg:$0x1] =	wrdreg $0xFFFFFFFF  }
0xad: {  	[dreg:$0x0] =	wrdreg $0x60  }
0xae: {  	[dreg:$0x2] =	wrdreg s24  }
0xaf: {  	[dreg:$0x3] =	wrdreg $0x1C000  }
0xb0: {  	[dreg:$0x4] =	wrdreg $0x9  }
0xb1: {  	_ =	task.clear_ibuf [dreg:s6], $0x5FFFF;
	_ =	strace $0x90000046  }
0xb2: {  	s29 =	simm.s32 $0x9;
	_ =	strace $0x80000048  }
0xb3: {  	_ =	swait.ge [sflag:s29], $0x1  }
0xb4: {  	[sflag:s29] =	ssyncadd.s32 $0xFFFFFFFF  }
0xb5: {  	_ =	strace $0x90000048  }
0xb6: {  	_ =	sfence  }
0xb7: {  	s30 =	sld [smem:$0x0];
	_ =	sdelay $0x2  }
0xb8: {  	s31 =	sshll.u32 s1, $0xD;
	s1 =	sshrl.u32 s1, $0x2  }
0xb9: {  	s3 =	sand.u32 $0x4000, s31;
	s1 =	sadd.s32 s1, s30  }
0xba: {  	s0 =	sor.u32 s3, s0;
	s1 =	sshll.u32 s1, $0x11  }
0xbb: {  	s0 =	sor.u32 s1, s0  }
0xbc: {  	s0 =	sadd.s32 $0x8F2B, s0  }
0xbd: {  	[sflag:s0] =	ssyncadd.remote.s32 $0x1  }
0xbe: {  	_ =	sfence.sel $0xFFFF  }
0xbf: {  	[dreg:$0x0] =	wrdreg $0xFFFFFFFF;
	(pc) =	sbr.abs _section_cstart, $3  }
0xc0: {  	[dreg:$0x1] =	wrdreg $0xFFFFFFFF  }
0xc1: {  	_ =	task.clear_ibuf [dreg:s6], $0x2FFFF;
	_ =	strace $0x9FFFFFFF  }
0xc2: {  	(tm) =	ssettm $0x7FFFFFFF  }
0xc3: {  	_ =	shalt  }
tec
execute0_lowered:
.L_overlay_start_1:
0x0: {  	(tag) =	ssettag $0x1  }
0x1: {  	s1 =	srdreg.scid  }
0x2: {  	s0 =	stileid.u32;
	s5 =	rddreg [dreg:$0x0]  }
0x3: {  	s2 =	rddreg [dreg:$0x1];
	s3 =	simm.s32 $0x0;
	s13 =	simm.s32 $0x80  }
0x4: {  	s14 =	simm.s32 $0x0;
	s4 =	sand.u32 $0x1, s1;
	s30 =	sshll.u32 s0, $0x1  }
0x5: {  	s7 =	smul.u32 $0x2780, s0;
	[smem:$0x7FF] =	sst s3;
	s31 =	sshll.u32 s0, $0x6  }
0x6: {  	s1 =	sor.u32 s4, s30;
	s8 =	smul.u32 $0x27800, s4;
	s10 =	ssub.s32 $0x2, s4  }
0x7: {  	s4 =	sadd.s32 $0x8200, s5;
	s6 =	smul.u32 $0x280, s1;
	s1 =	rddreg [dreg:$0x2]  }
0x8: {  	_ =	strace $0x80000047;
	s9 =	sshrl.u32 s7, $0x3;
	s11 =	sshrl.u32 s10, $0x1  }
0x9: {  	s12 =	sadd.s32 s7, s2;
	s8 =	sadd.s32 s7, s8;
	s9 =	sadd.s32 s9, s5  }
0xa: {  	s10 =	ssub.s32 s10, s11;
	s11 =	sor.u32 $0x1C01, s31;
	s8 =	sshrl.u32 s8, $0x3  }
0xb: {  	s12 =	sshrl.u32 s12, $0x3;
	s6 =	sadd.s32 s6, s5;
	s8 =	sadd.s32 s8, s5  }
0xc: {  	s5 =	sadd.s32 $0x3200, s6;
	s6 =	sadd.s32 $0x8400, s9;
	s9 =	simm.s32 $0x1  }
0xd: {  	s7 =	sadd.s32 $0xD400, s8;
	s8 =	smax.u32 s10, $0x1;
	s10 =	simm.s32 $0x1400  }
.LBB2_1:
0xe: {  	[tilespmem:s3], [sflag:$0x1] =	stream.linear.gather [hbm4b:s5+s3], $0x1400, $0x38;
	[tilespmem:$0x4380] =	vst v63  }
0xf: {  	_ =	swait.ge [sflag:s9], $0x1400  }
0x10: {  	[sflag:s9] =	ssyncset.done $0x0  }
0x11: {  	[sflag:s9] =	ssyncadd.s32 $0xFFFFEC00  }
0x12: {  	[tilespmem:s10], [sflag:$0x1] =	stream.linear.gather [hbm4b:s4+s3], $0x800, $0x38;
	[tilespmem:$0x4380] =	vst v63  }
0x13: {  	_ =	swait.ge [sflag:s9], $0x800  }
0x14: {  	[sflag:s9] =	ssyncset.done $0x0  }
0x15: {  	[sflag:s9] =	ssyncadd.s32 $0xFFFFF800  }
0x16: {  	[spmem:s12], [sflag:s11] =	dma.local [hbm:s6], $0x4F0  }
0x17: {  	_ =	swait.ge [sflag:s9], $0x4F0  }
0x18: {  	[sflag:s9] =	ssyncset.done $0x0  }
0x19: {  	[sflag:s9] =	ssyncadd.s32 $0xFFFFFB10  }
0x1a: {  	s15 =	simm.s32 $0x0;
	[bflag:$0x0] =	sbarrier.arrive $0xFFFF  }
0x1b: {  	[spmem:s2] =	stream.indirect.scatter.add.f32 [tilespmem:s10], [sflag:$0x1], $0x10, s15, s13, $0xb8;
	[tilespmem:$0x4380] =	vst v63  }
0x1c: {  	_ =	swait.ge [sflag:s9], $0x800  }
0x1d: {  	s15 =	simm.s32 $0x200;
	[sflag:s9] =	ssyncset.done $0x0  }
.LBB2_2:
0x1e: {  	s16 =	sshra.s32 s15, $0x2;
	[sflag:s9] =	ssyncadd.s32 $0xFFFFF800;
	p0 =	sne.s32 s15, $0x4E00  }
0x1f: {  	[spmem:s2] =	stream.indirect.scatter.add.f32 [tilespmem:s10], [sflag:$0x1], $0x10, s16, s13, $0xb8;
	[tilespmem:$0x4380] =	vst v63  }
.Ltmp0:
0x20: {  	_ = 	snop;
	(pc) =	sbr.rel @p0 .LBB2_2-.Ltmp0, $4  }
0x21: {  	_ = 	snop  }
0x22: {  	s15 =	sadd.s32 $0x200, s15  }
0x23: {  	_ =	swait.ge [sflag:s9], $0x800  }
0x24: {  	[sflag:s9] =	ssyncset.done $0x0  }
0x25: {  	s14 =	sadd.s32 $0x1, s14  }
0x26: {  	[sflag:s9] =	ssyncadd.s32 $0xFFFFF800;
	p0 =	sne.s32 s14, s8  }
.Ltmp1:
0x27: {  	[bflag:$0x0] =	sbarrier.arrive $0xFFFF;
	(pc) =	sbr.rel @p0 .LBB2_1-.Ltmp1, $4  }
0x28: {  	[hbm:s7], [sflag:s11] =	dma.local [spmem:s12], $0x4F0  }
0x29: {  	_ =	swait.ge [sflag:s9], $0x4F0  }
0x2a: {  	[sflag:s9] =	ssyncset.done $0x0  }
0x2b: {  	[sflag:s9] =	ssyncadd.s32 $0xFFFFFB10  }
0x2c: {  	_ =	sfence.sel $0x180000  }
0x2d: {  	[bflag:$0x0] =	sbarrier.arrive $0xFFFF  }
0x2e: {  	p0 =	sne.s32 s0, $0x0;
	_ =	strace $0x90000047  }
0x2f: {  	s0 =	sadd.s32 @!p0 $0x100000, s1;
	[bflag:$0x2] =	sbarrier.arrive $0xFFFF  }
0x30: {  	[sflag:s0] =	ssyncadd.tile.s32 @!p0 $0x1;
	_ =	shalt  }
.Lfunc_end2:
_tile_overlayer_lowered:
.L_overlay_start_2:
0x31: {  	(tag) =	ssettag $0x2  }
0x32: {  	s0 =	rddreg [dreg:$0x0];
	s2 =	stileid.u32  }
0x33: {  	s1 =	rddreg [dreg:$0x1];
	p0 =	sne.s32 s2, $0x0  }
0x34: {  	s3 =	rddreg [dreg:$0x2];
	[bflag:$0x3] =	sbarrier.arrive $0xFFFF;
	s2 =	simm.s32 @!p0 $0x1C01  }
0x35: {  	[timem:s3], [sflag:s2] =	dma.local @!p0 [hbm:s0], s1  }
0x36: {  	s0 =	simm.s32 @!p0 $0x1  }
0x37: {  	_ =	swait.ge @!p0 [sflag:s0], s1  }
0x38: {  	s1 =	ssub.s32 @!p0 $0x0, s1;
	[sflag:s0] =	ssyncset.done @!p0 $0x0  }
0x39: {  	[sflag:s0] =	ssyncadd.s32 @!p0 s1  }
0x3a: {  	[bflag:$0x3] =	sbarrier.arrive $0xFFFF  }
0x3b: {  	_ =	shalt  }

// kernel: kernel.14.cloned.1.call-start
scs
__scs_entry_jumppad:
0x0: {  	(pc) =	sbr.rel $0x88, $3  }
0x1: {  	(tag) =	ssettag $0x0;
	lr =	simm.s32 $0x1  }
0x2: {  	[smem:$0x3F90] =	sst lr;
	_ =	strace $0xD0000000  }
0x3: {  	_ = 	snop  }
0x4: {  	_ = 	snop  }
0x5: {  	_ = 	snop  }
0x6: {  	_ = 	snop  }
0x7: {  	_ = 	snop  }
__scs_overlays_trampoline_lowered:
0x8: {  	[smem:$0x3F9F] =	sst s0  }
0x9: {  	[smem:$0x3FA0] =	sst s1  }
0xa: {  	[smem:$0x3FA1] =	sst s2  }
0xb: {  	[smem:$0x3FA2] =	sst s3  }
0xc: {  	[smem:$0x3FA3] =	sst s4  }
0xd: {  	[smem:$0x3FA4] =	sst s5  }
0xe: {  	[smem:$0x3FA5] =	sst s6  }
0xf: {  	[smem:$0x3FA6] =	sst s7  }
0x10: {  	[smem:$0x3FA7] =	sst s8  }
0x11: {  	[smem:$0x3FA8] =	sst s9;
	s0 =	simm.s32 @!p0 $0x0  }
0x12: {  	s1 =	sld [smem:$0x3F8E];
	s0 =	simm.s32 @p0 $0x1  }
0x13: {  	[smem:$0x3FA9] =	sst s0;
	s0 =	simm.s32 @!p1 $0x0  }
0x14: {  	s2 =	sld [smem:$0x3F8D];
	s0 =	simm.s32 @p1 $0x1  }
0x15: {  	[smem:$0x3FAA] =	sst s0;
	s0 =	simm.s32 @!p2 $0x0  }
0x16: {  	s3 =	sld [smem:$0x3FDB];
	s0 =	simm.s32 @p2 $0x1  }
0x17: {  	s4 =	simm.s32 $0x1BF5;
	[smem:$0x3FAC] =	sst s0  }
0x18: {  	s0 =	sld [smem:$0x3F8F];
	_ =	swait.ge [sflag:s4], $0x0  }
0x19: {  	s7 =	sld [smem:$0x3F90]  }
0x1a: {  	s8 =	sadd.s32 $0xFFFFE003, lr  }
0x1b: {  	s9 =	sadd.s32 $0xFFFFFEF7, lr;
	s5 =	simm.s32 $0xFFFFFFFF;
	p2 =	slt.u32 s8, $0xFFFFF086  }
0x1c: {  	p1 =	slt.u32 s9, $0xF7A;
	s5 =	simm.s32 @!p2 $0x0  }
0x1d: {  	s5 =	simm.s32 @p1 $0x1;
	p0 =	seq.s32 s7, s2  }
0x1e: {  	s7 =	smul.u32 @!p0 $0xF7A, s2;
	p2 =	seq.s32 @!p0 s5, $0x0  }
0x1f: {  	s9 =	smul.u32 $0xF7A, s1;
	s8 =	simm.s32 @!p0 $0x1BF5;
	p2 =	por !p2, p0  }
0x20: {  	[sflag:s8] =	ssyncset.s32 @!p0 $0xFFFFF086;
	s6 =	sadd.s32 @!p0 s3, s7;
	s7 =	simm.s32 @!p0 $0x108  }
0x21: {  	s3 =	sadd.s32 s3, s9;
	s6 =	sadd.s32 @!p0 $0x88, s6;
	s7 =	simm.s32 @p2 $0x1082  }
0x22: {  	[simem:s7], [sflag:s8] =	dma.local @!p0 [hbm:s6], $0xF7A  }
0x23: {  	s9 =	sor.u32 $0xD0000000, s2;
	s6 =	simm.s32 $0x108;
	_ =	swait.ge @!p0 [sflag:s8], $0x0  }
0x24: {  	s3 =	sadd.s32 $0x88, s3;
	s6 =	simm.s32 @!p1 $0x1082;
	[sflag:s4] =	ssyncset.s32 $0xFFFFF086  }
0x25: {  	[simem:s6], [sflag:s4] =	dma.local [hbm:s3], $0xF7A  }
0x26: {  	[smem:$0x3F90] =	sst s1;
	(tag) =	ssettag s2;
	_ =	strace s9  }
0x27: {  	s1 =	sld [smem:$0x3FA0]  }
0x28: {  	s2 =	sld [smem:$0x3FA1]  }
0x29: {  	s4 =	sld [smem:$0x3FA3]  }
0x2a: {  	p0 =	seq.s32 s5, $0x0;
	s5 =	sld [smem:$0x3FA4]  }
0x2b: {  	s6 =	sld [smem:$0x3FA5]  }
0x2c: {  	s7 =	sld [smem:$0x3FA6]  }
0x2d: {  	s3 =	simm.s32 $0x108;
	s8 =	sld [smem:$0x3FA7]  }
0x2e: {  	s3 =	simm.s32 @!p0 $0x1082;
	s9 =	sld [smem:$0x3FA8]  }
0x2f: {  	lr =	sadd.s32 s0, s3;
	s0 =	sld [smem:$0x3F9F]  }
0x30: {  	s3 =	sld [smem:$0x3FA2]  }
0x31: {  	[smem:$0x3FAB] =	sst s10  }
0x32: {  	s10 =	sld [smem:$0x3FA9];
	_ =	sdelay $0x3  }
0x33: {  	p0 =	seq.s32 s10, $0x1;
	s10 =	sld [smem:$0x3FAB];
	_ =	sdelay $0x3  }
0x34: {  	[smem:$0x3FAB] =	sst s10  }
0x35: {  	s10 =	sld [smem:$0x3FAA];
	_ =	sdelay $0x3  }
0x36: {  	p1 =	seq.s32 s10, $0x1;
	s10 =	sld [smem:$0x3FAB];
	_ =	sdelay $0x3  }
0x37: {  	[smem:$0x3FAB] =	sst s10  }
0x38: {  	s10 =	sld [smem:$0x3FAC]  }
0x39: {  	_ = 	snop;
	(pc) =	sbr.ind lr, $3  }
0x3a: {  	_ = 	snop  }
0x3b: {  	_ = 	snop  }
0x3c: {  	p2 =	seq.s32 s10, $0x1;
	s10 =	sld [smem:$0x3FAB]  }
0x3d: {  	_ =	shalt  }
0x3e: {  	_ =	shalt  }
0x3f: {  	_ =	shalt  }
0x40: {  	_ =	shalt  }
0x41: {  	_ =	shalt  }
0x42: {  	_ =	shalt  }
0x43: {  	_ =	shalt  }
0x44: {  	_ =	shalt  }
0x45: {  	_ =	shalt  }
0x46: {  	_ =	shalt  }
0x47: {  	_ =	shalt  }
0x48: {  	_ =	shalt  }
0x49: {  	_ =	shalt  }
0x4a: {  	_ =	shalt  }
0x4b: {  	_ =	shalt  }
0x4c: {  	_ =	shalt  }
0x4d: {  	_ =	shalt  }
0x4e: {  	_ =	shalt  }
0x4f: {  	_ =	shalt  }
0x50: {  	_ =	shalt  }
0x51: {  	_ =	shalt  }
0x52: {  	_ =	shalt  }
0x53: {  	_ =	shalt  }
0x54: {  	_ =	shalt  }
0x55: {  	_ =	shalt  }
0x56: {  	_ =	shalt  }
0x57: {  	_ =	shalt  }
0x58: {  	_ =	shalt  }
0x59: {  	_ =	shalt  }
0x5a: {  	_ =	shalt  }
0x5b: {  	_ =	shalt  }
0x5c: {  	_ =	shalt  }
0x5d: {  	_ =	shalt  }
0x5e: {  	_ =	shalt  }
0x5f: {  	_ =	shalt  }
0x60: {  	_ =	shalt  }
0x61: {  	_ =	shalt  }
0x62: {  	_ =	shalt  }
0x63: {  	_ =	shalt  }
0x64: {  	_ =	shalt  }
0x65: {  	_ =	shalt  }
0x66: {  	_ =	shalt  }
0x67: {  	_ =	shalt  }
0x68: {  	_ =	shalt  }
0x69: {  	_ =	shalt  }
0x6a: {  	_ =	shalt  }
0x6b: {  	_ =	shalt  }
0x6c: {  	_ =	shalt  }
0x6d: {  	_ =	shalt  }
0x6e: {  	_ =	shalt  }
0x6f: {  	_ =	shalt  }
0x70: {  	_ =	shalt  }
0x71: {  	_ =	shalt  }
0x72: {  	_ =	shalt  }
0x73: {  	_ =	shalt  }
0x74: {  	_ =	shalt  }
0x75: {  	_ =	shalt  }
0x76: {  	_ =	shalt  }
0x77: {  	_ =	shalt  }
0x78: {  	_ =	shalt  }
0x79: {  	_ =	shalt  }
0x7a: {  	_ =	shalt  }
0x7b: {  	_ =	shalt  }
0x7c: {  	_ =	shalt  }
0x7d: {  	_ =	shalt  }
0x7e: {  	_ =	shalt  }
0x7f: {  	_ =	shalt  }
0x80: {  	_ =	shalt  }
0x81: {  	_ =	shalt  }
0x82: {  	_ =	shalt  }
0x83: {  	_ =	shalt  }
0x84: {  	_ =	shalt  }
0x85: {  	_ =	shalt  }
0x86: {  	_ =	shalt  }
0x87: {  	_ =	shalt  }
.Lfunc_end0:
.L_simem_size_0:
called_computation.1_lowered:
.L_overlay_start_0:
0x88: {  	s2 =	sld [smem:$0x3FD9]  }
0x89: {  	s3 =	sld [smem:$0x3FFE];
	_ =	sdelay $0x1  }
0x8a: {  	s1 =	srdreg.scid  }
0x8b: {  	s0 =	sand.u32 $0x1, s1  }
0x8c: {  	s17 =	sshll.u32 s0, $0xA;
	s2 =	sadd.s32 s3, s2  }
0x8d: {  	s2 =	sadd.s32 s2, s17  }
0x8e: {  	[smem:$0x3FB7] =	sst s2  }
0x8f: {  	_ = 	snop  }
0x90: {  	s18 =	sld [smem:$0x3FD0];
	(tm) =	ssettm $0x1  }
0x91: {  	s19 =	sld [smem:$0x3FFB];
	_ =	sdelay $0x3  }
0x92: {  	_ =	strace s19  }
0x93: {  	s2 =	sld [smem:$0x3FFC];
	_ =	sdelay $0x3  }
0x94: {  	_ =	strace s2  }
0x95: {  	s2 =	sld [smem:$0x3FFD];
	_ =	sdelay $0x3  }
0x96: {  	_ =	strace s2  }
0x97: {  	_ =	strace $0x8FFFFFFF  }
0x98: {  	s20 =	sld [smem:$0x3FDB];
	_ =	sdelay $0x1  }
0x99: {  	s4 =	simm.s32 $_scs_section_size  }
0x9a: {  	s5 =	simm.s32 $_size__tile_overlayer_lowered;
	s6 =	simm.s32 $_tile_overlayer_lowered  }
0x9b: {  	s7 =	simm.s32 $0x1BFF;
	s21 =	sshll.u32 s6, $0x1;
	s4 =	sadd.s32 s4, s20  }
0x9c: {  	s22 =	simm.s32 $0x0;
	s5 =	sshll.u32 s5, $0x1;
	s6 =	sadd.s32 s21, s4  }
0x9d: {  	[timem:s22], [sflag:s7] =	dma.local [hbm:s6], s5  }
0x9e: {  	_ =	swait.ge [sflag:s7], s5  }
0x9f: {  	s5 =	ssub.s32 $0x0, s5;
	[sflag:s7] =	ssyncset.done $0x0  }
0xa0: {  	[sflag:s7] =	ssyncadd.s32 s5;
	_ =	sdelay $0x1  }
0xa1: {  	s23 =	simm.s32 $0x1B8B  }
0xa2: {  	_ =	swait.ge [sflag:s23], $0x1  }
0xa3: {  	[sflag:s23] =	ssyncset.done $0x0  }
0xa4: {  	[sflag:s23] =	ssyncadd.s32 $0xFFFFFFFF  }
0xa5: {  	s5 =	sld [smem:$0x0]  }
0xa6: {  	s6 =	sand.u32 $0xFFFFFFFE, s1  }
0xa7: {  	p0 =	sne.s32 s1, s6  }
0xa8: {  	s6 =	sshll.u32 @p0 s6, $0xE  }
0xa9: {  	s6 =	sadd.s32 @p0 $0x11B8D, s6;
	s7 =	sshll.u32 @p0 s5, $0x11  }
0xaa: {  	s6 =	sor.u32 @p0 s7, s6  }
0xab: {  	[sflag:s6] =	ssyncadd.remote.s32 @p0 $0x1;
	_ =	sdelay $0x1  }
0xac: {  	s6 =	simm.s32 @p0 $0x1B8D  }
0xad: {  	_ =	swait.eq @p0 [sflag:s6], $0x1  }
0xae: {  	[sflag:s6] =	ssyncadd.s32 @p0 $0xFFFFFFFF  }
0xaf: {  	s7 =	sshll.u32 @!p0 s1, $0xE  }
0xb0: {  	s7 =	sor.u32 @!p0 $0x4000, s7;
	s6 =	simm.s32 @!p0 $0x1B8D  }
0xb1: {  	s5 =	sshll.u32 @!p0 s5, $0x11;
	s7 =	sadd.s32 @!p0 $0x11B8D, s7;
	_ =	swait.eq @!p0 [sflag:s6], $0x1  }
0xb2: {  	s5 =	sor.u32 @!p0 s5, s7;
	[sflag:s6] =	ssyncadd.s32 @!p0 $0xFFFFFFFF  }
0xb3: {  	s25 =	simm.s32 $0x1B8E;
	s24 =	sld [smem:$0x3FFE];
	[sflag:s5] =	ssyncadd.remote.s32 @!p0 $0x1  }
0xb4: {  	s26 =	simm.s32 $execute0_lowered;
	[smem:$0x3FD2] =	sst s25  }
0xb5: {  	s6 =	sshll.u32 s26, $0x1;
	_ =	strace $0x8000004C;
	[dreg:$0x1] =	wrdreg $0xFFFFFFFF  }
0xb6: {  	s28 =	simm.s32 $_size_execute0_lowered;
	s4 =	sadd.s32 s4, s6;
	[dreg:$0x0] =	wrdreg $0x0  }
0xb7: {  	s6 =	sshll.u32 s28, $0x1;
	[dreg:$0x2] =	wrdreg s4  }
0xb8: {  	[dreg:$0x3] =	wrdreg s6  }
0xb9: {  	[dreg:$0x4] =	wrdreg $0xC0  }
0xba: {  	_ =	task [dreg:s22], $0x5FFFF  }
0xbb: {  	[dreg:$0x1] =	wrdreg $0xFFFFFFFF  }
0xbc: {  	[dreg:$0x0] =	wrdreg $0x60  }
0xbd: {  	[dreg:$0x2] =	wrdreg s18  }
0xbe: {  	[dreg:$0x3] =	wrdreg s24  }
0xbf: {  	[dreg:$0x4] =	wrdreg $0x68000  }
0xc0: {  	[dreg:$0x5] =	wrdreg $0x106000  }
0xc1: {  	[dreg:$0x6] =	wrdreg $0xA  }
0xc2: {  	_ =	task.clear_ibuf [dreg:s22], $0x7FFFF;
	_ =	strace $0x9000004C  }
0xc3: {  	s29 =	simm.s32 $0xA;
	_ =	strace $0x8000004E  }
0xc4: {  	_ =	swait.ge [sflag:s29], $0x1  }
0xc5: {  	[sflag:s29] =	ssyncadd.s32 $0xFFFFFFFF  }
0xc6: {  	_ =	strace $0x9000004E  }
0xc7: {  	_ =	sfence  }
0xc8: {  	s30 =	sld [smem:$0x0];
	_ =	sdelay $0x2  }
0xc9: {  	s31 =	sshll.u32 s1, $0xD;
	s1 =	sshrl.u32 s1, $0x2  }
0xca: {  	s4 =	sand.u32 $0x4000, s31;
	s1 =	sadd.s32 s1, s30  }
0xcb: {  	s0 =	sor.u32 s4, s0;
	s1 =	sshll.u32 s1, $0x11  }
0xcc: {  	s0 =	sor.u32 s1, s0  }
0xcd: {  	s0 =	sadd.s32 $0x8F2B, s0  }
0xce: {  	[sflag:s0] =	ssyncadd.remote.s32 $0x1  }
0xcf: {  	_ =	sfence.sel $0xFFFF  }
0xd0: {  	[dreg:$0x0] =	wrdreg $0xFFFFFFFF;
	(pc) =	sbr.abs _section_cstart, $3  }
0xd1: {  	[dreg:$0x1] =	wrdreg $0xFFFFFFFF  }
0xd2: {  	_ =	task.clear_ibuf [dreg:s22], $0x2FFFF;
	_ =	strace $0x9FFFFFFF  }
0xd3: {  	(tm) =	ssettm $0x7FFFFFFF  }
tec
execute0_lowered:
.L_overlay_start_1:
0x0: {  	(tag) =	ssettag $0x1  }
0x1: {  	s8 =	rddreg [dreg:$0x0]  }
0x2: {  	s6 =	rddreg [dreg:$0x1]  }
0x3: {  	s1 =	srdreg.scid;
	s2 =	rddreg [dreg:$0x2]  }
0x4: {  	s0 =	stileid.u32;
	s3 =	rddreg [dreg:$0x3]  }
0x5: {  	s4 =	simm.s32 $0x0;
	s16 =	simm.s32 $0x80;
	s17 =	simm.s32 $0x2800  }
0x6: {  	s18 =	simm.s32 $0x4800;
	s19 =	simm.s32 $0x1;
	s20 =	simm.s32 $0x2  }
0x7: {  	s21 =	simm.s32 $0x2600;
	s22 =	simm.s32 $0x1300;
	s23 =	simm.s32 $0x2680  }
0x8: {  	s24 =	simm.s32 $0x1380;
	s25 =	simm.s32 $0x2700;
	s26 =	simm.s32 $0x2780  }
0x9: {  	s28 =	simm.s32 $0x0;
	s5 =	sand.u32 $0x1, s1;
	s29 =	sshll.u32 s0, $0x1  }
0xa: {  	s9 =	smul.u32 $0x9E00, s0;
	[smem:$0x7FF] =	sst s4;
	s31 =	sshll.u32 s0, $0x6  }
0xb: {  	s1 =	sor.u32 s5, s29;
	s10 =	smul.u32 $0x9E000, s5;
	s5 =	ssub.s32 $0x2, s5  }
0xc: {  	s7 =	smul.u32 $0x280, s1;
	s1 =	rddreg [dreg:$0x4];
	_ =	strace $0x8000004D  }
0xd: {  	s11 =	sshrl.u32 s9, $0x3;
	s30 =	sshrl.u32 s5, $0x1;
	s14 =	sadd.s32 s9, s2  }
0xe: {  	s15 =	sadd.s32 s9, s3;
	s10 =	sadd.s32 s9, s10;
	s12 =	sadd.s32 s11, s6  }
0xf: {  	s13 =	ssub.s32 s5, s30;
	s8 =	sadd.s32 s8, s11;
	s11 =	simm.s32 $0x3  }
0x10: {  	s14 =	sshrl.u32 s14, $0x3;
	s7 =	sadd.s32 s7, s6;
	s10 =	sshrl.u32 s10, $0x3  }
0x11: {  	s15 =	sshrl.u32 s15, $0x3;
	s10 =	sadd.s32 s10, s6;
	s5 =	sadd.s32 $0x2AE00, s7  }
0x12: {  	s6 =	sadd.s32 $0x3200, s7;
	s7 =	sadd.s32 $0x2FE00, s12;
	s12 =	simm.s32 $0x1400  }
0x13: {  	s9 =	sadd.s32 $0x6B200, s10;
	s10 =	smax.u32 s13, $0x1;
	s13 =	sor.u32 $0x1C03, s31  }
.LBB2_1:
0x14: {  	[tilespmem:s4], [sflag:$0x3] =	stream.linear.gather [hbm4b:s5+s4], $0x1400, $0x38;
	[tilespmem:$0x1A400] =	vst v63  }
0x15: {  	_ =	swait.ge [sflag:s11], $0x1400  }
0x16: {  	[sflag:s11] =	ssyncset.done $0x0  }
0x17: {  	[sflag:s11] =	ssyncadd.s32 $0xFFFFEC00  }
0x18: {  	[tilespmem:s12], [sflag:$0x3] =	stream.linear.gather [hbm4b:s6+s4], $0x1400, $0x38;
	[tilespmem:$0x1A400] =	vst v63  }
0x19: {  	_ =	swait.ge [sflag:s11], $0x1400  }
0x1a: {  	[sflag:s11] =	ssyncset.done $0x0  }
0x1b: {  	[sflag:s11] =	ssyncadd.s32 $0xFFFFEC00  }
0x1c: {  	[spmem:s14], [sflag:s13] =	dma.local [hbm:s7], $0x13C0  }
0x1d: {  	_ =	swait.ge [sflag:s11], $0x13C0  }
0x1e: {  	[sflag:s11] =	ssyncset.done $0x0  }
0x1f: {  	[sflag:s11] =	ssyncadd.s32 $0xFFFFEC40  }
0x20: {  	[spmem:s15], [sflag:s13] =	dma.local [hbm:s8], $0x13C0  }
0x21: {  	_ =	swait.ge [sflag:s11], $0x13C0  }
0x22: {  	[sflag:s11] =	ssyncset.done $0x0  }
0x23: {  	[sflag:s11] =	ssyncadd.s32 $0xFFFFEC40  }
0x24: {  	[bflag:$0x0] =	sbarrier.arrive $0xFFFF  }
0x25: {  	[tilespmem:s17], [sflag:$0x1] =	stream.indirect.gather [spmem:s3], $0x40, s4, s16, $0xb8;
	[tilespmem:$0x1A400] =	vst v63  }
0x26: {  	_ = 	snop  }
0x27: {  	[tilespmem:s18], [sflag:$0x2] =	stream.indirect.gather [spmem:s3], $0x40, s16, s16, $0xb8;
	[tilespmem:$0x1A400] =	vst v63  }
0x28: {  	_ =	swait.ge [sflag:s19], $0x2000  }
0x29: {  	[sflag:s19] =	ssyncset.done $0x0  }
0x2a: {  	s29 =	simm.s32 $0x1400;
	[sflag:s19] =	ssyncadd.s32 $0xFFFFE000  }
0x2b: {  	[spmem:s2] =	stream.indirect.scatter.add.f32 [tilespmem:s17], [sflag:$0x3], $0x40, s29, s16, $0xb8;
	[tilespmem:$0x1A400] =	vst v63  }
0x2c: {  	_ =	swait.ge [sflag:s11], $0x2000  }
0x2d: {  	[sflag:s11] =	ssyncset.done $0x0  }
0x2e: {  	s29 =	simm.s32 $0x100;
	[sflag:s11] =	ssyncadd.s32 $0xFFFFE000  }
0x2f: {  	[tilespmem:s17], [sflag:$0x1] =	stream.indirect.gather [spmem:s3], $0x40, s29, s16, $0xb8;
	[tilespmem:$0x1A400] =	vst v63  }
0x30: {  	_ =	swait.ge [sflag:s20], $0x2000  }
0x31: {  	[sflag:s20] =	ssyncset.done $0x0  }
0x32: {  	s29 =	simm.s32 $0x1480;
	[sflag:s20] =	ssyncadd.s32 $0xFFFFE000  }
0x33: {  	[spmem:s2] =	stream.indirect.scatter.add.f32 [tilespmem:s18], [sflag:$0x3], $0x40, s29, s16, $0xb8;
	[tilespmem:$0x1A400] =	vst v63  }
0x34: {  	_ =	swait.ge [sflag:s11], $0x2000  }
0x35: {  	[sflag:s11] =	ssyncset.done $0x0  }
0x36: {  	s30 =	simm.s32 $0x180;
	s29 =	simm.s32 $0x400;
	[sflag:s11] =	ssyncadd.s32 $0xFFFFE000  }
.LBB2_2:
0x37: {  	[tilespmem:s18], [sflag:$0x2] =	stream.indirect.gather [spmem:s3], $0x40, s30, s16, $0xb8;
	[tilespmem:$0x1A400] =	vst v63  }
0x38: {  	s30 =	smov.u32 s29  }
0x39: {  	p0 =	sne.s32 s29, $0x4400;
	s29 =	sadd.s32 $0x400, s29;
	_ =	swait.ge [sflag:s19], $0x2000  }
0x3a: {  	s30 =	sshra.s32 s30, $0x2;
	[sflag:s19] =	ssyncset.done $0x0  }
0x3b: {  	s31 =	sadd.s32 $0x1400, s30;
	[sflag:s19] =	ssyncadd.s32 $0xFFFFE000  }
0x3c: {  	[spmem:s2] =	stream.indirect.scatter.add.f32 [tilespmem:s17], [sflag:$0x3], $0x40, s31, s16, $0xb8;
	[tilespmem:$0x1A400] =	vst v63  }
0x3d: {  	_ =	swait.ge [sflag:s11], $0x2000  }
0x3e: {  	[sflag:s11] =	ssyncset.done $0x0  }
0x3f: {  	s31 =	sadd.s32 $0x100, s30;
	[sflag:s11] =	ssyncadd.s32 $0xFFFFE000  }
0x40: {  	[tilespmem:s17], [sflag:$0x1] =	stream.indirect.gather [spmem:s3], $0x40, s31, s16, $0xb8;
	[tilespmem:$0x1A400] =	vst v63  }
0x41: {  	_ =	swait.ge [sflag:s20], $0x2000  }
0x42: {  	[sflag:s20] =	ssyncset.done $0x0  }
.Ltmp0:
0x43: {  	s31 =	sadd.s32 $0x1480, s30;
	[sflag:s20] =	ssyncadd.s32 $0xFFFFE000;
	(pc) =	sbr.rel @p0 .LBB2_2-.Ltmp0, $4  }
0x44: {  	[spmem:s2] =	stream.indirect.scatter.add.f32 [tilespmem:s18], [sflag:$0x3], $0x40, s31, s16, $0xb8;
	[tilespmem:$0x1A400] =	vst v63  }
0x45: {  	_ =	swait.ge [sflag:s11], $0x2000  }
0x46: {  	[sflag:s11] =	ssyncset.done $0x0  }
0x47: {  	s30 =	sadd.s32 $0x180, s30;
	[sflag:s11] =	ssyncadd.s32 $0xFFFFE000  }
0x48: {  	[tilespmem:s18], [sflag:$0x2] =	stream.indirect.gather [spmem:s3], $0x40, s30, s16, $0xb8;
	[tilespmem:$0x1A400] =	vst v63  }
0x49: {  	_ =	swait.ge [sflag:s19], $0x2000  }
0x4a: {  	[sflag:s19] =	ssyncset.done $0x0  }
0x4b: {  	[sflag:s19] =	ssyncadd.s32 $0xFFFFE000  }
0x4c: {  	[spmem:s2] =	stream.indirect.scatter.add.f32 [tilespmem:s17], [sflag:$0x3], $0x40, s21, s16, $0xb8;
	[tilespmem:$0x1A400] =	vst v63  }
0x4d: {  	_ =	swait.ge [sflag:s11], $0x2000  }
0x4e: {  	[sflag:s11] =	ssyncset.done $0x0  }
0x4f: {  	[sflag:s11] =	ssyncadd.s32 $0xFFFFE000  }
0x50: {  	[tilespmem:s17], [sflag:$0x1] =	stream.indirect.gather [spmem:s3], $0x40, s22, s16, $0xb8;
	[tilespmem:$0x1A400] =	vst v63  }
0x51: {  	_ =	swait.ge [sflag:s20], $0x2000  }
0x52: {  	[sflag:s20] =	ssyncset.done $0x0  }
0x53: {  	[sflag:s20] =	ssyncadd.s32 $0xFFFFE000  }
0x54: {  	[spmem:s2] =	stream.indirect.scatter.add.f32 [tilespmem:s18], [sflag:$0x3], $0x40, s23, s16, $0xb8;
	[tilespmem:$0x1A400] =	vst v63  }
0x55: {  	_ =	swait.ge [sflag:s11], $0x2000  }
0x56: {  	[sflag:s11] =	ssyncset.done $0x0  }
0x57: {  	[sflag:s11] =	ssyncadd.s32 $0xFFFFE000  }
0x58: {  	[tilespmem:s18], [sflag:$0x2] =	stream.indirect.gather [spmem:s3], $0x40, s24, s16, $0xb8;
	[tilespmem:$0x1A400] =	vst v63  }
0x59: {  	_ =	swait.ge [sflag:s19], $0x2000  }
0x5a: {  	[sflag:s19] =	ssyncset.done $0x0  }
0x5b: {  	[sflag:s19] =	ssyncadd.s32 $0xFFFFE000  }
0x5c: {  	[spmem:s2] =	stream.indirect.scatter.add.f32 [tilespmem:s17], [sflag:$0x3], $0x40, s25, s16, $0xb8;
	[tilespmem:$0x1A400] =	vst v63  }
0x5d: {  	_ =	swait.ge [sflag:s11], $0x2000  }
0x5e: {  	[sflag:s11] =	ssyncset.done $0x0  }
0x5f: {  	[sflag:s11] =	ssyncadd.s32 $0xFFFFE000  }
0x60: {  	[tilespmem:s17], [sflag:$0x1] =	stream.indirect.gather [spmem:s3], $0x40, s24, s16, $0xb8;
	[tilespmem:$0x1A400] =	vst v63  }
0x61: {  	_ =	swait.ge [sflag:s20], $0x2000  }
0x62: {  	[sflag:s20] =	ssyncset.done $0x0  }
0x63: {  	[sflag:s20] =	ssyncadd.s32 $0xFFFFE000  }
0x64: {  	[spmem:s2] =	stream.indirect.scatter.add.f32 [tilespmem:s18], [sflag:$0x3], $0x40, s26, s16, $0xb8;
	[tilespmem:$0x1A400] =	vst v63  }
0x65: {  	_ =	swait.ge [sflag:s11], $0x2000  }
0x66: {  	[sflag:s11] =	ssyncset.done $0x0  }
0x67: {  	[sflag:s11] =	ssyncadd.s32 $0xFFFFE000  }
0x68: {  	[tilespmem:s18], [sflag:$0x2] =	stream.indirect.gather [spmem:s3], $0x40, s24, s16, $0xb8;
	[tilespmem:$0x1A400] =	vst v63  }
0x69: {  	_ =	swait.ge [sflag:s19], $0x2000  }
0x6a: {  	[sflag:s19] =	ssyncset.done $0x0  }
0x6b: {  	[sflag:s19] =	ssyncadd.s32 $0xFFFFE000  }
0x6c: {  	_ =	swait.ge [sflag:s20], $0x2000  }
0x6d: {  	s28 =	sadd.s32 $0x1, s28;
	[sflag:s20] =	ssyncset.done $0x0  }
0x6e: {  	p0 =	sne.s32 s28, s10;
	[sflag:s20] =	ssyncadd.s32 $0xFFFFE000  }
.Ltmp1:
0x6f: {  	[bflag:$0x0] =	sbarrier.arrive $0xFFFF;
	(pc) =	sbr.rel @p0 .LBB2_1-.Ltmp1, $4  }
0x70: {  	[hbm:s9], [sflag:s13] =	dma.local [spmem:s14], $0x13C0  }
0x71: {  	_ =	swait.ge [sflag:s11], $0x13C0  }
0x72: {  	[sflag:s11] =	ssyncset.done $0x0  }
0x73: {  	[sflag:s11] =	ssyncadd.s32 $0xFFFFEC40  }
0x74: {  	_ =	sfence.sel $0x180000  }
0x75: {  	[bflag:$0x0] =	sbarrier.arrive $0xFFFF  }
0x76: {  	p0 =	sne.s32 s0, $0x0;
	_ =	strace $0x9000004D  }
0x77: {  	s0 =	sadd.s32 @!p0 $0x100000, s1;
	[bflag:$0x2] =	sbarrier.arrive $0xFFFF  }
0x78: {  	[sflag:s0] =	ssyncadd.tile.s32 @!p0 $0x1;
	_ =	shalt  }
.Lfunc_end2:
_tile_overlayer_lowered:
.L_overlay_start_2:
0x79: {  	(tag) =	ssettag $0x2  }
0x7a: {  	s0 =	rddreg [dreg:$0x0];
	s2 =	stileid.u32  }
0x7b: {  	s1 =	rddreg [dreg:$0x1];
	p0 =	sne.s32 s2, $0x0  }
0x7c: {  	s3 =	rddreg [dreg:$0x2];
	[bflag:$0x3] =	sbarrier.arrive $0xFFFF;
	s2 =	simm.s32 @!p0 $0x1C03  }
0x7d: {  	[timem:s3], [sflag:s2] =	dma.local @!p0 [hbm:s0], s1  }
0x7e: {  	s0 =	simm.s32 @!p0 $0x3  }
0x7f: {  	_ =	swait.ge @!p0 [sflag:s0], s1  }
0x80: {  	s1 =	ssub.s32 @!p0 $0x0, s1;
	[sflag:s0] =	ssyncset.done @!p0 $0x0  }
0x81: {  	[sflag:s0] =	ssyncadd.s32 @!p0 s1  }
0x82: {  	[bflag:$0x3] =	sbarrier.arrive $0xFFFF  }
0x83: {  	_ =	shalt  }

// kernel: kernel.17.cloned.1.call-start
scs
__scs_entry_jumppad:
0x0: {  	(pc) =	sbr.rel $0x88, $3  }
0x1: {  	(tag) =	ssettag $0x0;
	lr =	simm.s32 $0x1  }
0x2: {  	[smem:$0x3F90] =	sst lr;
	_ =	strace $0xD0000000  }
0x3: {  	_ = 	snop  }
0x4: {  	_ = 	snop  }
0x5: {  	_ = 	snop  }
0x6: {  	_ = 	snop  }
0x7: {  	_ = 	snop  }
__scs_overlays_trampoline_lowered:
0x8: {  	[smem:$0x3F9F] =	sst s0  }
0x9: {  	[smem:$0x3FA0] =	sst s1  }
0xa: {  	[smem:$0x3FA1] =	sst s2  }
0xb: {  	[smem:$0x3FA2] =	sst s3  }
0xc: {  	[smem:$0x3FA3] =	sst s4  }
0xd: {  	[smem:$0x3FA4] =	sst s5  }
0xe: {  	[smem:$0x3FA5] =	sst s6  }
0xf: {  	[smem:$0x3FA6] =	sst s7  }
0x10: {  	[smem:$0x3FA7] =	sst s8  }
0x11: {  	[smem:$0x3FA8] =	sst s9;
	s0 =	simm.s32 @!p0 $0x0  }
0x12: {  	s1 =	sld [smem:$0x3F8E];
	s0 =	simm.s32 @p0 $0x1  }
0x13: {  	[smem:$0x3FA9] =	sst s0;
	s0 =	simm.s32 @!p1 $0x0  }
0x14: {  	s2 =	sld [smem:$0x3F8D];
	s0 =	simm.s32 @p1 $0x1  }
0x15: {  	[smem:$0x3FAA] =	sst s0;
	s0 =	simm.s32 @!p2 $0x0  }
0x16: {  	s3 =	sld [smem:$0x3FDB];
	s0 =	simm.s32 @p2 $0x1  }
0x17: {  	s4 =	simm.s32 $0x1BF5;
	[smem:$0x3FAC] =	sst s0  }
0x18: {  	s0 =	sld [smem:$0x3F8F];
	_ =	swait.ge [sflag:s4], $0x0  }
0x19: {  	s7 =	sld [smem:$0x3F90]  }
0x1a: {  	s8 =	sadd.s32 $0xFFFFE003, lr  }
0x1b: {  	s9 =	sadd.s32 $0xFFFFFEF7, lr;
	s5 =	simm.s32 $0xFFFFFFFF;
	p2 =	slt.u32 s8, $0xFFFFF086  }
0x1c: {  	p1 =	slt.u32 s9, $0xF7A;
	s5 =	simm.s32 @!p2 $0x0  }
0x1d: {  	s5 =	simm.s32 @p1 $0x1;
	p0 =	seq.s32 s7, s2  }
0x1e: {  	s7 =	smul.u32 @!p0 $0xF7A, s2;
	p2 =	seq.s32 @!p0 s5, $0x0  }
0x1f: {  	s9 =	smul.u32 $0xF7A, s1;
	s8 =	simm.s32 @!p0 $0x1BF5;
	p2 =	por !p2, p0  }
0x20: {  	[sflag:s8] =	ssyncset.s32 @!p0 $0xFFFFF086;
	s6 =	sadd.s32 @!p0 s3, s7;
	s7 =	simm.s32 @!p0 $0x108  }
0x21: {  	s3 =	sadd.s32 s3, s9;
	s6 =	sadd.s32 @!p0 $0x88, s6;
	s7 =	simm.s32 @p2 $0x1082  }
0x22: {  	[simem:s7], [sflag:s8] =	dma.local @!p0 [hbm:s6], $0xF7A  }
0x23: {  	s9 =	sor.u32 $0xD0000000, s2;
	s6 =	simm.s32 $0x108;
	_ =	swait.ge @!p0 [sflag:s8], $0x0  }
0x24: {  	s3 =	sadd.s32 $0x88, s3;
	s6 =	simm.s32 @!p1 $0x1082;
	[sflag:s4] =	ssyncset.s32 $0xFFFFF086  }
0x25: {  	[simem:s6], [sflag:s4] =	dma.local [hbm:s3], $0xF7A  }
0x26: {  	[smem:$0x3F90] =	sst s1;
	(tag) =	ssettag s2;
	_ =	strace s9  }
0x27: {  	s1 =	sld [smem:$0x3FA0]  }
0x28: {  	s2 =	sld [smem:$0x3FA1]  }
0x29: {  	s4 =	sld [smem:$0x3FA3]  }
0x2a: {  	p0 =	seq.s32 s5, $0x0;
	s5 =	sld [smem:$0x3FA4]  }
0x2b: {  	s6 =	sld [smem:$0x3FA5]  }
0x2c: {  	s7 =	sld [smem:$0x3FA6]  }
0x2d: {  	s3 =	simm.s32 $0x108;
	s8 =	sld [smem:$0x3FA7]  }
0x2e: {  	s3 =	simm.s32 @!p0 $0x1082;
	s9 =	sld [smem:$0x3FA8]  }
0x2f: {  	lr =	sadd.s32 s0, s3;
	s0 =	sld [smem:$0x3F9F]  }
0x30: {  	s3 =	sld [smem:$0x3FA2]  }
0x31: {  	[smem:$0x3FAB] =	sst s10  }
0x32: {  	s10 =	sld [smem:$0x3FA9];
	_ =	sdelay $0x3  }
0x33: {  	p0 =	seq.s32 s10, $0x1;
	s10 =	sld [smem:$0x3FAB];
	_ =	sdelay $0x3  }
0x34: {  	[smem:$0x3FAB] =	sst s10  }
0x35: {  	s10 =	sld [smem:$0x3FAA];
	_ =	sdelay $0x3  }
0x36: {  	p1 =	seq.s32 s10, $0x1;
	s10 =	sld [smem:$0x3FAB];
	_ =	sdelay $0x3  }
0x37: {  	[smem:$0x3FAB] =	sst s10  }
0x38: {  	s10 =	sld [smem:$0x3FAC]  }
0x39: {  	_ = 	snop;
	(pc) =	sbr.ind lr, $3  }
0x3a: {  	_ = 	snop  }
0x3b: {  	_ = 	snop  }
0x3c: {  	p2 =	seq.s32 s10, $0x1;
	s10 =	sld [smem:$0x3FAB]  }
0x3d: {  	_ =	shalt  }
0x3e: {  	_ =	shalt  }
0x3f: {  	_ =	shalt  }
0x40: {  	_ =	shalt  }
0x41: {  	_ =	shalt  }
0x42: {  	_ =	shalt  }
0x43: {  	_ =	shalt  }
0x44: {  	_ =	shalt  }
0x45: {  	_ =	shalt  }
0x46: {  	_ =	shalt  }
0x47: {  	_ =	shalt  }
0x48: {  	_ =	shalt  }
0x49: {  	_ =	shalt  }
0x4a: {  	_ =	shalt  }
0x4b: {  	_ =	shalt  }
0x4c: {  	_ =	shalt  }
0x4d: {  	_ =	shalt  }
0x4e: {  	_ =	shalt  }
0x4f: {  	_ =	shalt  }
0x50: {  	_ =	shalt  }
0x51: {  	_ =	shalt  }
0x52: {  	_ =	shalt  }
0x53: {  	_ =	shalt  }
0x54: {  	_ =	shalt  }
0x55: {  	_ =	shalt  }
0x56: {  	_ =	shalt  }
0x57: {  	_ =	shalt  }
0x58: {  	_ =	shalt  }
0x59: {  	_ =	shalt  }
0x5a: {  	_ =	shalt  }
0x5b: {  	_ =	shalt  }
0x5c: {  	_ =	shalt  }
0x5d: {  	_ =	shalt  }
0x5e: {  	_ =	shalt  }
0x5f: {  	_ =	shalt  }
0x60: {  	_ =	shalt  }
0x61: {  	_ =	shalt  }
0x62: {  	_ =	shalt  }
0x63: {  	_ =	shalt  }
0x64: {  	_ =	shalt  }
0x65: {  	_ =	shalt  }
0x66: {  	_ =	shalt  }
0x67: {  	_ =	shalt  }
0x68: {  	_ =	shalt  }
0x69: {  	_ =	shalt  }
0x6a: {  	_ =	shalt  }
0x6b: {  	_ =	shalt  }
0x6c: {  	_ =	shalt  }
0x6d: {  	_ =	shalt  }
0x6e: {  	_ =	shalt  }
0x6f: {  	_ =	shalt  }
0x70: {  	_ =	shalt  }
0x71: {  	_ =	shalt  }
0x72: {  	_ =	shalt  }
0x73: {  	_ =	shalt  }
0x74: {  	_ =	shalt  }
0x75: {  	_ =	shalt  }
0x76: {  	_ =	shalt  }
0x77: {  	_ =	shalt  }
0x78: {  	_ =	shalt  }
0x79: {  	_ =	shalt  }
0x7a: {  	_ =	shalt  }
0x7b: {  	_ =	shalt  }
0x7c: {  	_ =	shalt  }
0x7d: {  	_ =	shalt  }
0x7e: {  	_ =	shalt  }
0x7f: {  	_ =	shalt  }
0x80: {  	_ =	shalt  }
0x81: {  	_ =	shalt  }
0x82: {  	_ =	shalt  }
0x83: {  	_ =	shalt  }
0x84: {  	_ =	shalt  }
0x85: {  	_ =	shalt  }
0x86: {  	_ =	shalt  }
0x87: {  	_ =	shalt  }
.Lfunc_end0:
.L_simem_size_0:
called_computation.2_lowered:
.L_overlay_start_0:
0x88: {  	s2 =	sld [smem:$0x3FD9]  }
0x89: {  	s3 =	sld [smem:$0x3FFE];
	_ =	sdelay $0x1  }
0x8a: {  	s1 =	srdreg.scid  }
0x8b: {  	s0 =	sand.u32 $0x1, s1  }
0x8c: {  	s17 =	sshll.u32 s0, $0xA;
	s2 =	sadd.s32 s3, s2  }
0x8d: {  	s2 =	sadd.s32 s2, s17  }
0x8e: {  	[smem:$0x3FB7] =	sst s2  }
0x8f: {  	_ = 	snop  }
0x90: {  	(tm) =	ssettm $0x1  }
0x91: {  	s18 =	sld [smem:$0x3FFB];
	_ =	sdelay $0x3  }
0x92: {  	_ =	strace s18  }
0x93: {  	s2 =	sld [smem:$0x3FFC];
	_ =	sdelay $0x3  }
0x94: {  	_ =	strace s2  }
0x95: {  	s2 =	sld [smem:$0x3FFD];
	_ =	sdelay $0x3  }
0x96: {  	_ =	strace s2  }
0x97: {  	_ =	strace $0x8FFFFFFF  }
0x98: {  	s19 =	sld [smem:$0x3FDB];
	_ =	sdelay $0x1  }
0x99: {  	s20 =	simm.s32 $_scs_section_size  }
0x9a: {  	s4 =	simm.s32 $_size__tile_overlayer_lowered;
	s5 =	simm.s32 $_tile_overlayer_lowered  }
0x9b: {  	s6 =	simm.s32 $0x1BFF;
	s21 =	sshll.u32 s5, $0x1;
	s3 =	sadd.s32 s20, s19  }
0x9c: {  	s22 =	simm.s32 $0x0;
	s4 =	sshll.u32 s4, $0x1;
	s5 =	sadd.s32 s21, s3  }
0x9d: {  	[timem:s22], [sflag:s6] =	dma.local [hbm:s5], s4  }
0x9e: {  	_ =	swait.ge [sflag:s6], s4  }
0x9f: {  	s4 =	ssub.s32 $0x0, s4;
	[sflag:s6] =	ssyncset.done $0x0  }
0xa0: {  	[sflag:s6] =	ssyncadd.s32 s4;
	_ =	sdelay $0x1  }
0xa1: {  	s23 =	simm.s32 $0x1B8B  }
0xa2: {  	_ =	swait.ge [sflag:s23], $0x1  }
0xa3: {  	[sflag:s23] =	ssyncset.done $0x0  }
0xa4: {  	[sflag:s23] =	ssyncadd.s32 $0xFFFFFFFF  }
0xa5: {  	s4 =	sld [smem:$0x0]  }
0xa6: {  	s5 =	sand.u32 $0xFFFFFFFE, s1  }
0xa7: {  	p0 =	sne.s32 s1, s5  }
0xa8: {  	s5 =	sshll.u32 @p0 s5, $0xE  }
0xa9: {  	s5 =	sadd.s32 @p0 $0x11B8D, s5;
	s6 =	sshll.u32 @p0 s4, $0x11  }
0xaa: {  	s5 =	sor.u32 @p0 s6, s5  }
0xab: {  	[sflag:s5] =	ssyncadd.remote.s32 @p0 $0x1;
	_ =	sdelay $0x1  }
0xac: {  	s5 =	simm.s32 @p0 $0x1B8D  }
0xad: {  	_ =	swait.eq @p0 [sflag:s5], $0x1  }
0xae: {  	[sflag:s5] =	ssyncadd.s32 @p0 $0xFFFFFFFF  }
0xaf: {  	s6 =	sshll.u32 @!p0 s1, $0xE  }
0xb0: {  	s6 =	sor.u32 @!p0 $0x4000, s6;
	s5 =	simm.s32 @!p0 $0x1B8D  }
0xb1: {  	s4 =	sshll.u32 @!p0 s4, $0x11;
	s6 =	sadd.s32 @!p0 $0x11B8D, s6;
	_ =	swait.eq @!p0 [sflag:s5], $0x1  }
0xb2: {  	s4 =	sor.u32 @!p0 s4, s6;
	[sflag:s5] =	ssyncadd.s32 @!p0 $0xFFFFFFFF  }
0xb3: {  	s25 =	simm.s32 $0x1B8E;
	s24 =	sld [smem:$0x3FFE];
	[sflag:s4] =	ssyncadd.remote.s32 @!p0 $0x1  }
0xb4: {  	s26 =	simm.s32 $execute0_lowered;
	[smem:$0x3FD2] =	sst s25  }
0xb5: {  	s5 =	sshll.u32 s26, $0x1;
	_ =	strace $0x80000049;
	[dreg:$0x1] =	wrdreg $0xFFFFFFFF  }
0xb6: {  	s28 =	simm.s32 $_size_execute0_lowered;
	s3 =	sadd.s32 s3, s5;
	[dreg:$0x0] =	wrdreg $0x0  }
0xb7: {  	s5 =	sshll.u32 s28, $0x1;
	[dreg:$0x2] =	wrdreg s3  }
0xb8: {  	[dreg:$0x3] =	wrdreg s5  }
0xb9: {  	[dreg:$0x4] =	wrdreg $0xC0  }
0xba: {  	_ =	task [dreg:s22], $0x5FFFF  }
0xbb: {  	[dreg:$0x1] =	wrdreg $0xFFFFFFFF  }
0xbc: {  	[dreg:$0x0] =	wrdreg $0x60  }
0xbd: {  	[dreg:$0x2] =	wrdreg s24  }
0xbe: {  	[dreg:$0x3] =	wrdreg $0x68000  }
0xbf: {  	[dreg:$0x4] =	wrdreg $0x106000  }
0xc0: {  	[dreg:$0x5] =	wrdreg $0xB  }
0xc1: {  	_ =	task.clear_ibuf [dreg:s22], $0x6FFFF;
	_ =	strace $0x90000049  }
0xc2: {  	s29 =	simm.s32 $0xB;
	_ =	strace $0x8000004B  }
0xc3: {  	_ =	swait.ge [sflag:s29], $0x1  }
0xc4: {  	[sflag:s29] =	ssyncadd.s32 $0xFFFFFFFF  }
0xc5: {  	_ =	strace $0x9000004B  }
0xc6: {  	_ =	sfence  }
0xc7: {  	s30 =	sld [smem:$0x0];
	_ =	sdelay $0x2  }
0xc8: {  	s31 =	sshll.u32 s1, $0xD;
	s1 =	sshrl.u32 s1, $0x2  }
0xc9: {  	s4 =	sand.u32 $0x4000, s31;
	s1 =	sadd.s32 s1, s30  }
0xca: {  	s0 =	sor.u32 s4, s0;
	s1 =	sshll.u32 s1, $0x11  }
0xcb: {  	s0 =	sor.u32 s1, s0  }
0xcc: {  	s0 =	sadd.s32 $0x8F2B, s0  }
0xcd: {  	[sflag:s0] =	ssyncadd.remote.s32 $0x1  }
0xce: {  	_ =	sfence.sel $0xFFFF  }
0xcf: {  	[dreg:$0x0] =	wrdreg $0xFFFFFFFF;
	(pc) =	sbr.abs _section_cstart, $3  }
0xd0: {  	[dreg:$0x1] =	wrdreg $0xFFFFFFFF  }
0xd1: {  	_ =	task.clear_ibuf [dreg:s22], $0x2FFFF;
	_ =	strace $0x9FFFFFFF  }
0xd2: {  	(tm) =	ssettm $0x7FFFFFFF  }
0xd3: {  	_ =	shalt  }
tec
execute0_lowered:
.L_overlay_start_1:
0x0: {  	(tag) =	ssettag $0x1  }
0x1: {  	s5 =	rddreg [dreg:$0x0]  }
0x2: {  	s2 =	rddreg [dreg:$0x1]  }
0x3: {  	s3 =	rddreg [dreg:$0x2]  }
0x4: {  	s0 =	rddreg [dreg:$0x3];
	s1 =	stileid.u32  }
0x5: {  	s6 =	srdreg.scid;
	s4 =	simm.s32 $0x0;
	s12 =	simm.s32 $0x1400  }
0x6: {  	s16 =	simm.s32 $0x80;
	s17 =	simm.s32 $0x2800;
	s18 =	simm.s32 $0x4800  }
0x7: {  	s19 =	simm.s32 $0x1;
	s20 =	simm.s32 $0x2;
	s21 =	simm.s32 $0x2600  }
0x8: {  	s22 =	simm.s32 $0x1300;
	s23 =	simm.s32 $0x2680;
	s24 =	simm.s32 $0x1380  }
0x9: {  	s25 =	simm.s32 $0x2700;
	s26 =	simm.s32 $0x2780;
	s28 =	simm.s32 $0x0  }
0xa: {  	s8 =	smul.u32 $0x9E00, s1;
	s6 =	sand.u32 $0x1, s6;
	[smem:$0x7FF] =	sst s4  }
0xb: {  	s7 =	sshll.u32 s1, $0x1;
	s13 =	sshll.u32 s1, $0x6;
	s9 =	smul.u32 $0x9E000, s6  }
0xc: {  	_ =	strace $0x8000004A;
	s7 =	sor.u32 s6, s7;
	s6 =	ssub.s32 $0x2, s6  }
0xd: {  	s13 =	sor.u32 $0x1C03, s13;
	s10 =	sshrl.u32 s8, $0x3;
	s7 =	smul.u32 $0x280, s7  }
0xe: {  	s31 =	sshrl.u32 s6, $0x1;
	s14 =	sadd.s32 s8, s2;
	s15 =	sadd.s32 s8, s3  }
0xf: {  	s9 =	sadd.s32 s8, s9;
	s10 =	sadd.s32 s10, s5;
	s11 =	ssub.s32 s6, s31  }
0x10: {  	s14 =	sshrl.u32 s14, $0x3;
	s15 =	sshrl.u32 s15, $0x3;
	s9 =	sshrl.u32 s9, $0x3  }
0x11: {  	s7 =	sadd.s32 s7, s5;
	s8 =	sadd.s32 $0x17200, s10;
	s9 =	sadd.s32 s9, s5  }
0x12: {  	s5 =	sadd.s32 $0x2AE00, s7;
	s6 =	sadd.s32 $0x3200, s7;
	s7 =	sadd.s32 $0x2FE00, s10  }
0x13: {  	s10 =	smax.u32 s11, $0x1;
	s11 =	simm.s32 $0x3;
	s9 =	sadd.s32 $0x43A00, s9  }
.LBB2_1:
0x14: {  	[tilespmem:s4], [sflag:$0x3] =	stream.linear.gather [hbm4b:s5+s4], $0x1400, $0x38;
	[tilespmem:$0x1A400] =	vst v63  }
0x15: {  	_ =	swait.ge [sflag:s11], $0x1400  }
0x16: {  	[sflag:s11] =	ssyncset.done $0x0  }
0x17: {  	[sflag:s11] =	ssyncadd.s32 $0xFFFFEC00  }
0x18: {  	[tilespmem:s12], [sflag:$0x3] =	stream.linear.gather [hbm4b:s6+s4], $0x1400, $0x38;
	[tilespmem:$0x1A400] =	vst v63  }
0x19: {  	_ =	swait.ge [sflag:s11], $0x1400  }
0x1a: {  	[sflag:s11] =	ssyncset.done $0x0  }
0x1b: {  	[sflag:s11] =	ssyncadd.s32 $0xFFFFEC00  }
0x1c: {  	[spmem:s14], [sflag:s13] =	dma.local [hbm:s7], $0x13C0  }
0x1d: {  	_ =	swait.ge [sflag:s11], $0x13C0  }
0x1e: {  	[sflag:s11] =	ssyncset.done $0x0  }
0x1f: {  	[sflag:s11] =	ssyncadd.s32 $0xFFFFEC40  }
0x20: {  	[spmem:s15], [sflag:s13] =	dma.local [hbm:s8], $0x13C0  }
0x21: {  	_ =	swait.ge [sflag:s11], $0x13C0  }
0x22: {  	[sflag:s11] =	ssyncset.done $0x0  }
0x23: {  	[sflag:s11] =	ssyncadd.s32 $0xFFFFEC40  }
0x24: {  	[bflag:$0x0] =	sbarrier.arrive $0xFFFF  }
0x25: {  	[tilespmem:s17], [sflag:$0x1] =	stream.indirect.gather [spmem:s3], $0x40, s4, s16, $0xb8;
	[tilespmem:$0x1A400] =	vst v63  }
0x26: {  	_ = 	snop  }
0x27: {  	[tilespmem:s18], [sflag:$0x2] =	stream.indirect.gather [spmem:s3], $0x40, s16, s16, $0xb8;
	[tilespmem:$0x1A400] =	vst v63  }
0x28: {  	_ =	swait.ge [sflag:s19], $0x2000  }
0x29: {  	[sflag:s19] =	ssyncset.done $0x0  }
0x2a: {  	s29 =	simm.s32 $0x1400;
	[sflag:s19] =	ssyncadd.s32 $0xFFFFE000  }
0x2b: {  	[spmem:s2] =	stream.indirect.scatter.add.f32 [tilespmem:s17], [sflag:$0x3], $0x40, s29, s16, $0xb8;
	[tilespmem:$0x1A400] =	vst v63  }
0x2c: {  	_ =	swait.ge [sflag:s11], $0x2000  }
0x2d: {  	[sflag:s11] =	ssyncset.done $0x0  }
0x2e: {  	s29 =	simm.s32 $0x100;
	[sflag:s11] =	ssyncadd.s32 $0xFFFFE000  }
0x2f: {  	[tilespmem:s17], [sflag:$0x1] =	stream.indirect.gather [spmem:s3], $0x40, s29, s16, $0xb8;
	[tilespmem:$0x1A400] =	vst v63  }
0x30: {  	_ =	swait.ge [sflag:s20], $0x2000  }
0x31: {  	[sflag:s20] =	ssyncset.done $0x0  }
0x32: {  	s29 =	simm.s32 $0x1480;
	[sflag:s20] =	ssyncadd.s32 $0xFFFFE000  }
0x33: {  	[spmem:s2] =	stream.indirect.scatter.add.f32 [tilespmem:s18], [sflag:$0x3], $0x40, s29, s16, $0xb8;
	[tilespmem:$0x1A400] =	vst v63  }
0x34: {  	_ =	swait.ge [sflag:s11], $0x2000  }
0x35: {  	[sflag:s11] =	ssyncset.done $0x0  }
0x36: {  	s30 =	simm.s32 $0x180;
	s29 =	simm.s32 $0x400;
	[sflag:s11] =	ssyncadd.s32 $0xFFFFE000  }
.LBB2_2:
0x37: {  	[tilespmem:s18], [sflag:$0x2] =	stream.indirect.gather [spmem:s3], $0x40, s30, s16, $0xb8;
	[tilespmem:$0x1A400] =	vst v63  }
0x38: {  	s30 =	smov.u32 s29  }
0x39: {  	p0 =	sne.s32 s29, $0x4400;
	s29 =	sadd.s32 $0x400, s29;
	_ =	swait.ge [sflag:s19], $0x2000  }
0x3a: {  	s30 =	sshra.s32 s30, $0x2;
	[sflag:s19] =	ssyncset.done $0x0  }
0x3b: {  	s31 =	sadd.s32 $0x1400, s30;
	[sflag:s19] =	ssyncadd.s32 $0xFFFFE000  }
0x3c: {  	[spmem:s2] =	stream.indirect.scatter.add.f32 [tilespmem:s17], [sflag:$0x3], $0x40, s31, s16, $0xb8;
	[tilespmem:$0x1A400] =	vst v63  }
0x3d: {  	_ =	swait.ge [sflag:s11], $0x2000  }
0x3e: {  	[sflag:s11] =	ssyncset.done $0x0  }
0x3f: {  	s31 =	sadd.s32 $0x100, s30;
	[sflag:s11] =	ssyncadd.s32 $0xFFFFE000  }
0x40: {  	[tilespmem:s17], [sflag:$0x1] =	stream.indirect.gather [spmem:s3], $0x40, s31, s16, $0xb8;
	[tilespmem:$0x1A400] =	vst v63  }
0x41: {  	_ =	swait.ge [sflag:s20], $0x2000  }
0x42: {  	[sflag:s20] =	ssyncset.done $0x0  }
.Ltmp0:
0x43: {  	s31 =	sadd.s32 $0x1480, s30;
	[sflag:s20] =	ssyncadd.s32 $0xFFFFE000;
	(pc) =	sbr.rel @p0 .LBB2_2-.Ltmp0, $4  }
0x44: {  	[spmem:s2] =	stream.indirect.scatter.add.f32 [tilespmem:s18], [sflag:$0x3], $0x40, s31, s16, $0xb8;
	[tilespmem:$0x1A400] =	vst v63  }
0x45: {  	_ =	swait.ge [sflag:s11], $0x2000  }
0x46: {  	[sflag:s11] =	ssyncset.done $0x0  }
0x47: {  	s30 =	sadd.s32 $0x180, s30;
	[sflag:s11] =	ssyncadd.s32 $0xFFFFE000  }
0x48: {  	[tilespmem:s18], [sflag:$0x2] =	stream.indirect.gather [spmem:s3], $0x40, s30, s16, $0xb8;
	[tilespmem:$0x1A400] =	vst v63  }
0x49: {  	_ =	swait.ge [sflag:s19], $0x2000  }
0x4a: {  	[sflag:s19] =	ssyncset.done $0x0  }
0x4b: {  	[sflag:s19] =	ssyncadd.s32 $0xFFFFE000  }
0x4c: {  	[spmem:s2] =	stream.indirect.scatter.add.f32 [tilespmem:s17], [sflag:$0x3], $0x40, s21, s16, $0xb8;
	[tilespmem:$0x1A400] =	vst v63  }
0x4d: {  	_ =	swait.ge [sflag:s11], $0x2000  }
0x4e: {  	[sflag:s11] =	ssyncset.done $0x0  }
0x4f: {  	[sflag:s11] =	ssyncadd.s32 $0xFFFFE000  }
0x50: {  	[tilespmem:s17], [sflag:$0x1] =	stream.indirect.gather [spmem:s3], $0x40, s22, s16, $0xb8;
	[tilespmem:$0x1A400] =	vst v63  }
0x51: {  	_ =	swait.ge [sflag:s20], $0x2000  }
0x52: {  	[sflag:s20] =	ssyncset.done $0x0  }
0x53: {  	[sflag:s20] =	ssyncadd.s32 $0xFFFFE000  }
0x54: {  	[spmem:s2] =	stream.indirect.scatter.add.f32 [tilespmem:s18], [sflag:$0x3], $0x40, s23, s16, $0xb8;
	[tilespmem:$0x1A400] =	vst v63  }
0x55: {  	_ =	swait.ge [sflag:s11], $0x2000  }
0x56: {  	[sflag:s11] =	ssyncset.done $0x0  }
0x57: {  	[sflag:s11] =	ssyncadd.s32 $0xFFFFE000  }
0x58: {  	[tilespmem:s18], [sflag:$0x2] =	stream.indirect.gather [spmem:s3], $0x40, s24, s16, $0xb8;
	[tilespmem:$0x1A400] =	vst v63  }
0x59: {  	_ =	swait.ge [sflag:s19], $0x2000  }
0x5a: {  	[sflag:s19] =	ssyncset.done $0x0  }
0x5b: {  	[sflag:s19] =	ssyncadd.s32 $0xFFFFE000  }
0x5c: {  	[spmem:s2] =	stream.indirect.scatter.add.f32 [tilespmem:s17], [sflag:$0x3], $0x40, s25, s16, $0xb8;
	[tilespmem:$0x1A400] =	vst v63  }
0x5d: {  	_ =	swait.ge [sflag:s11], $0x2000  }
0x5e: {  	[sflag:s11] =	ssyncset.done $0x0  }
0x5f: {  	[sflag:s11] =	ssyncadd.s32 $0xFFFFE000  }
0x60: {  	[tilespmem:s17], [sflag:$0x1] =	stream.indirect.gather [spmem:s3], $0x40, s24, s16, $0xb8;
	[tilespmem:$0x1A400] =	vst v63  }
0x61: {  	_ =	swait.ge [sflag:s20], $0x2000  }
0x62: {  	[sflag:s20] =	ssyncset.done $0x0  }
0x63: {  	[sflag:s20] =	ssyncadd.s32 $0xFFFFE000  }
0x64: {  	[spmem:s2] =	stream.indirect.scatter.add.f32 [tilespmem:s18], [sflag:$0x3], $0x40, s26, s16, $0xb8;
	[tilespmem:$0x1A400] =	vst v63  }
0x65: {  	_ =	swait.ge [sflag:s11], $0x2000  }
0x66: {  	[sflag:s11] =	ssyncset.done $0x0  }
0x67: {  	[sflag:s11] =	ssyncadd.s32 $0xFFFFE000  }
0x68: {  	[tilespmem:s18], [sflag:$0x2] =	stream.indirect.gather [spmem:s3], $0x40, s24, s16, $0xb8;
	[tilespmem:$0x1A400] =	vst v63  }
0x69: {  	_ =	swait.ge [sflag:s19], $0x2000  }
0x6a: {  	[sflag:s19] =	ssyncset.done $0x0  }
0x6b: {  	[sflag:s19] =	ssyncadd.s32 $0xFFFFE000  }
0x6c: {  	_ =	swait.ge [sflag:s20], $0x2000  }
0x6d: {  	s28 =	sadd.s32 $0x1, s28;
	[sflag:s20] =	ssyncset.done $0x0  }
0x6e: {  	p0 =	sne.s32 s28, s10;
	[sflag:s20] =	ssyncadd.s32 $0xFFFFE000  }
.Ltmp1:
0x6f: {  	[bflag:$0x0] =	sbarrier.arrive $0xFFFF;
	(pc) =	sbr.rel @p0 .LBB2_1-.Ltmp1, $4  }
0x70: {  	[hbm:s9], [sflag:s13] =	dma.local [spmem:s14], $0x13C0  }
0x71: {  	_ =	swait.ge [sflag:s11], $0x13C0  }
0x72: {  	[sflag:s11] =	ssyncset.done $0x0  }
0x73: {  	[sflag:s11] =	ssyncadd.s32 $0xFFFFEC40  }
0x74: {  	_ =	sfence.sel $0x180000  }
0x75: {  	[bflag:$0x0] =	sbarrier.arrive $0xFFFF  }
0x76: {  	p0 =	sne.s32 s1, $0x0;
	_ =	strace $0x9000004A  }
0x77: {  	s0 =	sadd.s32 @!p0 $0x100000, s0;
	[bflag:$0x2] =	sbarrier.arrive $0xFFFF  }
0x78: {  	[sflag:s0] =	ssyncadd.tile.s32 @!p0 $0x1;
	_ =	shalt  }
.Lfunc_end2:
_tile_overlayer_lowered:
.L_overlay_start_2:
0x79: {  	(tag) =	ssettag $0x2  }
0x7a: {  	s0 =	rddreg [dreg:$0x0];
	s2 =	stileid.u32  }
0x7b: {  	s1 =	rddreg [dreg:$0x1];
	p0 =	sne.s32 s2, $0x0  }
0x7c: {  	s3 =	rddreg [dreg:$0x2];
	[bflag:$0x3] =	sbarrier.arrive $0xFFFF;
	s2 =	simm.s32 @!p0 $0x1C03  }
0x7d: {  	[timem:s3], [sflag:s2] =	dma.local @!p0 [hbm:s0], s1  }
0x7e: {  	s0 =	simm.s32 @!p0 $0x3  }
0x7f: {  	_ =	swait.ge @!p0 [sflag:s0], s1  }
0x80: {  	s1 =	ssub.s32 @!p0 $0x0, s1;
	[sflag:s0] =	ssyncset.done @!p0 $0x0  }
0x81: {  	[sflag:s0] =	ssyncadd.s32 @!p0 s1  }
0x82: {  	[bflag:$0x3] =	sbarrier.arrive $0xFFFF  }
0x83: {  	_ =	shalt  }

// kernel: kernel.20.cloned.1.call-start
scs
__scs_entry_jumppad:
0x0: {  	(pc) =	sbr.rel $0x88, $3  }
0x1: {  	(tag) =	ssettag $0x0;
	lr =	simm.s32 $0x1  }
0x2: {  	[smem:$0x3F90] =	sst lr;
	_ =	strace $0xD0000000  }
0x3: {  	_ = 	snop  }
0x4: {  	_ = 	snop  }
0x5: {  	_ = 	snop  }
0x6: {  	_ = 	snop  }
0x7: {  	_ = 	snop  }
__scs_overlays_trampoline_lowered:
0x8: {  	[smem:$0x3F9F] =	sst s0  }
0x9: {  	[smem:$0x3FA0] =	sst s1  }
0xa: {  	[smem:$0x3FA1] =	sst s2  }
0xb: {  	[smem:$0x3FA2] =	sst s3  }
0xc: {  	[smem:$0x3FA3] =	sst s4  }
0xd: {  	[smem:$0x3FA4] =	sst s5  }
0xe: {  	[smem:$0x3FA5] =	sst s6  }
0xf: {  	[smem:$0x3FA6] =	sst s7  }
0x10: {  	[smem:$0x3FA7] =	sst s8  }
0x11: {  	[smem:$0x3FA8] =	sst s9;
	s0 =	simm.s32 @!p0 $0x0  }
0x12: {  	s1 =	sld [smem:$0x3F8E];
	s0 =	simm.s32 @p0 $0x1  }
0x13: {  	[smem:$0x3FA9] =	sst s0;
	s0 =	simm.s32 @!p1 $0x0  }
0x14: {  	s2 =	sld [smem:$0x3F8D];
	s0 =	simm.s32 @p1 $0x1  }
0x15: {  	[smem:$0x3FAA] =	sst s0;
	s0 =	simm.s32 @!p2 $0x0  }
0x16: {  	s3 =	sld [smem:$0x3FDB];
	s0 =	simm.s32 @p2 $0x1  }
0x17: {  	s4 =	simm.s32 $0x1BF5;
	[smem:$0x3FAC] =	sst s0  }
0x18: {  	s0 =	sld [smem:$0x3F8F];
	_ =	swait.ge [sflag:s4], $0x0  }
0x19: {  	s7 =	sld [smem:$0x3F90]  }
0x1a: {  	s8 =	sadd.s32 $0xFFFFE003, lr  }
0x1b: {  	s9 =	sadd.s32 $0xFFFFFEF7, lr;
	s5 =	simm.s32 $0xFFFFFFFF;
	p2 =	slt.u32 s8, $0xFFFFF086  }
0x1c: {  	p1 =	slt.u32 s9, $0xF7A;
	s5 =	simm.s32 @!p2 $0x0  }
0x1d: {  	s5 =	simm.s32 @p1 $0x1;
	p0 =	seq.s32 s7, s2  }
0x1e: {  	s7 =	smul.u32 @!p0 $0xF7A, s2;
	p2 =	seq.s32 @!p0 s5, $0x0  }
0x1f: {  	s9 =	smul.u32 $0xF7A, s1;
	s8 =	simm.s32 @!p0 $0x1BF5;
	p2 =	por !p2, p0  }
0x20: {  	[sflag:s8] =	ssyncset.s32 @!p0 $0xFFFFF086;
	s6 =	sadd.s32 @!p0 s3, s7;
	s7 =	simm.s32 @!p0 $0x108  }
0x21: {  	s3 =	sadd.s32 s3, s9;
	s6 =	sadd.s32 @!p0 $0x88, s6;
	s7 =	simm.s32 @p2 $0x1082  }
0x22: {  	[simem:s7], [sflag:s8] =	dma.local @!p0 [hbm:s6], $0xF7A  }
0x23: {  	s9 =	sor.u32 $0xD0000000, s2;
	s6 =	simm.s32 $0x108;
	_ =	swait.ge @!p0 [sflag:s8], $0x0  }
0x24: {  	s3 =	sadd.s32 $0x88, s3;
	s6 =	simm.s32 @!p1 $0x1082;
	[sflag:s4] =	ssyncset.s32 $0xFFFFF086  }
0x25: {  	[simem:s6], [sflag:s4] =	dma.local [hbm:s3], $0xF7A  }
0x26: {  	[smem:$0x3F90] =	sst s1;
	(tag) =	ssettag s2;
	_ =	strace s9  }
0x27: {  	s1 =	sld [smem:$0x3FA0]  }
0x28: {  	s2 =	sld [smem:$0x3FA1]  }
0x29: {  	s4 =	sld [smem:$0x3FA3]  }
0x2a: {  	p0 =	seq.s32 s5, $0x0;
	s5 =	sld [smem:$0x3FA4]  }
0x2b: {  	s6 =	sld [smem:$0x3FA5]  }
0x2c: {  	s7 =	sld [smem:$0x3FA6]  }
0x2d: {  	s3 =	simm.s32 $0x108;
	s8 =	sld [smem:$0x3FA7]  }
0x2e: {  	s3 =	simm.s32 @!p0 $0x1082;
	s9 =	sld [smem:$0x3FA8]  }
0x2f: {  	lr =	sadd.s32 s0, s3;
	s0 =	sld [smem:$0x3F9F]  }
0x30: {  	s3 =	sld [smem:$0x3FA2]  }
0x31: {  	[smem:$0x3FAB] =	sst s10  }
0x32: {  	s10 =	sld [smem:$0x3FA9];
	_ =	sdelay $0x3  }
0x33: {  	p0 =	seq.s32 s10, $0x1;
	s10 =	sld [smem:$0x3FAB];
	_ =	sdelay $0x3  }
0x34: {  	[smem:$0x3FAB] =	sst s10  }
0x35: {  	s10 =	sld [smem:$0x3FAA];
	_ =	sdelay $0x3  }
0x36: {  	p1 =	seq.s32 s10, $0x1;
	s10 =	sld [smem:$0x3FAB];
	_ =	sdelay $0x3  }
0x37: {  	[smem:$0x3FAB] =	sst s10  }
0x38: {  	s10 =	sld [smem:$0x3FAC]  }
0x39: {  	_ = 	snop;
	(pc) =	sbr.ind lr, $3  }
0x3a: {  	_ = 	snop  }
0x3b: {  	_ = 	snop  }
0x3c: {  	p2 =	seq.s32 s10, $0x1;
	s10 =	sld [smem:$0x3FAB]  }
0x3d: {  	_ =	shalt  }
0x3e: {  	_ =	shalt  }
0x3f: {  	_ =	shalt  }
0x40: {  	_ =	shalt  }
0x41: {  	_ =	shalt  }
0x42: {  	_ =	shalt  }
0x43: {  	_ =	shalt  }
0x44: {  	_ =	shalt  }
0x45: {  	_ =	shalt  }
0x46: {  	_ =	shalt  }
0x47: {  	_ =	shalt  }
0x48: {  	_ =	shalt  }
0x49: {  	_ =	shalt  }
0x4a: {  	_ =	shalt  }
0x4b: {  	_ =	shalt  }
0x4c: {  	_ =	shalt  }
0x4d: {  	_ =	shalt  }
0x4e: {  	_ =	shalt  }
0x4f: {  	_ =	shalt  }
0x50: {  	_ =	shalt  }
0x51: {  	_ =	shalt  }
0x52: {  	_ =	shalt  }
0x53: {  	_ =	shalt  }
0x54: {  	_ =	shalt  }
0x55: {  	_ =	shalt  }
0x56: {  	_ =	shalt  }
0x57: {  	_ =	shalt  }
0x58: {  	_ =	shalt  }
0x59: {  	_ =	shalt  }
0x5a: {  	_ =	shalt  }
0x5b: {  	_ =	shalt  }
0x5c: {  	_ =	shalt  }
0x5d: {  	_ =	shalt  }
0x5e: {  	_ =	shalt  }
0x5f: {  	_ =	shalt  }
0x60: {  	_ =	shalt  }
0x61: {  	_ =	shalt  }
0x62: {  	_ =	shalt  }
0x63: {  	_ =	shalt  }
0x64: {  	_ =	shalt  }
0x65: {  	_ =	shalt  }
0x66: {  	_ =	shalt  }
0x67: {  	_ =	shalt  }
0x68: {  	_ =	shalt  }
0x69: {  	_ =	shalt  }
0x6a: {  	_ =	shalt  }
0x6b: {  	_ =	shalt  }
0x6c: {  	_ =	shalt  }
0x6d: {  	_ =	shalt  }
0x6e: {  	_ =	shalt  }
0x6f: {  	_ =	shalt  }
0x70: {  	_ =	shalt  }
0x71: {  	_ =	shalt  }
0x72: {  	_ =	shalt  }
0x73: {  	_ =	shalt  }
0x74: {  	_ =	shalt  }
0x75: {  	_ =	shalt  }
0x76: {  	_ =	shalt  }
0x77: {  	_ =	shalt  }
0x78: {  	_ =	shalt  }
0x79: {  	_ =	shalt  }
0x7a: {  	_ =	shalt  }
0x7b: {  	_ =	shalt  }
0x7c: {  	_ =	shalt  }
0x7d: {  	_ =	shalt  }
0x7e: {  	_ =	shalt  }
0x7f: {  	_ =	shalt  }
0x80: {  	_ =	shalt  }
0x81: {  	_ =	shalt  }
0x82: {  	_ =	shalt  }
0x83: {  	_ =	shalt  }
0x84: {  	_ =	shalt  }
0x85: {  	_ =	shalt  }
0x86: {  	_ =	shalt  }
0x87: {  	_ =	shalt  }
.Lfunc_end0:
.L_simem_size_0:
called_computation.3_lowered:
.L_overlay_start_0:
0x88: {  	s2 =	sld [smem:$0x3FD9]  }
0x89: {  	s3 =	sld [smem:$0x3FFE];
	_ =	sdelay $0x1  }
0x8a: {  	s1 =	srdreg.scid  }
0x8b: {  	s0 =	sand.u32 $0x1, s1  }
0x8c: {  	s17 =	sshll.u32 s0, $0xA;
	s2 =	sadd.s32 s3, s2  }
0x8d: {  	s2 =	sadd.s32 s2, s17  }
0x8e: {  	[smem:$0x3FB7] =	sst s2  }
0x8f: {  	_ = 	snop  }
0x90: {  	s2 =	sld [smem:$0x3FD0];
	(tm) =	ssettm $0x1  }
0x91: {  	s18 =	sld [smem:$0x3FFB];
	_ =	sdelay $0x3  }
0x92: {  	_ =	strace s18  }
0x93: {  	s3 =	sld [smem:$0x3FFC];
	_ =	sdelay $0x3  }
0x94: {  	_ =	strace s3  }
0x95: {  	s3 =	sld [smem:$0x3FFD];
	_ =	sdelay $0x3  }
0x96: {  	_ =	strace s3  }
0x97: {  	_ =	strace $0x8FFFFFFF  }
0x98: {  	s19 =	sld [smem:$0x3FDB];
	_ =	sdelay $0x1  }
0x99: {  	s4 =	simm.s32 $_scs_section_size  }
0x9a: {  	s5 =	simm.s32 $_size__tile_overlayer_lowered;
	s6 =	simm.s32 $_tile_overlayer_lowered  }
0x9b: {  	s22 =	simm.s32 $0x1BFF;
	s21 =	sshll.u32 s6, $0x1;
	s3 =	sadd.s32 s4, s19  }
0x9c: {  	s7 =	simm.s32 $0x0;
	s20 =	sshll.u32 s5, $0x1;
	s5 =	sadd.s32 s21, s3  }
0x9d: {  	[timem:s7], [sflag:s22] =	dma.local [hbm:s5], s20  }
0x9e: {  	_ =	swait.ge [sflag:s22], s20  }
0x9f: {  	s4 =	ssub.s32 $0x0, s20;
	[sflag:s22] =	ssyncset.done $0x0  }
0xa0: {  	[sflag:s22] =	ssyncadd.s32 s4;
	_ =	sdelay $0x1  }
0xa1: {  	s23 =	simm.s32 $0x1B8B  }
0xa2: {  	_ =	swait.ge [sflag:s23], $0x1  }
0xa3: {  	[sflag:s23] =	ssyncset.done $0x0  }
0xa4: {  	s25 =	simm.s32 $0x1B8E;
	s24 =	sld [smem:$0x3FFE];
	[sflag:s23] =	ssyncadd.s32 $0xFFFFFFFF  }
0xa5: {  	s26 =	simm.s32 $execute0_lowered;
	[smem:$0x3FD2] =	sst s25  }
0xa6: {  	s5 =	sshll.u32 s26, $0x1;
	_ =	strace $0x8000004F;
	[dreg:$0x1] =	wrdreg $0xFFFFFFFF  }
0xa7: {  	s28 =	simm.s32 $_size_execute0_lowered;
	s3 =	sadd.s32 s3, s5;
	[dreg:$0x0] =	wrdreg $0x0  }
0xa8: {  	s5 =	sshll.u32 s28, $0x1;
	[dreg:$0x2] =	wrdreg s3  }
0xa9: {  	[dreg:$0x3] =	wrdreg s5  }
0xaa: {  	[dreg:$0x4] =	wrdreg $0xC0  }
0xab: {  	_ =	task [dreg:s7], $0x5FFFF  }
0xac: {  	[dreg:$0x1] =	wrdreg $0xFFFFFFFF  }
0xad: {  	[dreg:$0x0] =	wrdreg $0x60  }
0xae: {  	[dreg:$0x2] =	wrdreg s2  }
0xaf: {  	[dreg:$0x3] =	wrdreg s24  }
0xb0: {  	[dreg:$0x4] =	wrdreg $0x68000  }
0xb1: {  	[dreg:$0x5] =	wrdreg $0x106000  }
0xb2: {  	[dreg:$0x6] =	wrdreg $0x9  }
0xb3: {  	_ =	task.clear_ibuf [dreg:s7], $0x7FFFF;
	_ =	strace $0x9000004F  }
0xb4: {  	s29 =	simm.s32 $0x9;
	_ =	strace $0x80000051  }
0xb5: {  	_ =	swait.ge [sflag:s29], $0x1  }
0xb6: {  	[sflag:s29] =	ssyncadd.s32 $0xFFFFFFFF  }
0xb7: {  	_ =	strace $0x90000051  }
0xb8: {  	_ =	sfence  }
0xb9: {  	s30 =	sld [smem:$0x0];
	_ =	sdelay $0x2  }
0xba: {  	s31 =	sshll.u32 s1, $0xD;
	s1 =	sshrl.u32 s1, $0x2  }
0xbb: {  	s3 =	sand.u32 $0x4000, s31;
	s1 =	sadd.s32 s1, s30  }
0xbc: {  	s0 =	sor.u32 s3, s0;
	s1 =	sshll.u32 s1, $0x11  }
0xbd: {  	s0 =	sor.u32 s1, s0  }
0xbe: {  	s0 =	sadd.s32 $0x8F2B, s0  }
0xbf: {  	[sflag:s0] =	ssyncadd.remote.s32 $0x1  }
0xc0: {  	_ =	sfence.sel $0xFFFF  }
0xc1: {  	[dreg:$0x0] =	wrdreg $0xFFFFFFFF;
	(pc) =	sbr.abs _section_cstart, $3  }
0xc2: {  	[dreg:$0x1] =	wrdreg $0xFFFFFFFF  }
0xc3: {  	_ =	task.clear_ibuf [dreg:s7], $0x2FFFF;
	_ =	strace $0x9FFFFFFF  }
0xc4: {  	(tm) =	ssettm $0x7FFFFFFF  }
0xc5: {  	_ =	shalt  }
tec
execute0_lowered:
.L_overlay_start_1:
0x0: {  	(tag) =	ssettag $0x1  }
0x1: {  	s8 =	rddreg [dreg:$0x0]  }
0x2: {  	s6 =	rddreg [dreg:$0x1]  }
0x3: {  	s1 =	srdreg.scid;
	s2 =	rddreg [dreg:$0x2]  }
0x4: {  	s0 =	stileid.u32;
	s3 =	rddreg [dreg:$0x3]  }
0x5: {  	s4 =	simm.s32 $0x0;
	s16 =	simm.s32 $0x80;
	s17 =	simm.s32 $0x2800  }
0x6: {  	s18 =	simm.s32 $0x4800;
	s19 =	simm.s32 $0x1;
	s20 =	simm.s32 $0x2  }
0x7: {  	s21 =	simm.s32 $0x2600;
	s22 =	simm.s32 $0x1300;
	s23 =	simm.s32 $0x2680  }
0x8: {  	s24 =	simm.s32 $0x1380;
	s25 =	simm.s32 $0x2700;
	s26 =	simm.s32 $0x2780  }
0x9: {  	s28 =	simm.s32 $0x0;
	s5 =	sand.u32 $0x1, s1;
	s29 =	sshll.u32 s0, $0x1  }
0xa: {  	s9 =	smul.u32 $0x9E00, s0;
	[smem:$0x7FF] =	sst s4;
	s31 =	sshll.u32 s0, $0x6  }
0xb: {  	s1 =	sor.u32 s5, s29;
	s10 =	smul.u32 $0x9E000, s5;
	s5 =	ssub.s32 $0x2, s5  }
0xc: {  	s7 =	smul.u32 $0x280, s1;
	s1 =	rddreg [dreg:$0x4];
	_ =	strace $0x80000050  }
0xd: {  	s11 =	sshrl.u32 s9, $0x3;
	s30 =	sshrl.u32 s5, $0x1;
	s14 =	sadd.s32 s9, s2  }
0xe: {  	s15 =	sadd.s32 s9, s3;
	s10 =	sadd.s32 s9, s10;
	s12 =	sadd.s32 s11, s6  }
0xf: {  	s13 =	ssub.s32 s5, s30;
	s8 =	sadd.s32 s8, s11;
	s11 =	simm.s32 $0x3  }
0x10: {  	s14 =	sshrl.u32 s14, $0x3;
	s7 =	sadd.s32 s7, s6;
	s10 =	sshrl.u32 s10, $0x3  }
0x11: {  	s15 =	sshrl.u32 s15, $0x3;
	s10 =	sadd.s32 s10, s6;
	s5 =	sadd.s32 $0x2AE00, s7  }
0x12: {  	s6 =	sadd.s32 $0x3200, s7;
	s7 =	sadd.s32 $0x2FE00, s12;
	s12 =	simm.s32 $0x1400  }
0x13: {  	s9 =	sadd.s32 $0x43A00, s10;
	s10 =	smax.u32 s13, $0x1;
	s13 =	sor.u32 $0x1C03, s31  }
.LBB2_1:
0x14: {  	[tilespmem:s4], [sflag:$0x3] =	stream.linear.gather [hbm4b:s5+s4], $0x1400, $0x38;
	[tilespmem:$0x1A400] =	vst v63  }
0x15: {  	_ =	swait.ge [sflag:s11], $0x1400  }
0x16: {  	[sflag:s11] =	ssyncset.done $0x0  }
0x17: {  	[sflag:s11] =	ssyncadd.s32 $0xFFFFEC00  }
0x18: {  	[tilespmem:s12], [sflag:$0x3] =	stream.linear.gather [hbm4b:s6+s4], $0x1400, $0x38;
	[tilespmem:$0x1A400] =	vst v63  }
0x19: {  	_ =	swait.ge [sflag:s11], $0x1400  }
0x1a: {  	[sflag:s11] =	ssyncset.done $0x0  }
0x1b: {  	[sflag:s11] =	ssyncadd.s32 $0xFFFFEC00  }
0x1c: {  	[spmem:s14], [sflag:s13] =	dma.local [hbm:s7], $0x13C0  }
0x1d: {  	_ =	swait.ge [sflag:s11], $0x13C0  }
0x1e: {  	[sflag:s11] =	ssyncset.done $0x0  }
0x1f: {  	[sflag:s11] =	ssyncadd.s32 $0xFFFFEC40  }
0x20: {  	[spmem:s15], [sflag:s13] =	dma.local [hbm:s8], $0x13C0  }
0x21: {  	_ =	swait.ge [sflag:s11], $0x13C0  }
0x22: {  	[sflag:s11] =	ssyncset.done $0x0  }
0x23: {  	[sflag:s11] =	ssyncadd.s32 $0xFFFFEC40  }
0x24: {  	[bflag:$0x0] =	sbarrier.arrive $0xFFFF  }
0x25: {  	[tilespmem:s17], [sflag:$0x1] =	stream.indirect.gather [spmem:s3], $0x40, s4, s16, $0xb8;
	[tilespmem:$0x1A400] =	vst v63  }
0x26: {  	_ = 	snop  }
0x27: {  	[tilespmem:s18], [sflag:$0x2] =	stream.indirect.gather [spmem:s3], $0x40, s16, s16, $0xb8;
	[tilespmem:$0x1A400] =	vst v63  }
0x28: {  	_ =	swait.ge [sflag:s19], $0x2000  }
0x29: {  	[sflag:s19] =	ssyncset.done $0x0  }
0x2a: {  	s29 =	simm.s32 $0x1400;
	[sflag:s19] =	ssyncadd.s32 $0xFFFFE000  }
0x2b: {  	[spmem:s2] =	stream.indirect.scatter.add.f32 [tilespmem:s17], [sflag:$0x3], $0x40, s29, s16, $0xb8;
	[tilespmem:$0x1A400] =	vst v63  }
0x2c: {  	_ =	swait.ge [sflag:s11], $0x2000  }
0x2d: {  	[sflag:s11] =	ssyncset.done $0x0  }
0x2e: {  	s29 =	simm.s32 $0x100;
	[sflag:s11] =	ssyncadd.s32 $0xFFFFE000  }
0x2f: {  	[tilespmem:s17], [sflag:$0x1] =	stream.indirect.gather [spmem:s3], $0x40, s29, s16, $0xb8;
	[tilespmem:$0x1A400] =	vst v63  }
0x30: {  	_ =	swait.ge [sflag:s20], $0x2000  }
0x31: {  	[sflag:s20] =	ssyncset.done $0x0  }
0x32: {  	s29 =	simm.s32 $0x1480;
	[sflag:s20] =	ssyncadd.s32 $0xFFFFE000  }
0x33: {  	[spmem:s2] =	stream.indirect.scatter.add.f32 [tilespmem:s18], [sflag:$0x3], $0x40, s29, s16, $0xb8;
	[tilespmem:$0x1A400] =	vst v63  }
0x34: {  	_ =	swait.ge [sflag:s11], $0x2000  }
0x35: {  	[sflag:s11] =	ssyncset.done $0x0  }
0x36: {  	s30 =	simm.s32 $0x180;
	s29 =	simm.s32 $0x400;
	[sflag:s11] =	ssyncadd.s32 $0xFFFFE000  }
.LBB2_2:
0x37: {  	[tilespmem:s18], [sflag:$0x2] =	stream.indirect.gather [spmem:s3], $0x40, s30, s16, $0xb8;
	[tilespmem:$0x1A400] =	vst v63  }
0x38: {  	s30 =	smov.u32 s29  }
0x39: {  	p0 =	sne.s32 s29, $0x4400;
	s29 =	sadd.s32 $0x400, s29;
	_ =	swait.ge [sflag:s19], $0x2000  }
0x3a: {  	s30 =	sshra.s32 s30, $0x2;
	[sflag:s19] =	ssyncset.done $0x0  }
0x3b: {  	s31 =	sadd.s32 $0x1400, s30;
	[sflag:s19] =	ssyncadd.s32 $0xFFFFE000  }
0x3c: {  	[spmem:s2] =	stream.indirect.scatter.add.f32 [tilespmem:s17], [sflag:$0x3], $0x40, s31, s16, $0xb8;
	[tilespmem:$0x1A400] =	vst v63  }
0x3d: {  	_ =	swait.ge [sflag:s11], $0x2000  }
0x3e: {  	[sflag:s11] =	ssyncset.done $0x0  }
0x3f: {  	s31 =	sadd.s32 $0x100, s30;
	[sflag:s11] =	ssyncadd.s32 $0xFFFFE000  }
0x40: {  	[tilespmem:s17], [sflag:$0x1] =	stream.indirect.gather [spmem:s3], $0x40, s31, s16, $0xb8;
	[tilespmem:$0x1A400] =	vst v63  }
0x41: {  	_ =	swait.ge [sflag:s20], $0x2000  }
0x42: {  	[sflag:s20] =	ssyncset.done $0x0  }
.Ltmp0:
0x43: {  	s31 =	sadd.s32 $0x1480, s30;
	[sflag:s20] =	ssyncadd.s32 $0xFFFFE000;
	(pc) =	sbr.rel @p0 .LBB2_2-.Ltmp0, $4  }
0x44: {  	[spmem:s2] =	stream.indirect.scatter.add.f32 [tilespmem:s18], [sflag:$0x3], $0x40, s31, s16, $0xb8;
	[tilespmem:$0x1A400] =	vst v63  }
0x45: {  	_ =	swait.ge [sflag:s11], $0x2000  }
0x46: {  	[sflag:s11] =	ssyncset.done $0x0  }
0x47: {  	s30 =	sadd.s32 $0x180, s30;
	[sflag:s11] =	ssyncadd.s32 $0xFFFFE000  }
0x48: {  	[tilespmem:s18], [sflag:$0x2] =	stream.indirect.gather [spmem:s3], $0x40, s30, s16, $0xb8;
	[tilespmem:$0x1A400] =	vst v63  }
0x49: {  	_ =	swait.ge [sflag:s19], $0x2000  }
0x4a: {  	[sflag:s19] =	ssyncset.done $0x0  }
0x4b: {  	[sflag:s19] =	ssyncadd.s32 $0xFFFFE000  }
0x4c: {  	[spmem:s2] =	stream.indirect.scatter.add.f32 [tilespmem:s17], [sflag:$0x3], $0x40, s21, s16, $0xb8;
	[tilespmem:$0x1A400] =	vst v63  }
0x4d: {  	_ =	swait.ge [sflag:s11], $0x2000  }
0x4e: {  	[sflag:s11] =	ssyncset.done $0x0  }
0x4f: {  	[sflag:s11] =	ssyncadd.s32 $0xFFFFE000  }
0x50: {  	[tilespmem:s17], [sflag:$0x1] =	stream.indirect.gather [spmem:s3], $0x40, s22, s16, $0xb8;
	[tilespmem:$0x1A400] =	vst v63  }
0x51: {  	_ =	swait.ge [sflag:s20], $0x2000  }
0x52: {  	[sflag:s20] =	ssyncset.done $0x0  }
0x53: {  	[sflag:s20] =	ssyncadd.s32 $0xFFFFE000  }
0x54: {  	[spmem:s2] =	stream.indirect.scatter.add.f32 [tilespmem:s18], [sflag:$0x3], $0x40, s23, s16, $0xb8;
	[tilespmem:$0x1A400] =	vst v63  }
0x55: {  	_ =	swait.ge [sflag:s11], $0x2000  }
0x56: {  	[sflag:s11] =	ssyncset.done $0x0  }
0x57: {  	[sflag:s11] =	ssyncadd.s32 $0xFFFFE000  }
0x58: {  	[tilespmem:s18], [sflag:$0x2] =	stream.indirect.gather [spmem:s3], $0x40, s24, s16, $0xb8;
	[tilespmem:$0x1A400] =	vst v63  }
0x59: {  	_ =	swait.ge [sflag:s19], $0x2000  }
0x5a: {  	[sflag:s19] =	ssyncset.done $0x0  }
0x5b: {  	[sflag:s19] =	ssyncadd.s32 $0xFFFFE000  }
0x5c: {  	[spmem:s2] =	stream.indirect.scatter.add.f32 [tilespmem:s17], [sflag:$0x3], $0x40, s25, s16, $0xb8;
	[tilespmem:$0x1A400] =	vst v63  }
0x5d: {  	_ =	swait.ge [sflag:s11], $0x2000  }
0x5e: {  	[sflag:s11] =	ssyncset.done $0x0  }
0x5f: {  	[sflag:s11] =	ssyncadd.s32 $0xFFFFE000  }
0x60: {  	[tilespmem:s17], [sflag:$0x1] =	stream.indirect.gather [spmem:s3], $0x40, s24, s16, $0xb8;
	[tilespmem:$0x1A400] =	vst v63  }
0x61: {  	_ =	swait.ge [sflag:s20], $0x2000  }
0x62: {  	[sflag:s20] =	ssyncset.done $0x0  }
0x63: {  	[sflag:s20] =	ssyncadd.s32 $0xFFFFE000  }
0x64: {  	[spmem:s2] =	stream.indirect.scatter.add.f32 [tilespmem:s18], [sflag:$0x3], $0x40, s26, s16, $0xb8;
	[tilespmem:$0x1A400] =	vst v63  }
0x65: {  	_ =	swait.ge [sflag:s11], $0x2000  }
0x66: {  	[sflag:s11] =	ssyncset.done $0x0  }
0x67: {  	[sflag:s11] =	ssyncadd.s32 $0xFFFFE000  }
0x68: {  	[tilespmem:s18], [sflag:$0x2] =	stream.indirect.gather [spmem:s3], $0x40, s24, s16, $0xb8;
	[tilespmem:$0x1A400] =	vst v63  }
0x69: {  	_ =	swait.ge [sflag:s19], $0x2000  }
0x6a: {  	[sflag:s19] =	ssyncset.done $0x0  }
0x6b: {  	[sflag:s19] =	ssyncadd.s32 $0xFFFFE000  }
0x6c: {  	_ =	swait.ge [sflag:s20], $0x2000  }
0x6d: {  	s28 =	sadd.s32 $0x1, s28;
	[sflag:s20] =	ssyncset.done $0x0  }
0x6e: {  	p0 =	sne.s32 s28, s10;
	[sflag:s20] =	ssyncadd.s32 $0xFFFFE000  }
.Ltmp1:
0x6f: {  	[bflag:$0x0] =	sbarrier.arrive $0xFFFF;
	(pc) =	sbr.rel @p0 .LBB2_1-.Ltmp1, $4  }
0x70: {  	[hbm:s9], [sflag:s13] =	dma.local [spmem:s14], $0x13C0  }
0x71: {  	_ =	swait.ge [sflag:s11], $0x13C0  }
0x72: {  	[sflag:s11] =	ssyncset.done $0x0  }
0x73: {  	[sflag:s11] =	ssyncadd.s32 $0xFFFFEC40  }
0x74: {  	_ =	sfence.sel $0x180000  }
0x75: {  	[bflag:$0x0] =	sbarrier.arrive $0xFFFF  }
0x76: {  	p0 =	sne.s32 s0, $0x0;
	_ =	strace $0x90000050  }
0x77: {  	s0 =	sadd.s32 @!p0 $0x100000, s1;
	[bflag:$0x2] =	sbarrier.arrive $0xFFFF  }
0x78: {  	[sflag:s0] =	ssyncadd.tile.s32 @!p0 $0x1;
	_ =	shalt  }
.Lfunc_end2:
_tile_overlayer_lowered:
.L_overlay_start_2:
0x79: {  	(tag) =	ssettag $0x2  }
0x7a: {  	s0 =	rddreg [dreg:$0x0];
	s2 =	stileid.u32  }
0x7b: {  	s1 =	rddreg [dreg:$0x1];
	p0 =	sne.s32 s2, $0x0  }
0x7c: {  	s3 =	rddreg [dreg:$0x2];
	[bflag:$0x3] =	sbarrier.arrive $0xFFFF;
	s2 =	simm.s32 @!p0 $0x1C03  }
0x7d: {  	[timem:s3], [sflag:s2] =	dma.local @!p0 [hbm:s0], s1  }
0x7e: {  	s0 =	simm.s32 @!p0 $0x3  }
0x7f: {  	_ =	swait.ge @!p0 [sflag:s0], s1  }
0x80: {  	s1 =	ssub.s32 @!p0 $0x0, s1;
	[sflag:s0] =	ssyncset.done @!p0 $0x0  }
0x81: {  	[sflag:s0] =	ssyncadd.s32 @!p0 s1  }
0x82: {  	[bflag:$0x3] =	sbarrier.arrive $0xFFFF  }
0x83: {  	_ =	shalt  }

// kernel: kernel.23.cloned.1.call-start
scs
__scs_entry_jumppad:
0x0: {  	(pc) =	sbr.rel $0x88, $3  }
0x1: {  	(tag) =	ssettag $0x0;
	lr =	simm.s32 $0x1  }
0x2: {  	[smem:$0x3F90] =	sst lr;
	_ =	strace $0xD0000000  }
0x3: {  	_ = 	snop  }
0x4: {  	_ = 	snop  }
0x5: {  	_ = 	snop  }
0x6: {  	_ = 	snop  }
0x7: {  	_ = 	snop  }
__scs_overlays_trampoline_lowered:
0x8: {  	[smem:$0x3F9F] =	sst s0  }
0x9: {  	[smem:$0x3FA0] =	sst s1  }
0xa: {  	[smem:$0x3FA1] =	sst s2  }
0xb: {  	[smem:$0x3FA2] =	sst s3  }
0xc: {  	[smem:$0x3FA3] =	sst s4  }
0xd: {  	[smem:$0x3FA4] =	sst s5  }
0xe: {  	[smem:$0x3FA5] =	sst s6  }
0xf: {  	[smem:$0x3FA6] =	sst s7  }
0x10: {  	[smem:$0x3FA7] =	sst s8  }
0x11: {  	[smem:$0x3FA8] =	sst s9;
	s0 =	simm.s32 @!p0 $0x0  }
0x12: {  	s1 =	sld [smem:$0x3F8E];
	s0 =	simm.s32 @p0 $0x1  }
0x13: {  	[smem:$0x3FA9] =	sst s0;
	s0 =	simm.s32 @!p1 $0x0  }
0x14: {  	s2 =	sld [smem:$0x3F8D];
	s0 =	simm.s32 @p1 $0x1  }
0x15: {  	[smem:$0x3FAA] =	sst s0;
	s0 =	simm.s32 @!p2 $0x0  }
0x16: {  	s3 =	sld [smem:$0x3FDB];
	s0 =	simm.s32 @p2 $0x1  }
0x17: {  	s4 =	simm.s32 $0x1BF5;
	[smem:$0x3FAC] =	sst s0  }
0x18: {  	s0 =	sld [smem:$0x3F8F];
	_ =	swait.ge [sflag:s4], $0x0  }
0x19: {  	s7 =	sld [smem:$0x3F90]  }
0x1a: {  	s8 =	sadd.s32 $0xFFFFE003, lr  }
0x1b: {  	s9 =	sadd.s32 $0xFFFFFEF7, lr;
	s5 =	simm.s32 $0xFFFFFFFF;
	p2 =	slt.u32 s8, $0xFFFFF086  }
0x1c: {  	p1 =	slt.u32 s9, $0xF7A;
	s5 =	simm.s32 @!p2 $0x0  }
0x1d: {  	s5 =	simm.s32 @p1 $0x1;
	p0 =	seq.s32 s7, s2  }
0x1e: {  	s7 =	smul.u32 @!p0 $0xF7A, s2;
	p2 =	seq.s32 @!p0 s5, $0x0  }
0x1f: {  	s9 =	smul.u32 $0xF7A, s1;
	s8 =	simm.s32 @!p0 $0x1BF5;
	p2 =	por !p2, p0  }
0x20: {  	[sflag:s8] =	ssyncset.s32 @!p0 $0xFFFFF086;
	s6 =	sadd.s32 @!p0 s3, s7;
	s7 =	simm.s32 @!p0 $0x108  }
0x21: {  	s3 =	sadd.s32 s3, s9;
	s6 =	sadd.s32 @!p0 $0x88, s6;
	s7 =	simm.s32 @p2 $0x1082  }
0x22: {  	[simem:s7], [sflag:s8] =	dma.local @!p0 [hbm:s6], $0xF7A  }
0x23: {  	s9 =	sor.u32 $0xD0000000, s2;
	s6 =	simm.s32 $0x108;
	_ =	swait.ge @!p0 [sflag:s8], $0x0  }
0x24: {  	s3 =	sadd.s32 $0x88, s3;
	s6 =	simm.s32 @!p1 $0x1082;
	[sflag:s4] =	ssyncset.s32 $0xFFFFF086  }
0x25: {  	[simem:s6], [sflag:s4] =	dma.local [hbm:s3], $0xF7A  }
0x26: {  	[smem:$0x3F90] =	sst s1;
	(tag) =	ssettag s2;
	_ =	strace s9  }
0x27: {  	s1 =	sld [smem:$0x3FA0]  }
0x28: {  	s2 =	sld [smem:$0x3FA1]  }
0x29: {  	s4 =	sld [smem:$0x3FA3]  }
0x2a: {  	p0 =	seq.s32 s5, $0x0;
	s5 =	sld [smem:$0x3FA4]  }
0x2b: {  	s6 =	sld [smem:$0x3FA5]  }
0x2c: {  	s7 =	sld [smem:$0x3FA6]  }
0x2d: {  	s3 =	simm.s32 $0x108;
	s8 =	sld [smem:$0x3FA7]  }
0x2e: {  	s3 =	simm.s32 @!p0 $0x1082;
	s9 =	sld [smem:$0x3FA8]  }
0x2f: {  	lr =	sadd.s32 s0, s3;
	s0 =	sld [smem:$0x3F9F]  }
0x30: {  	s3 =	sld [smem:$0x3FA2]  }
0x31: {  	[smem:$0x3FAB] =	sst s10  }
0x32: {  	s10 =	sld [smem:$0x3FA9];
	_ =	sdelay $0x3  }
0x33: {  	p0 =	seq.s32 s10, $0x1;
	s10 =	sld [smem:$0x3FAB];
	_ =	sdelay $0x3  }
0x34: {  	[smem:$0x3FAB] =	sst s10  }
0x35: {  	s10 =	sld [smem:$0x3FAA];
	_ =	sdelay $0x3  }
0x36: {  	p1 =	seq.s32 s10, $0x1;
	s10 =	sld [smem:$0x3FAB];
	_ =	sdelay $0x3  }
0x37: {  	[smem:$0x3FAB] =	sst s10  }
0x38: {  	s10 =	sld [smem:$0x3FAC]  }
0x39: {  	_ = 	snop;
	(pc) =	sbr.ind lr, $3  }
0x3a: {  	_ = 	snop  }
0x3b: {  	_ = 	snop  }
0x3c: {  	p2 =	seq.s32 s10, $0x1;
	s10 =	sld [smem:$0x3FAB]  }
0x3d: {  	_ =	shalt  }
0x3e: {  	_ =	shalt  }
0x3f: {  	_ =	shalt  }
0x40: {  	_ =	shalt  }
0x41: {  	_ =	shalt  }
0x42: {  	_ =	shalt  }
0x43: {  	_ =	shalt  }
0x44: {  	_ =	shalt  }
0x45: {  	_ =	shalt  }
0x46: {  	_ =	shalt  }
0x47: {  	_ =	shalt  }
0x48: {  	_ =	shalt  }
0x49: {  	_ =	shalt  }
0x4a: {  	_ =	shalt  }
0x4b: {  	_ =	shalt  }
0x4c: {  	_ =	shalt  }
0x4d: {  	_ =	shalt  }
0x4e: {  	_ =	shalt  }
0x4f: {  	_ =	shalt  }
0x50: {  	_ =	shalt  }
0x51: {  	_ =	shalt  }
0x52: {  	_ =	shalt  }
0x53: {  	_ =	shalt  }
0x54: {  	_ =	shalt  }
0x55: {  	_ =	shalt  }
0x56: {  	_ =	shalt  }
0x57: {  	_ =	shalt  }
0x58: {  	_ =	shalt  }
0x59: {  	_ =	shalt  }
0x5a: {  	_ =	shalt  }
0x5b: {  	_ =	shalt  }
0x5c: {  	_ =	shalt  }
0x5d: {  	_ =	shalt  }
0x5e: {  	_ =	shalt  }
0x5f: {  	_ =	shalt  }
0x60: {  	_ =	shalt  }
0x61: {  	_ =	shalt  }
0x62: {  	_ =	shalt  }
0x63: {  	_ =	shalt  }
0x64: {  	_ =	shalt  }
0x65: {  	_ =	shalt  }
0x66: {  	_ =	shalt  }
0x67: {  	_ =	shalt  }
0x68: {  	_ =	shalt  }
0x69: {  	_ =	shalt  }
0x6a: {  	_ =	shalt  }
0x6b: {  	_ =	shalt  }
0x6c: {  	_ =	shalt  }
0x6d: {  	_ =	shalt  }
0x6e: {  	_ =	shalt  }
0x6f: {  	_ =	shalt  }
0x70: {  	_ =	shalt  }
0x71: {  	_ =	shalt  }
0x72: {  	_ =	shalt  }
0x73: {  	_ =	shalt  }
0x74: {  	_ =	shalt  }
0x75: {  	_ =	shalt  }
0x76: {  	_ =	shalt  }
0x77: {  	_ =	shalt  }
0x78: {  	_ =	shalt  }
0x79: {  	_ =	shalt  }
0x7a: {  	_ =	shalt  }
0x7b: {  	_ =	shalt  }
0x7c: {  	_ =	shalt  }
0x7d: {  	_ =	shalt  }
0x7e: {  	_ =	shalt  }
0x7f: {  	_ =	shalt  }
0x80: {  	_ =	shalt  }
0x81: {  	_ =	shalt  }
0x82: {  	_ =	shalt  }
0x83: {  	_ =	shalt  }
0x84: {  	_ =	shalt  }
0x85: {  	_ =	shalt  }
0x86: {  	_ =	shalt  }
0x87: {  	_ =	shalt  }
.Lfunc_end0:
.L_simem_size_0:
called_computation.4_lowered:
.L_overlay_start_0:
0x88: {  	s2 =	sld [smem:$0x3FD9]  }
0x89: {  	s3 =	sld [smem:$0x3FFE];
	_ =	sdelay $0x1  }
0x8a: {  	s1 =	srdreg.scid  }
0x8b: {  	s0 =	sand.u32 $0x1, s1  }
0x8c: {  	s17 =	sshll.u32 s0, $0xA;
	s2 =	sadd.s32 s3, s2  }
0x8d: {  	s2 =	sadd.s32 s2, s17  }
0x8e: {  	[smem:$0x3FB7] =	sst s2  }
0x8f: {  	_ = 	snop  }
0x90: {  	s2 =	sld [smem:$0x3FD0];
	(tm) =	ssettm $0x1  }
0x91: {  	s18 =	sld [smem:$0x3FFB];
	_ =	sdelay $0x3  }
0x92: {  	_ =	strace s18  }
0x93: {  	s3 =	sld [smem:$0x3FFC];
	_ =	sdelay $0x3  }
0x94: {  	_ =	strace s3  }
0x95: {  	s3 =	sld [smem:$0x3FFD];
	_ =	sdelay $0x3  }
0x96: {  	_ =	strace s3  }
0x97: {  	_ =	strace $0x8FFFFFFF  }
0x98: {  	s19 =	sld [smem:$0x3FDB];
	_ =	sdelay $0x1  }
0x99: {  	s4 =	simm.s32 $_scs_section_size  }
0x9a: {  	s5 =	simm.s32 $_size__tile_overlayer_lowered;
	s6 =	simm.s32 $_tile_overlayer_lowered  }
0x9b: {  	s22 =	simm.s32 $0x1BFF;
	s21 =	sshll.u32 s6, $0x1;
	s3 =	sadd.s32 s4, s19  }
0x9c: {  	s7 =	simm.s32 $0x0;
	s20 =	sshll.u32 s5, $0x1;
	s5 =	sadd.s32 s21, s3  }
0x9d: {  	[timem:s7], [sflag:s22] =	dma.local [hbm:s5], s20  }
0x9e: {  	_ =	swait.ge [sflag:s22], s20  }
0x9f: {  	s4 =	ssub.s32 $0x0, s20;
	[sflag:s22] =	ssyncset.done $0x0  }
0xa0: {  	[sflag:s22] =	ssyncadd.s32 s4;
	_ =	sdelay $0x1  }
0xa1: {  	s23 =	simm.s32 $0x1B8B  }
0xa2: {  	_ =	swait.ge [sflag:s23], $0x1  }
0xa3: {  	[sflag:s23] =	ssyncset.done $0x0  }
0xa4: {  	s25 =	simm.s32 $0x1B8E;
	s24 =	sld [smem:$0x3FFE];
	[sflag:s23] =	ssyncadd.s32 $0xFFFFFFFF  }
0xa5: {  	s26 =	simm.s32 $execute0_lowered;
	[smem:$0x3FD2] =	sst s25  }
0xa6: {  	s5 =	sshll.u32 s26, $0x1;
	_ =	strace $0x80000052;
	[dreg:$0x1] =	wrdreg $0xFFFFFFFF  }
0xa7: {  	s28 =	simm.s32 $_size_execute0_lowered;
	s3 =	sadd.s32 s3, s5;
	[dreg:$0x0] =	wrdreg $0x0  }
0xa8: {  	s5 =	sshll.u32 s28, $0x1;
	[dreg:$0x2] =	wrdreg s3  }
0xa9: {  	[dreg:$0x3] =	wrdreg s5  }
0xaa: {  	[dreg:$0x4] =	wrdreg $0xC0  }
0xab: {  	_ =	task [dreg:s7], $0x5FFFF  }
0xac: {  	[dreg:$0x1] =	wrdreg $0xFFFFFFFF  }
0xad: {  	[dreg:$0x0] =	wrdreg $0x60  }
0xae: {  	[dreg:$0x2] =	wrdreg s2  }
0xaf: {  	[dreg:$0x3] =	wrdreg s24  }
0xb0: {  	[dreg:$0x4] =	wrdreg $0x68000  }
0xb1: {  	[dreg:$0x5] =	wrdreg $0x106000  }
0xb2: {  	[dreg:$0x6] =	wrdreg $0x9  }
0xb3: {  	_ =	task.clear_ibuf [dreg:s7], $0x7FFFF;
	_ =	strace $0x90000052  }
0xb4: {  	s29 =	simm.s32 $0x9;
	_ =	strace $0x80000054  }
0xb5: {  	_ =	swait.ge [sflag:s29], $0x1  }
0xb6: {  	[sflag:s29] =	ssyncadd.s32 $0xFFFFFFFF  }
0xb7: {  	_ =	strace $0x90000054  }
0xb8: {  	_ =	sfence  }
0xb9: {  	s30 =	sld [smem:$0x0];
	_ =	sdelay $0x2  }
0xba: {  	s31 =	sshll.u32 s1, $0xD;
	s1 =	sshrl.u32 s1, $0x2  }
0xbb: {  	s3 =	sand.u32 $0x4000, s31;
	s1 =	sadd.s32 s1, s30  }
0xbc: {  	s0 =	sor.u32 s3, s0;
	s1 =	sshll.u32 s1, $0x11  }
0xbd: {  	s0 =	sor.u32 s1, s0  }
0xbe: {  	s0 =	sadd.s32 $0x8F2B, s0  }
0xbf: {  	[sflag:s0] =	ssyncadd.remote.s32 $0x1  }
0xc0: {  	_ =	sfence.sel $0xFFFF  }
0xc1: {  	[dreg:$0x0] =	wrdreg $0xFFFFFFFF;
	(pc) =	sbr.abs _section_cstart, $3  }
0xc2: {  	[dreg:$0x1] =	wrdreg $0xFFFFFFFF  }
0xc3: {  	_ =	task.clear_ibuf [dreg:s7], $0x2FFFF;
	_ =	strace $0x9FFFFFFF  }
0xc4: {  	(tm) =	ssettm $0x7FFFFFFF  }
0xc5: {  	_ =	shalt  }
tec
execute0_lowered:
.L_overlay_start_1:
0x0: {  	(tag) =	ssettag $0x1  }
0x1: {  	s8 =	rddreg [dreg:$0x0]  }
0x2: {  	s6 =	rddreg [dreg:$0x1]  }
0x3: {  	s1 =	srdreg.scid;
	s2 =	rddreg [dreg:$0x2]  }
0x4: {  	s0 =	stileid.u32;
	s3 =	rddreg [dreg:$0x3]  }
0x5: {  	s4 =	simm.s32 $0x0;
	s16 =	simm.s32 $0x80;
	s17 =	simm.s32 $0x2800  }
0x6: {  	s18 =	simm.s32 $0x4800;
	s19 =	simm.s32 $0x1;
	s20 =	simm.s32 $0x2  }
0x7: {  	s21 =	simm.s32 $0x2600;
	s22 =	simm.s32 $0x1300;
	s23 =	simm.s32 $0x2680  }
0x8: {  	s24 =	simm.s32 $0x1380;
	s25 =	simm.s32 $0x2700;
	s26 =	simm.s32 $0x2780  }
0x9: {  	s28 =	simm.s32 $0x0;
	s5 =	sand.u32 $0x1, s1;
	s29 =	sshll.u32 s0, $0x1  }
0xa: {  	s9 =	smul.u32 $0x9E00, s0;
	[smem:$0x7FF] =	sst s4;
	s31 =	sshll.u32 s0, $0x6  }
0xb: {  	s1 =	sor.u32 s5, s29;
	s10 =	smul.u32 $0x9E000, s5;
	s5 =	ssub.s32 $0x2, s5  }
0xc: {  	s7 =	smul.u32 $0x280, s1;
	s1 =	rddreg [dreg:$0x4];
	_ =	strace $0x80000053  }
0xd: {  	s11 =	sshrl.u32 s9, $0x3;
	s30 =	sshrl.u32 s5, $0x1;
	s14 =	sadd.s32 s9, s2  }
0xe: {  	s15 =	sadd.s32 s9, s3;
	s10 =	sadd.s32 s9, s10;
	s12 =	sadd.s32 s11, s6  }
0xf: {  	s13 =	ssub.s32 s5, s30;
	s8 =	sadd.s32 s8, s11;
	s11 =	simm.s32 $0x3  }
0x10: {  	s14 =	sshrl.u32 s14, $0x3;
	s7 =	sadd.s32 s7, s6;
	s10 =	sshrl.u32 s10, $0x3  }
0x11: {  	s15 =	sshrl.u32 s15, $0x3;
	s10 =	sadd.s32 s10, s6;
	s5 =	sadd.s32 $0x2AE00, s7  }
0x12: {  	s6 =	sadd.s32 $0x3200, s7;
	s7 =	sadd.s32 $0x2FE00, s12;
	s12 =	simm.s32 $0x1400  }
0x13: {  	s9 =	sadd.s32 $0x43A00, s10;
	s10 =	smax.u32 s13, $0x1;
	s13 =	sor.u32 $0x1C03, s31  }
.LBB2_1:
0x14: {  	[tilespmem:s4], [sflag:$0x3] =	stream.linear.gather [hbm4b:s5+s4], $0x1400, $0x38;
	[tilespmem:$0x1A400] =	vst v63  }
0x15: {  	_ =	swait.ge [sflag:s11], $0x1400  }
0x16: {  	[sflag:s11] =	ssyncset.done $0x0  }
0x17: {  	[sflag:s11] =	ssyncadd.s32 $0xFFFFEC00  }
0x18: {  	[tilespmem:s12], [sflag:$0x3] =	stream.linear.gather [hbm4b:s6+s4], $0x1400, $0x38;
	[tilespmem:$0x1A400] =	vst v63  }
0x19: {  	_ =	swait.ge [sflag:s11], $0x1400  }
0x1a: {  	[sflag:s11] =	ssyncset.done $0x0  }
0x1b: {  	[sflag:s11] =	ssyncadd.s32 $0xFFFFEC00  }
0x1c: {  	[spmem:s14], [sflag:s13] =	dma.local [hbm:s7], $0x13C0  }
0x1d: {  	_ =	swait.ge [sflag:s11], $0x13C0  }
0x1e: {  	[sflag:s11] =	ssyncset.done $0x0  }
0x1f: {  	[sflag:s11] =	ssyncadd.s32 $0xFFFFEC40  }
0x20: {  	[spmem:s15], [sflag:s13] =	dma.local [hbm:s8], $0x13C0  }
0x21: {  	_ =	swait.ge [sflag:s11], $0x13C0  }
0x22: {  	[sflag:s11] =	ssyncset.done $0x0  }
0x23: {  	[sflag:s11] =	ssyncadd.s32 $0xFFFFEC40  }
0x24: {  	[bflag:$0x0] =	sbarrier.arrive $0xFFFF  }
0x25: {  	[tilespmem:s17], [sflag:$0x1] =	stream.indirect.gather [spmem:s3], $0x40, s4, s16, $0xb8;
	[tilespmem:$0x1A400] =	vst v63  }
0x26: {  	_ = 	snop  }
0x27: {  	[tilespmem:s18], [sflag:$0x2] =	stream.indirect.gather [spmem:s3], $0x40, s16, s16, $0xb8;
	[tilespmem:$0x1A400] =	vst v63  }
0x28: {  	_ =	swait.ge [sflag:s19], $0x2000  }
0x29: {  	[sflag:s19] =	ssyncset.done $0x0  }
0x2a: {  	s29 =	simm.s32 $0x1400;
	[sflag:s19] =	ssyncadd.s32 $0xFFFFE000  }
0x2b: {  	[spmem:s2] =	stream.indirect.scatter.add.f32 [tilespmem:s17], [sflag:$0x3], $0x40, s29, s16, $0xb8;
	[tilespmem:$0x1A400] =	vst v63  }
0x2c: {  	_ =	swait.ge [sflag:s11], $0x2000  }
0x2d: {  	[sflag:s11] =	ssyncset.done $0x0  }
0x2e: {  	s29 =	simm.s32 $0x100;
	[sflag:s11] =	ssyncadd.s32 $0xFFFFE000  }
0x2f: {  	[tilespmem:s17], [sflag:$0x1] =	stream.indirect.gather [spmem:s3], $0x40, s29, s16, $0xb8;
	[tilespmem:$0x1A400] =	vst v63  }
0x30: {  	_ =	swait.ge [sflag:s20], $0x2000  }
0x31: {  	[sflag:s20] =	ssyncset.done $0x0  }
0x32: {  	s29 =	simm.s32 $0x1480;
	[sflag:s20] =	ssyncadd.s32 $0xFFFFE000  }
0x33: {  	[spmem:s2] =	stream.indirect.scatter.add.f32 [tilespmem:s18], [sflag:$0x3], $0x40, s29, s16, $0xb8;
	[tilespmem:$0x1A400] =	vst v63  }
0x34: {  	_ =	swait.ge [sflag:s11], $0x2000  }
0x35: {  	[sflag:s11] =	ssyncset.done $0x0  }
0x36: {  	s30 =	simm.s32 $0x180;
	s29 =	simm.s32 $0x400;
	[sflag:s11] =	ssyncadd.s32 $0xFFFFE000  }
.LBB2_2:
0x37: {  	[tilespmem:s18], [sflag:$0x2] =	stream.indirect.gather [spmem:s3], $0x40, s30, s16, $0xb8;
	[tilespmem:$0x1A400] =	vst v63  }
0x38: {  	s30 =	smov.u32 s29  }
0x39: {  	p0 =	sne.s32 s29, $0x4400;
	s29 =	sadd.s32 $0x400, s29;
	_ =	swait.ge [sflag:s19], $0x2000  }
0x3a: {  	s30 =	sshra.s32 s30, $0x2;
	[sflag:s19] =	ssyncset.done $0x0  }
0x3b: {  	s31 =	sadd.s32 $0x1400, s30;
	[sflag:s19] =	ssyncadd.s32 $0xFFFFE000  }
0x3c: {  	[spmem:s2] =	stream.indirect.scatter.add.f32 [tilespmem:s17], [sflag:$0x3], $0x40, s31, s16, $0xb8;
	[tilespmem:$0x1A400] =	vst v63  }
0x3d: {  	_ =	swait.ge [sflag:s11], $0x2000  }
0x3e: {  	[sflag:s11] =	ssyncset.done $0x0  }
0x3f: {  	s31 =	sadd.s32 $0x100, s30;
	[sflag:s11] =	ssyncadd.s32 $0xFFFFE000  }
0x40: {  	[tilespmem:s17], [sflag:$0x1] =	stream.indirect.gather [spmem:s3], $0x40, s31, s16, $0xb8;
	[tilespmem:$0x1A400] =	vst v63  }
0x41: {  	_ =	swait.ge [sflag:s20], $0x2000  }
0x42: {  	[sflag:s20] =	ssyncset.done $0x0  }
.Ltmp0:
0x43: {  	s31 =	sadd.s32 $0x1480, s30;
	[sflag:s20] =	ssyncadd.s32 $0xFFFFE000;
	(pc) =	sbr.rel @p0 .LBB2_2-.Ltmp0, $4  }
0x44: {  	[spmem:s2] =	stream.indirect.scatter.add.f32 [tilespmem:s18], [sflag:$0x3], $0x40, s31, s16, $0xb8;
	[tilespmem:$0x1A400] =	vst v63  }
0x45: {  	_ =	swait.ge [sflag:s11], $0x2000  }
0x46: {  	[sflag:s11] =	ssyncset.done $0x0  }
0x47: {  	s30 =	sadd.s32 $0x180, s30;
	[sflag:s11] =	ssyncadd.s32 $0xFFFFE000  }
0x48: {  	[tilespmem:s18], [sflag:$0x2] =	stream.indirect.gather [spmem:s3], $0x40, s30, s16, $0xb8;
	[tilespmem:$0x1A400] =	vst v63  }
0x49: {  	_ =	swait.ge [sflag:s19], $0x2000  }
0x4a: {  	[sflag:s19] =	ssyncset.done $0x0  }
0x4b: {  	[sflag:s19] =	ssyncadd.s32 $0xFFFFE000  }
0x4c: {  	[spmem:s2] =	stream.indirect.scatter.add.f32 [tilespmem:s17], [sflag:$0x3], $0x40, s21, s16, $0xb8;
	[tilespmem:$0x1A400] =	vst v63  }
0x4d: {  	_ =	swait.ge [sflag:s11], $0x2000  }
0x4e: {  	[sflag:s11] =	ssyncset.done $0x0  }
0x4f: {  	[sflag:s11] =	ssyncadd.s32 $0xFFFFE000  }
0x50: {  	[tilespmem:s17], [sflag:$0x1] =	stream.indirect.gather [spmem:s3], $0x40, s22, s16, $0xb8;
	[tilespmem:$0x1A400] =	vst v63  }
0x51: {  	_ =	swait.ge [sflag:s20], $0x2000  }
0x52: {  	[sflag:s20] =	ssyncset.done $0x0  }
0x53: {  	[sflag:s20] =	ssyncadd.s32 $0xFFFFE000  }
0x54: {  	[spmem:s2] =	stream.indirect.scatter.add.f32 [tilespmem:s18], [sflag:$0x3], $0x40, s23, s16, $0xb8;
	[tilespmem:$0x1A400] =	vst v63  }
0x55: {  	_ =	swait.ge [sflag:s11], $0x2000  }
0x56: {  	[sflag:s11] =	ssyncset.done $0x0  }
0x57: {  	[sflag:s11] =	ssyncadd.s32 $0xFFFFE000  }
0x58: {  	[tilespmem:s18], [sflag:$0x2] =	stream.indirect.gather [spmem:s3], $0x40, s24, s16, $0xb8;
	[tilespmem:$0x1A400] =	vst v63  }
0x59: {  	_ =	swait.ge [sflag:s19], $0x2000  }
0x5a: {  	[sflag:s19] =	ssyncset.done $0x0  }
0x5b: {  	[sflag:s19] =	ssyncadd.s32 $0xFFFFE000  }
0x5c: {  	[spmem:s2] =	stream.indirect.scatter.add.f32 [tilespmem:s17], [sflag:$0x3], $0x40, s25, s16, $0xb8;
	[tilespmem:$0x1A400] =	vst v63  }
0x5d: {  	_ =	swait.ge [sflag:s11], $0x2000  }
0x5e: {  	[sflag:s11] =	ssyncset.done $0x0  }
0x5f: {  	[sflag:s11] =	ssyncadd.s32 $0xFFFFE000  }
0x60: {  	[tilespmem:s17], [sflag:$0x1] =	stream.indirect.gather [spmem:s3], $0x40, s24, s16, $0xb8;
	[tilespmem:$0x1A400] =	vst v63  }
0x61: {  	_ =	swait.ge [sflag:s20], $0x2000  }
0x62: {  	[sflag:s20] =	ssyncset.done $0x0  }
0x63: {  	[sflag:s20] =	ssyncadd.s32 $0xFFFFE000  }
0x64: {  	[spmem:s2] =	stream.indirect.scatter.add.f32 [tilespmem:s18], [sflag:$0x3], $0x40, s26, s16, $0xb8;
	[tilespmem:$0x1A400] =	vst v63  }
0x65: {  	_ =	swait.ge [sflag:s11], $0x2000  }
0x66: {  	[sflag:s11] =	ssyncset.done $0x0  }
0x67: {  	[sflag:s11] =	ssyncadd.s32 $0xFFFFE000  }
0x68: {  	[tilespmem:s18], [sflag:$0x2] =	stream.indirect.gather [spmem:s3], $0x40, s24, s16, $0xb8;
	[tilespmem:$0x1A400] =	vst v63  }
0x69: {  	_ =	swait.ge [sflag:s19], $0x2000  }
0x6a: {  	[sflag:s19] =	ssyncset.done $0x0  }
0x6b: {  	[sflag:s19] =	ssyncadd.s32 $0xFFFFE000  }
0x6c: {  	_ =	swait.ge [sflag:s20], $0x2000  }
0x6d: {  	s28 =	sadd.s32 $0x1, s28;
	[sflag:s20] =	ssyncset.done $0x0  }
0x6e: {  	p0 =	sne.s32 s28, s10;
	[sflag:s20] =	ssyncadd.s32 $0xFFFFE000  }
.Ltmp1:
0x6f: {  	[bflag:$0x0] =	sbarrier.arrive $0xFFFF;
	(pc) =	sbr.rel @p0 .LBB2_1-.Ltmp1, $4  }
0x70: {  	[hbm:s9], [sflag:s13] =	dma.local [spmem:s14], $0x13C0  }
0x71: {  	_ =	swait.ge [sflag:s11], $0x13C0  }
0x72: {  	[sflag:s11] =	ssyncset.done $0x0  }
0x73: {  	[sflag:s11] =	ssyncadd.s32 $0xFFFFEC40  }
0x74: {  	_ =	sfence.sel $0x180000  }
0x75: {  	[bflag:$0x0] =	sbarrier.arrive $0xFFFF  }
0x76: {  	p0 =	sne.s32 s0, $0x0;
	_ =	strace $0x90000053  }
0x77: {  	s0 =	sadd.s32 @!p0 $0x100000, s1;
	[bflag:$0x2] =	sbarrier.arrive $0xFFFF  }
0x78: {  	[sflag:s0] =	ssyncadd.tile.s32 @!p0 $0x1;
	_ =	shalt  }
.Lfunc_end2:
_tile_overlayer_lowered:
.L_overlay_start_2:
0x79: {  	(tag) =	ssettag $0x2  }
0x7a: {  	s0 =	rddreg [dreg:$0x0];
	s2 =	stileid.u32  }
0x7b: {  	s1 =	rddreg [dreg:$0x1];
	p0 =	sne.s32 s2, $0x0  }
0x7c: {  	s3 =	rddreg [dreg:$0x2];
	[bflag:$0x3] =	sbarrier.arrive $0xFFFF;
	s2 =	simm.s32 @!p0 $0x1C03  }
0x7d: {  	[timem:s3], [sflag:s2] =	dma.local @!p0 [hbm:s0], s1  }
0x7e: {  	s0 =	simm.s32 @!p0 $0x3  }
0x7f: {  	_ =	swait.ge @!p0 [sflag:s0], s1  }
0x80: {  	s1 =	ssub.s32 @!p0 $0x0, s1;
	[sflag:s0] =	ssyncset.done @!p0 $0x0  }
0x81: {  	[sflag:s0] =	ssyncadd.s32 @!p0 s1  }
0x82: {  	[bflag:$0x3] =	sbarrier.arrive $0xFFFF  }
0x83: {  	_ =	shalt  }

</sc_bundles>
